<compile_context>
chip_gen: v7x
topology: tpu7x:2x2x1
jax: 0.10.2.dev20260603
libtpu: 0.0.44.dev20260713+nightly
codegen_flags: <defaults>
</compile_context>

<pallas_src>
import functools

import jax
import jax.numpy as jnp
import numpy as np
from jax import lax
from jax.experimental import pallas as pl
from jax.experimental.pallas import tpu as pltpu
from jax.experimental.pallas import tpu_sc as plsc

H = W = 512
HW = H * W
NSEL = 16
NB = 2048
LO = -0.25
HI = 1.25
WBIN = (HI - LO) / NB
INVW = 1.0 / WBIN
CHUNK = 8192
NCHUNK = HW // CHUNK
ROWS = 128

_K = 8



def _rgb2ycbcr_body(xb, ob):
    r = xb[0, 0]
    g = xb[0, 1]
    b = xb[0, 2]
    y = 0.299 * r + 0.587 * g + 0.114 * b
    ob[0, 0] = y
    ob[0, 1] = (b - y) * 0.564 + 0.5
    ob[0, 2] = (r - y) * 0.713 + 0.5


_rgb2ycbcr = pl.pallas_call(
    _rgb2ycbcr_body,
    grid=(NSEL, H // ROWS),
    in_specs=[pl.BlockSpec((1, 3, ROWS, W), lambda i, j: (i, 0, j, 0))],
    out_specs=pl.BlockSpec((1, 3, ROWS, W), lambda i, j: (i, 0, j, 0)),
    out_shape=jax.ShapeDtypeStruct((NSEL, 3, H, W), jnp.float32),
)



def _recon_body(yb, cbcrb, ob):
    y = yb[0, 0]
    cb = cbcrb[0, 0] - 0.5
    cr = cbcrb[0, 1] - 0.5
    ob[0, 0] = y + 1.403 * cr
    ob[0, 1] = y - 0.714 * cr - 0.344 * cb
    ob[0, 2] = y + 1.773 * cb


_recon = pl.pallas_call(
    _recon_body,
    grid=(NSEL, H // ROWS),
    in_specs=[
        pl.BlockSpec((1, 1, ROWS, W), lambda i, j: (i, 0, j, 0)),
        pl.BlockSpec((1, 2, ROWS, W), lambda i, j: (i, 0, j, 0)),
    ],
    out_specs=pl.BlockSpec((1, 3, ROWS, W), lambda i, j: (i, 0, j, 0)),
    out_shape=jax.ShapeDtypeStruct((NSEL, 3, H, W), jnp.float32),
)



def _sc_body(ycbcr, cbcr_out, hists, ibuf0, ibuf1, obuf0, obuf1, hist_lanes,
             hist_own, hist_ref, cum_img, cum_ref, lut, semi0, semi1, semo0,
             semo1):
    c = lax.axis_index("c")
    s = lax.axis_index("s")
    k_img = (s // 2) * 2 + c
    chan = s % 2
    k_ref = (k_img + 8) % 16
    row = k_img * 2 + chan
    prow = k_ref * 2 + chan

    lane = lax.iota(jnp.int32, 16)
    lane_off = lane * NB
    ones = jnp.full((16,), 1.0, jnp.float32)
    zeros = jnp.zeros((16,), jnp.float32)
    in_base = (k_img * 3 + 1 + chan) * HW
    out_base = (k_img * 2 + chan) * HW

    def src_at(ci):
        return ycbcr.at[pl.ds(in_base + ci * CHUNK, CHUNK)]

    def dst_at(ci):
        return cbcr_out.at[pl.ds(out_base + ci * CHUNK, CHUNK)]

    @plsc.parallel_loop(0, NB, unroll=8)
    def _zero_body(i):
        hist_lanes[pl.ds(i * 16, 16)] = zeros

    def hist_vecs(bref):
        @plsc.parallel_loop(0, CHUNK // 16, unroll=8)
        def _hist_vec(j):
            v = bref[pl.ds(j * 16, 16)]
            t = jnp.clip((v - LO) * INVW, 0.0, NB - 1)
            b = t.astype(jnp.int32)
            plsc.addupdate_scatter(hist_lanes, [lane_off + b], ones)

    pltpu.async_copy(src_at(0), ibuf0, semi0)

    def hist_chunk2(i, _):
        ci0 = 2 * i
        ci1 = ci0 + 1
        pltpu.make_async_copy(src_at(ci0), ibuf0, semi0).wait()
        pltpu.async_copy(src_at(ci1), ibuf1, semi1)
        hist_vecs(ibuf0)
        pltpu.make_async_copy(src_at(ci1), ibuf1, semi1).wait()

        @pl.when(ci1 + 1 < NCHUNK)
        def _start_next():
            pltpu.async_copy(src_at(ci1 + 1), ibuf0, semi0)

        hist_vecs(ibuf1)
        return _

    lax.fori_loop(0, NCHUNK // 2, hist_chunk2, None)

    @plsc.parallel_loop(0, NB // 16, unroll=4)
    def _red_body(m):
        acc = zeros
        for l in range(16):
            acc = acc + hist_lanes[pl.ds(l * NB + m * 16, 16)]
        hist_own[pl.ds(m * 16, 16)] = acc
    pltpu.sync_copy(hist_own, hists.at[pl.ds(row * NB, NB)])

    plsc.subcore_barrier()
    pltpu.sync_copy(hists.at[pl.ds(prow * NB, NB)], hist_ref)

    def make_cumsum(src, dst):
        def cs_body(m, carry):
            v = src[pl.ds(m * 16, 16)]
            cs = plsc.cumsum(v)
            dst[pl.ds(m * 16, 16)] = cs - v + carry
            return carry + jnp.sum(v)

        total = lax.fori_loop(0, NB // 16, cs_body, jnp.float32(0.0))
        dst[pl.ds(NB, 16)] = zeros + total

    make_cumsum(hist_own, cum_img)
    make_cumsum(hist_ref, cum_ref)

    def lut_body(m, _):
        r = cum_img[pl.ds(m * 16, 16)]
        j = jnp.zeros((16,), jnp.int32)
        st = NB // 2
        while st >= 1:
            cand = j + st
            cv = plsc.load_gather(cum_ref, [cand])
            j = jnp.where((cand <= NB - 1) & (cv <= r), cand, j)
            st //= 2
        c0 = plsc.load_gather(cum_ref, [j])
        c1 = plsc.load_gather(cum_ref, [j + 1])
        cnt = jnp.maximum(c1 - c0, 1.0)
        frac = jnp.clip((r - c0) / cnt, 0.0, 1.0)
        lut[pl.ds(m * 16, 16)] = LO + (j.astype(jnp.float32) + frac) * WBIN
        return _

    lax.fori_loop(0, (NB + 16) // 16, lut_body, None)

    def apply_vecs(bin_ref, bout_ref):
        @plsc.parallel_loop(0, CHUNK // 16, unroll=8)
        def _apply_vec(j):
            v = bin_ref[pl.ds(j * 16, 16)]
            t = jnp.clip((v - LO) * INVW, 0.0, NB - 1)
            b = t.astype(jnp.int32)
            f = jnp.clip(t - b.astype(jnp.float32), 0.0, 1.0)
            l0 = plsc.load_gather(lut, [b])
            l1 = plsc.load_gather(lut, [b + 1])
            bout_ref[pl.ds(j * 16, 16)] = l0 + f * (l1 - l0)

    pltpu.async_copy(src_at(0), ibuf0, semi0)

    def apply_chunk2(i, _):
        ci0 = 2 * i
        ci1 = ci0 + 1
        pltpu.make_async_copy(src_at(ci0), ibuf0, semi0).wait()
        pltpu.async_copy(src_at(ci1), ibuf1, semi1)

        @pl.when(i > 0)
        def _wait_o0():
            pltpu.make_async_copy(obuf0, dst_at(ci0 - 2), semo0).wait()

        apply_vecs(ibuf0, obuf0)
        pltpu.async_copy(obuf0, dst_at(ci0), semo0)
        pltpu.make_async_copy(src_at(ci1), ibuf1, semi1).wait()

        @pl.when(ci1 + 1 < NCHUNK)
        def _start_next():
            pltpu.async_copy(src_at(ci1 + 1), ibuf0, semi0)

        @pl.when(i > 0)
        def _wait_o1():
            pltpu.make_async_copy(obuf1, dst_at(ci1 - 2), semo1).wait()

        apply_vecs(ibuf1, obuf1)
        pltpu.async_copy(obuf1, dst_at(ci1), semo1)
        return _

    lax.fori_loop(0, NCHUNK // 2, apply_chunk2, None)
    pltpu.make_async_copy(obuf0, dst_at(NCHUNK - 2), semo0).wait()
    pltpu.make_async_copy(obuf1, dst_at(NCHUNK - 1), semo1).wait()


_sc_match = functools.partial(
    pl.kernel,
    out_type=(
        jax.ShapeDtypeStruct((NSEL * 2 * HW,), jnp.float32),
        jax.ShapeDtypeStruct((NSEL * 2 * NB,), jnp.float32),
    ),
    mesh=plsc.VectorSubcoreMesh(core_axis_name="c", subcore_axis_name="s"),
    compiler_params=pltpu.CompilerParams(needs_layout_passes=False),
    scratch_types=[
        pltpu.VMEM((CHUNK,), jnp.float32),
        pltpu.VMEM((CHUNK,), jnp.float32),
        pltpu.VMEM((CHUNK,), jnp.float32),
        pltpu.VMEM((CHUNK,), jnp.float32),
        pltpu.VMEM((16 * NB,), jnp.float32),
        pltpu.VMEM((NB,), jnp.float32),
        pltpu.VMEM((NB,), jnp.float32),
        pltpu.VMEM((NB + 16,), jnp.float32),
        pltpu.VMEM((NB + 16,), jnp.float32),
        pltpu.VMEM((NB + 16,), jnp.float32),
        pltpu.SemaphoreType.DMA,
        pltpu.SemaphoreType.DMA,
        pltpu.SemaphoreType.DMA,
        pltpu.SemaphoreType.DMA,
    ],
)(_sc_body)


def kernel(x):
    perm = jax.random.permutation(jax.random.key(1), x.shape[0])
    sel = jnp.concatenate([perm[:_K], perm[-_K:]])
    xs = x[sel]
    ycbcr = _rgb2ycbcr(xs)
    cbcr_flat, _ = _sc_match(ycbcr.reshape(-1))
    cbcr = cbcr_flat.reshape(NSEL, 2, H, W)
    rgb_new = _recon(ycbcr, cbcr)
    return x.at[sel].set(rgb_new)

# --- scband reference (transcript-rebuilt; emitter-appended) ---
"""Pipeline reference for scband-color-swap-80917183856948 (READ-ONLY COPY).

The authoritative reference and input builder live on the scoring server;
editing this copy changes nothing except your own understanding.
"""

import jax, jax.numpy as jnp
import numpy as np

P = 0.5


def rgb_to_ycbcr(img):
    # img: [3, H, W] in RGB
    r, g, b = img[0], img[1], img[2]
    y = 0.299 * r + 0.587 * g + 0.114 * b
    cb = (b - y) * 0.564 + 0.5
    cr = (r - y) * 0.713 + 0.5
    return jnp.stack([y, cb, cr], axis=0)


def ycbcr_to_rgb(img):
    # img: [3, H, W] in YCbCr
    y, cb, cr = img[0], img[1], img[2]
    r = y + 1.403 * (cr - 0.5)
    g = y - 0.714 * (cr - 0.5) - 0.344 * (cb - 0.5)
    b = y + 1.773 * (cb - 0.5)
    return jnp.stack([r, g, b], axis=0)


def sliced_da(img, ref, dims=(1, 2)):
    # img, ref: [3, H, W]
    shape = img.shape
    img_y = rgb_to_ycbcr(img).reshape(3, -1)
    ref_y = rgb_to_ycbcr(ref).reshape(3, -1)
    for i in dims:
        idxs = jnp.argsort(img_y[i])
        vals = jnp.sort(ref_y[i])
        img_y = img_y.at[i, idxs].set(vals)
    return ycbcr_to_rgb(img_y.reshape(shape))


def setup_inputs(seed: int = 0) -> dict:
    key = jax.random.key(seed)
    x = jax.random.uniform(key, (32, 3, 512, 512), dtype=jnp.float32)
    return {"x": x}


def reference(x):
    n = x.shape[0]
    # deterministic stand-in for torch.randperm
    perm = jax.random.permutation(jax.random.key(1), n)
    k = int(P / 2 * n)
    i1s = perm[:k]
    i2s = perm[-k:]

    def pair_fn(a, b):
        return sliced_da(a, b), sliced_da(b, a)

    x1 = x[i1s]
    x2 = x[i2s]
    x12, x21 = jax.vmap(pair_fn)(x1, x2)
    x = x.at[i1s].set(x12)
    x = x.at[i2s].set(x21)
    return x

if __name__ == "__main__":
    import jax
    _d = setup_inputs()
    print(jax.jit(kernel)(*tuple(_d.values())))

</pallas_src>

<mosaic_0001>
#map = affine_map<(d0, d1) -> (0)>
module attributes {stable_mosaic.version = 14 : i64} {
  func.func @_sc_body(%arg0: i32, %arg1: i32, %arg2: memref<12582912xf32, #tpu.memory_space<hbm>>, %arg3: memref<8388608xf32, #tpu.memory_space<hbm>>, %arg4: memref<65536xf32, #tpu.memory_space<hbm>>, %arg5: memref<8192xf32, #tpu.memory_space<vmem>>, %arg6: memref<8192xf32, #tpu.memory_space<vmem>>, %arg7: memref<8192xf32, #tpu.memory_space<vmem>>, %arg8: memref<8192xf32, #tpu.memory_space<vmem>>, %arg9: memref<32768xf32, #tpu.memory_space<vmem>>, %arg10: memref<2048xf32, #tpu.memory_space<vmem>>, %arg11: memref<2048xf32, #tpu.memory_space<vmem>>, %arg12: memref<2064xf32, #tpu.memory_space<vmem>>, %arg13: memref<2064xf32, #tpu.memory_space<vmem>>, %arg14: memref<2064xf32, #tpu.memory_space<vmem>>, %arg15: memref<!tpu.dma_semaphore, #tpu.memory_space<semaphore_mem>>, %arg16: memref<!tpu.dma_semaphore, #tpu.memory_space<semaphore_mem>>, %arg17: memref<!tpu.dma_semaphore, #tpu.memory_space<semaphore_mem>>, %arg18: memref<!tpu.dma_semaphore, #tpu.memory_space<semaphore_mem>>) attributes {dimension_semantics = [#tpu.dimension_semantics<core_parallel>, #tpu.dimension_semantics<subcore_parallel>], iteration_bounds = array<i64: 2, 16>, scalar_prefetch = 0 : i64, scratch_operands = 14 : i64, tpu.core_type = #tpu.core_type<sc_vector_subcore>, window_params = [{transform_indices = #map}, {transform_indices = #map}, {transform_indices = #map}]} {
    %jit3A = arith.constant 2 : i32
    %div3A = arith.divsi %arg1, %jit3A : i32
    %sign3A = arith.constant 0 : i32
    %sign3A_0 = arith.cmpi sgt, %arg1, %sign3A : i32
    %sign3A_1 = arith.extui %sign3A_0 : i1 to i32
    %sign3A_2 = arith.constant 0 : i32
    %sign3A_3 = arith.cmpi slt, %arg1, %sign3A_2 : i32
    %sign3A_4 = arith.extui %sign3A_3 : i1 to i32
    %sign3A_5 = arith.subi %sign3A_1, %sign3A_4 : i32
    %sign3A_6 = arith.constant 0 : i32
    %sign3A_7 = arith.cmpi sgt, %jit3A, %sign3A_6 : i32
    %sign3A_8 = arith.extui %sign3A_7 : i1 to i32
    %sign3A_9 = arith.constant 0 : i32
    %sign3A_10 = arith.cmpi slt, %jit3A, %sign3A_9 : i32
    %sign3A_11 = arith.extui %sign3A_10 : i1 to i32
    %sign3A_12 = arith.subi %sign3A_8, %sign3A_11 : i32
    %ne3A = arith.cmpi ne, %sign3A_5, %sign3A_12 : i32
    %rem3A = arith.remsi %arg1, %jit3A : i32
    %ne3A_13 = arith.constant 0 : i32
    %ne3A_14 = arith.cmpi ne, %rem3A, %ne3A_13 : i32
    %and3A = arith.andi %ne3A, %ne3A_14 : i1
    %sub3A = arith.constant 1 : i32
    %sub3A_15 = arith.subi %div3A, %sub3A : i32
    %select_n3A = arith.select %and3A, %sub3A_15, %div3A : i32
    %mul3A = arith.constant 2 : i32
    %mul3A_16 = arith.muli %select_n3A, %mul3A : i32
    %add3A = arith.addi %mul3A_16, %arg0 : i32
    %jit3A_17 = arith.constant 2 : i32
    %eq3A = arith.constant 0 : i32
    %eq3A_18 = arith.cmpi eq, %jit3A_17, %eq3A : i32
    %jit3A_19 = arith.constant 1 : i32
    %select_n3A_20 = arith.select %eq3A_18, %jit3A_19, %jit3A_17 : i32
    %rem3A_21 = arith.remsi %arg1, %select_n3A_20 : i32
    %ne3A_22 = arith.constant 0 : i32
    %ne3A_23 = arith.cmpi ne, %rem3A_21, %ne3A_22 : i32
    %lt3A = arith.constant 0 : i32
    %lt3A_24 = arith.cmpi slt, %rem3A_21, %lt3A : i32
    %lt3A_25 = arith.constant 0 : i32
    %lt3A_26 = arith.cmpi slt, %select_n3A_20, %lt3A_25 : i32
    %ne3A_27 = arith.xori %lt3A_24, %lt3A_26 : i1
    %and3A_28 = arith.andi %ne3A_27, %ne3A_23 : i1
    %add3A_29 = arith.addi %rem3A_21, %select_n3A_20 : i32
    %select_n3A_30 = arith.select %and3A_28, %add3A_29, %rem3A_21 : i32
    %add3A_31 = arith.constant 8 : i32
    %add3A_32 = arith.addi %add3A, %add3A_31 : i32
    %jit3A_33 = arith.constant 16 : i32
    %eq3A_34 = arith.constant 0 : i32
    %eq3A_35 = arith.cmpi eq, %jit3A_33, %eq3A_34 : i32
    %jit3A_36 = arith.constant 1 : i32
    %select_n3A_37 = arith.select %eq3A_35, %jit3A_36, %jit3A_33 : i32
    %rem3A_38 = arith.remsi %add3A_32, %select_n3A_37 : i32
    %ne3A_39 = arith.constant 0 : i32
    %ne3A_40 = arith.cmpi ne, %rem3A_38, %ne3A_39 : i32
    %lt3A_41 = arith.constant 0 : i32
    %lt3A_42 = arith.cmpi slt, %rem3A_38, %lt3A_41 : i32
    %lt3A_43 = arith.constant 0 : i32
    %lt3A_44 = arith.cmpi slt, %select_n3A_37, %lt3A_43 : i32
    %ne3A_45 = arith.xori %lt3A_42, %lt3A_44 : i1
    %and3A_46 = arith.andi %ne3A_45, %ne3A_40 : i1
    %add3A_47 = arith.addi %rem3A_38, %select_n3A_37 : i32
    %select_n3A_48 = arith.select %and3A_46, %add3A_47, %rem3A_38 : i32
    %mul3A_49 = arith.constant 2 : i32
    %mul3A_50 = arith.muli %add3A, %mul3A_49 : i32
    %add3A_51 = arith.addi %mul3A_50, %select_n3A_30 : i32
    %mul3A_52 = arith.constant 2 : i32
    %mul3A_53 = arith.muli %select_n3A_48, %mul3A_52 : i32
    %add3A_54 = arith.addi %mul3A_53, %select_n3A_30 : i32
    %iota3A = tpu.iota {dimensions = array<i32: 0>} : vector<16xi32>
    %mul3A_55 = arith.constant 2048 : i32
    %mul3A_56 = vector.broadcast %mul3A_55 : i32 to vector<16xi32>
    %mul3A_57 = arith.muli %iota3A, %mul3A_56 : vector<16xi32>
    %broadcast_in_dim3A = arith.constant 1.000000e+00 : f32
    %broadcast_in_dim3A_58 = vector.broadcast %broadcast_in_dim3A : f32 to vector<16xf32>
    %broadcast_in_dim3A_59 = arith.constant 0.000000e+00 : f32
    %broadcast_in_dim3A_60 = vector.broadcast %broadcast_in_dim3A_59 : f32 to vector<16xf32>
    %mul3A_61 = arith.constant 3 : i32
    %mul3A_62 = arith.muli %add3A, %mul3A_61 : i32
    %add3A_63 = arith.constant 1 : i32
    %add3A_64 = arith.addi %mul3A_62, %add3A_63 : i32
    %add3A_65 = arith.addi %add3A_64, %select_n3A_30 : i32
    %mul3A_66 = arith.constant 262144 : i32
    %mul3A_67 = arith.muli %add3A_65, %mul3A_66 : i32
    %mul3A_68 = arith.constant 2 : i32
    %mul3A_69 = arith.muli %add3A, %mul3A_68 : i32
    %add3A_70 = arith.addi %mul3A_69, %select_n3A_30 : i32
    %mul3A_71 = arith.constant 262144 : i32
    %mul3A_72 = arith.muli %add3A_70, %mul3A_71 : i32
    %parallel_loop3A = arith.constant 0 : i32
    %parallel_loop3A_73 = arith.constant 2048 : i32
    %parallel_loop3A_74 = arith.constant 1 : i32
    scf.for %parallel_loop3A_131 = %parallel_loop3A to %parallel_loop3A_73 step %parallel_loop3A_74  : i32 {
      %parallel_loop3A_132 = arith.constant 16 : i32
      %parallel_loop3A_133 = arith.muli %parallel_loop3A_131, %parallel_loop3A_132 : i32
      %parallel_loop3A_134 = arith.index_cast %parallel_loop3A_133 : i32 to index
      %parallel_loop3A_135 = tpu.vector_load %arg9[%parallel_loop3A_134] {strides = array<i32>} : memref<32768xf32, #tpu.memory_space<vmem>>, vector<16xf32>,
      tpu.vector_store %arg9[%parallel_loop3A_134], %broadcast_in_dim3A_60 {strides = array<i32>} : memref<32768xf32, #tpu.memory_space<vmem>>, vector<16xf32>,
    } {sc.loop_unroll_factor = 8 : i64, sc.parallel_access}
    %add3A_75 = arith.constant 0 : i32
    %add3A_76 = arith.addi %mul3A_67, %add3A_75 : i32
    %dma_start3A = tpu.memref_slice %arg2[%add3A_76] : memref<12582912xf32, #tpu.memory_space<hbm>> -> memref<8192xf32, #tpu.memory_space<hbm>>
    %dma_start3A_77 = tpu.memref_slice %arg2[%add3A_76] : memref<12582912xf32, #tpu.memory_space<hbm>> -> memref<8192xf32, #tpu.memory_space<hbm>>
    tpu.enqueue_dma source(%dma_start3A_77 : memref<8192xf32, #tpu.memory_space<hbm>>) target(%arg5 : memref<8192xf32, #tpu.memory_space<vmem>>) target_semaphore(%arg15 : memref<!tpu.dma_semaphore, #tpu.memory_space<semaphore_mem>>)
    %scan3A = arith.constant 0 : i32
    %scan3A_78 = arith.constant 16 : i32
    %scan3A_79 = arith.addi %scan3A, %scan3A_78 : i32
    %scan3A_80 = arith.constant 1 : i32
    scf.for %scan3A_131 = %scan3A to %scan3A_79 step %scan3A_80  : i32 {
      %mul3A_132 = arith.constant 2 : i32
      %mul3A_133 = arith.muli %mul3A_132, %scan3A_131 : i32
      %add3A_134 = arith.constant 1 : i32
      %add3A_135 = arith.addi %mul3A_133, %add3A_134 : i32
      %mul3A_136 = arith.constant 8192 : i32
      %mul3A_137 = arith.muli %mul3A_133, %mul3A_136 : i32
      %add3A_138 = arith.addi %mul3A_67, %mul3A_137 : i32
      %dma_wait3A_139 = tpu.memref_slice %arg2[%add3A_138] : memref<12582912xf32, #tpu.memory_space<hbm>> -> memref<8192xf32, #tpu.memory_space<hbm>>
      %dma_wait3A_140 = tpu.memref_slice %arg2[%add3A_138] : memref<12582912xf32, #tpu.memory_space<hbm>> -> memref<8192xf32, #tpu.memory_space<hbm>>
      tpu.wait_dma2 semaphore(%arg15 : memref<!tpu.dma_semaphore, #tpu.memory_space<semaphore_mem>>) src(%dma_wait3A_140 : memref<8192xf32, #tpu.memory_space<hbm>>) dst(%arg5 : memref<8192xf32, #tpu.memory_space<vmem>>)
      %mul3A_141 = arith.constant 8192 : i32
      %mul3A_142 = arith.muli %add3A_135, %mul3A_141 : i32
      %add3A_143 = arith.addi %mul3A_67, %mul3A_142 : i32
      %dma_start3A_144 = tpu.memref_slice %arg2[%add3A_143] : memref<12582912xf32, #tpu.memory_space<hbm>> -> memref<8192xf32, #tpu.memory_space<hbm>>
      %dma_start3A_145 = tpu.memref_slice %arg2[%add3A_143] : memref<12582912xf32, #tpu.memory_space<hbm>> -> memref<8192xf32, #tpu.memory_space<hbm>>
      tpu.enqueue_dma source(%dma_start3A_145 : memref<8192xf32, #tpu.memory_space<hbm>>) target(%arg6 : memref<8192xf32, #tpu.memory_space<vmem>>) target_semaphore(%arg16 : memref<!tpu.dma_semaphore, #tpu.memory_space<semaphore_mem>>)
      %parallel_loop3A_146 = arith.constant 0 : i32
      %parallel_loop3A_147 = arith.constant 512 : i32
      %parallel_loop3A_148 = arith.constant 1 : i32
      scf.for %parallel_loop3A_162 = %parallel_loop3A_146 to %parallel_loop3A_147 step %parallel_loop3A_148  : i32 {
        %parallel_loop3A_163 = arith.constant 16 : i32
        %parallel_loop3A_164 = arith.muli %parallel_loop3A_162, %parallel_loop3A_163 : i32
        %parallel_loop3A_165 = arith.index_cast %parallel_loop3A_164 : i32 to index
        %parallel_loop3A_166 = tpu.vector_load %arg5[%parallel_loop3A_165] {strides = array<i32>} : memref<8192xf32, #tpu.memory_space<vmem>>, vector<16xf32>,
        %parallel_loop3A_167 = arith.constant -2.500000e-01 : f32
        %parallel_loop3A_168 = vector.broadcast %parallel_loop3A_167 : f32 to vector<16xf32>
        %parallel_loop3A_169 = arith.subf %parallel_loop3A_166, %parallel_loop3A_168 : vector<16xf32>
        %parallel_loop3A_170 = arith.constant 1365.33337 : f32
        %parallel_loop3A_171 = vector.broadcast %parallel_loop3A_170 : f32 to vector<16xf32>
        %parallel_loop3A_172 = arith.mulf %parallel_loop3A_169, %parallel_loop3A_171 : vector<16xf32>
        %parallel_loop3A_173 = arith.constant 0.000000e+00 : f32
        %parallel_loop3A_174 = arith.constant 2047 : i32
        %parallel_loop3A_175 = vector.broadcast %parallel_loop3A_173 : f32 to vector<16xf32>
        %parallel_loop3A_176 = arith.maximumf %parallel_loop3A_175, %parallel_loop3A_172 : vector<16xf32>
        %parallel_loop3A_177 = arith.sitofp %parallel_loop3A_174 : i32 to f32
        %parallel_loop3A_178 = vector.broadcast %parallel_loop3A_177 : f32 to vector<16xf32>
        %parallel_loop3A_179 = arith.minimumf %parallel_loop3A_178, %parallel_loop3A_176 : vector<16xf32>
        %parallel_loop3A_180 = arith.fptosi %parallel_loop3A_179 : vector<16xf32> to vector<16xi32>
        %parallel_loop3A_181 = arith.addi %mul3A_57, %parallel_loop3A_180 : vector<16xi32>
        tpu.vector_store_idx %arg9[%parallel_loop3A_181], %broadcast_in_dim3A_58 {add = true} : memref<32768xf32, #tpu.memory_space<vmem>>[vector<16xi32>], vector<16xf32>,
      } {sc.loop_unroll_factor = 8 : i64, sc.parallel_access}
      %mul3A_149 = arith.constant 8192 : i32
      %mul3A_150 = arith.muli %add3A_135, %mul3A_149 : i32
      %add3A_151 = arith.addi %mul3A_67, %mul3A_150 : i32
      %dma_wait3A_152 = tpu.memref_slice %arg2[%add3A_151] : memref<12582912xf32, #tpu.memory_space<hbm>> -> memref<8192xf32, #tpu.memory_space<hbm>>
      %dma_wait3A_153 = tpu.memref_slice %arg2[%add3A_151] : memref<12582912xf32, #tpu.memory_space<hbm>> -> memref<8192xf32, #tpu.memory_space<hbm>>
      tpu.wait_dma2 semaphore(%arg16 : memref<!tpu.dma_semaphore, #tpu.memory_space<semaphore_mem>>) src(%dma_wait3A_153 : memref<8192xf32, #tpu.memory_space<hbm>>) dst(%arg6 : memref<8192xf32, #tpu.memory_space<vmem>>)
      %add3A_154 = arith.constant 1 : i32
      %add3A_155 = arith.addi %add3A_135, %add3A_154 : i32
      %lt3A_156 = arith.constant 32 : i32
      %lt3A_157 = arith.cmpi slt, %add3A_155, %lt3A_156 : i32
      %convert_element_type3A = arith.extui %lt3A_157 : i1 to i32
      %cond3A = arith.constant 0 : i32
      %cond3A_158 = arith.cmpi ne, %convert_element_type3A, %cond3A : i32
      scf.if %cond3A_158 {
        %add3A_162 = arith.constant 1 : i32
        %add3A_163 = arith.addi %add3A_135, %add3A_162 : i32
        %mul3A_164 = arith.constant 8192 : i32
        %mul3A_165 = arith.muli %add3A_163, %mul3A_164 : i32
        %add3A_166 = arith.addi %mul3A_67, %mul3A_165 : i32
        %dma_start3A_167 = tpu.memref_slice %arg2[%add3A_166] : memref<12582912xf32, #tpu.memory_space<hbm>> -> memref<8192xf32, #tpu.memory_space<hbm>>
        %dma_start3A_168 = tpu.memref_slice %arg2[%add3A_166] : memref<12582912xf32, #tpu.memory_space<hbm>> -> memref<8192xf32, #tpu.memory_space<hbm>>
        tpu.enqueue_dma source(%dma_start3A_168 : memref<8192xf32, #tpu.memory_space<hbm>>) target(%arg5 : memref<8192xf32, #tpu.memory_space<vmem>>) target_semaphore(%arg15 : memref<!tpu.dma_semaphore, #tpu.memory_space<semaphore_mem>>)
      } else {
      }
      %parallel_loop3A_159 = arith.constant 0 : i32
      %parallel_loop3A_160 = arith.constant 512 : i32
      %parallel_loop3A_161 = arith.constant 1 : i32
      scf.for %parallel_loop3A_162 = %parallel_loop3A_159 to %parallel_loop3A_160 step %parallel_loop3A_161  : i32 {
        %parallel_loop3A_163 = arith.constant 16 : i32
        %parallel_loop3A_164 = arith.muli %parallel_loop3A_162, %parallel_loop3A_163 : i32
        %parallel_loop3A_165 = arith.index_cast %parallel_loop3A_164 : i32 to index
        %parallel_loop3A_166 = tpu.vector_load %arg6[%parallel_loop3A_165] {strides = array<i32>} : memref<8192xf32, #tpu.memory_space<vmem>>, vector<16xf32>,
        %parallel_loop3A_167 = arith.constant -2.500000e-01 : f32
        %parallel_loop3A_168 = vector.broadcast %parallel_loop3A_167 : f32 to vector<16xf32>
        %parallel_loop3A_169 = arith.subf %parallel_loop3A_166, %parallel_loop3A_168 : vector<16xf32>
        %parallel_loop3A_170 = arith.constant 1365.33337 : f32
        %parallel_loop3A_171 = vector.broadcast %parallel_loop3A_170 : f32 to vector<16xf32>
        %parallel_loop3A_172 = arith.mulf %parallel_loop3A_169, %parallel_loop3A_171 : vector<16xf32>
        %parallel_loop3A_173 = arith.constant 0.000000e+00 : f32
        %parallel_loop3A_174 = arith.constant 2047 : i32
        %parallel_loop3A_175 = vector.broadcast %parallel_loop3A_173 : f32 to vector<16xf32>
        %parallel_loop3A_176 = arith.maximumf %parallel_loop3A_175, %parallel_loop3A_172 : vector<16xf32>
        %parallel_loop3A_177 = arith.sitofp %parallel_loop3A_174 : i32 to f32
        %parallel_loop3A_178 = vector.broadcast %parallel_loop3A_177 : f32 to vector<16xf32>
        %parallel_loop3A_179 = arith.minimumf %parallel_loop3A_178, %parallel_loop3A_176 : vector<16xf32>
        %parallel_loop3A_180 = arith.fptosi %parallel_loop3A_179 : vector<16xf32> to vector<16xi32>
        %parallel_loop3A_181 = arith.addi %mul3A_57, %parallel_loop3A_180 : vector<16xi32>
        tpu.vector_store_idx %arg9[%parallel_loop3A_181], %broadcast_in_dim3A_58 {add = true} : memref<32768xf32, #tpu.memory_space<vmem>>[vector<16xi32>], vector<16xf32>,
      } {sc.loop_unroll_factor = 8 : i64, sc.parallel_access}
    }
    %scan3A_81 = arith.constant 16 : i32
    %parallel_loop3A_82 = arith.constant 0 : i32
    %parallel_loop3A_83 = arith.constant 128 : i32
    %parallel_loop3A_84 = arith.constant 1 : i32
    scf.for %parallel_loop3A_131 = %parallel_loop3A_82 to %parallel_loop3A_83 step %parallel_loop3A_84  : i32 {
      %parallel_loop3A_132 = arith.constant 16 : i32
      %parallel_loop3A_133 = arith.muli %parallel_loop3A_131, %parallel_loop3A_132 : i32
      %parallel_loop3A_134 = arith.constant 0 : i32
      %parallel_loop3A_135 = arith.addi %parallel_loop3A_134, %parallel_loop3A_133 : i32
      %parallel_loop3A_136 = arith.index_cast %parallel_loop3A_135 : i32 to index
      %parallel_loop3A_137 = tpu.vector_load %arg9[%parallel_loop3A_136] {strides = array<i32>} : memref<32768xf32, #tpu.memory_space<vmem>>, vector<16xf32>,
      %parallel_loop3A_138 = arith.addf %broadcast_in_dim3A_60, %parallel_loop3A_137 : vector<16xf32>
      %parallel_loop3A_139 = arith.constant 16 : i32
      %parallel_loop3A_140 = arith.muli %parallel_loop3A_131, %parallel_loop3A_139 : i32
      %parallel_loop3A_141 = arith.constant 2048 : i32
      %parallel_loop3A_142 = arith.addi %parallel_loop3A_141, %parallel_loop3A_140 : i32
      %parallel_loop3A_143 = arith.index_cast %parallel_loop3A_142 : i32 to index
      %parallel_loop3A_144 = tpu.vector_load %arg9[%parallel_loop3A_143] {strides = array<i32>} : memref<32768xf32, #tpu.memory_space<vmem>>, vector<16xf32>,
      %parallel_loop3A_145 = arith.addf %parallel_loop3A_138, %parallel_loop3A_144 : vector<16xf32>
      %parallel_loop3A_146 = arith.constant 16 : i32
      %parallel_loop3A_147 = arith.muli %parallel_loop3A_131, %parallel_loop3A_146 : i32
      %parallel_loop3A_148 = arith.constant 4096 : i32
      %parallel_loop3A_149 = arith.addi %parallel_loop3A_148, %parallel_loop3A_147 : i32
      %parallel_loop3A_150 = arith.index_cast %parallel_loop3A_149 : i32 to index
      %parallel_loop3A_151 = tpu.vector_load %arg9[%parallel_loop3A_150] {strides = array<i32>} : memref<32768xf32, #tpu.memory_space<vmem>>, vector<16xf32>,
      %parallel_loop3A_152 = arith.addf %parallel_loop3A_145, %parallel_loop3A_151 : vector<16xf32>
      %parallel_loop3A_153 = arith.constant 16 : i32
      %parallel_loop3A_154 = arith.muli %parallel_loop3A_131, %parallel_loop3A_153 : i32
      %parallel_loop3A_155 = arith.constant 6144 : i32
      %parallel_loop3A_156 = arith.addi %parallel_loop3A_155, %parallel_loop3A_154 : i32
      %parallel_loop3A_157 = arith.index_cast %parallel_loop3A_156 : i32 to index
      %parallel_loop3A_158 = tpu.vector_load %arg9[%parallel_loop3A_157] {strides = array<i32>} : memref<32768xf32, #tpu.memory_space<vmem>>, vector<16xf32>,
      %parallel_loop3A_159 = arith.addf %parallel_loop3A_152, %parallel_loop3A_158 : vector<16xf32>
      %parallel_loop3A_160 = arith.constant 16 : i32
      %parallel_loop3A_161 = arith.muli %parallel_loop3A_131, %parallel_loop3A_160 : i32
      %parallel_loop3A_162 = arith.constant 8192 : i32
      %parallel_loop3A_163 = arith.addi %parallel_loop3A_162, %parallel_loop3A_161 : i32
      %parallel_loop3A_164 = arith.index_cast %parallel_loop3A_163 : i32 to index
      %parallel_loop3A_165 = tpu.vector_load %arg9[%parallel_loop3A_164] {strides = array<i32>} : memref<32768xf32, #tpu.memory_space<vmem>>, vector<16xf32>,
      %parallel_loop3A_166 = arith.addf %parallel_loop3A_159, %parallel_loop3A_165 : vector<16xf32>
      %parallel_loop3A_167 = arith.constant 16 : i32
      %parallel_loop3A_168 = arith.muli %parallel_loop3A_131, %parallel_loop3A_167 : i32
      %parallel_loop3A_169 = arith.constant 10240 : i32
      %parallel_loop3A_170 = arith.addi %parallel_loop3A_169, %parallel_loop3A_168 : i32
      %parallel_loop3A_171 = arith.index_cast %parallel_loop3A_170 : i32 to index
      %parallel_loop3A_172 = tpu.vector_load %arg9[%parallel_loop3A_171] {strides = array<i32>} : memref<32768xf32, #tpu.memory_space<vmem>>, vector<16xf32>,
      %parallel_loop3A_173 = arith.addf %parallel_loop3A_166, %parallel_loop3A_172 : vector<16xf32>
      %parallel_loop3A_174 = arith.constant 16 : i32
      %parallel_loop3A_175 = arith.muli %parallel_loop3A_131, %parallel_loop3A_174 : i32
      %parallel_loop3A_176 = arith.constant 12288 : i32
      %parallel_loop3A_177 = arith.addi %parallel_loop3A_176, %parallel_loop3A_175 : i32
      %parallel_loop3A_178 = arith.index_cast %parallel_loop3A_177 : i32 to index
      %parallel_loop3A_179 = tpu.vector_load %arg9[%parallel_loop3A_178] {strides = array<i32>} : memref<32768xf32, #tpu.memory_space<vmem>>, vector<16xf32>,
      %parallel_loop3A_180 = arith.addf %parallel_loop3A_173, %parallel_loop3A_179 : vector<16xf32>
      %parallel_loop3A_181 = arith.constant 16 : i32
      %parallel_loop3A_182 = arith.muli %parallel_loop3A_131, %parallel_loop3A_181 : i32
      %parallel_loop3A_183 = arith.constant 14336 : i32
      %parallel_loop3A_184 = arith.addi %parallel_loop3A_183, %parallel_loop3A_182 : i32
      %parallel_loop3A_185 = arith.index_cast %parallel_loop3A_184 : i32 to index
      %parallel_loop3A_186 = tpu.vector_load %arg9[%parallel_loop3A_185] {strides = array<i32>} : memref<32768xf32, #tpu.memory_space<vmem>>, vector<16xf32>,
      %parallel_loop3A_187 = arith.addf %parallel_loop3A_180, %parallel_loop3A_186 : vector<16xf32>
      %parallel_loop3A_188 = arith.constant 16 : i32
      %parallel_loop3A_189 = arith.muli %parallel_loop3A_131, %parallel_loop3A_188 : i32
      %parallel_loop3A_190 = arith.constant 16384 : i32
      %parallel_loop3A_191 = arith.addi %parallel_loop3A_190, %parallel_loop3A_189 : i32
      %parallel_loop3A_192 = arith.index_cast %parallel_loop3A_191 : i32 to index
      %parallel_loop3A_193 = tpu.vector_load %arg9[%parallel_loop3A_192] {strides = array<i32>} : memref<32768xf32, #tpu.memory_space<vmem>>, vector<16xf32>,
      %parallel_loop3A_194 = arith.addf %parallel_loop3A_187, %parallel_loop3A_193 : vector<16xf32>
      %parallel_loop3A_195 = arith.constant 16 : i32
      %parallel_loop3A_196 = arith.muli %parallel_loop3A_131, %parallel_loop3A_195 : i32
      %parallel_loop3A_197 = arith.constant 18432 : i32
      %parallel_loop3A_198 = arith.addi %parallel_loop3A_197, %parallel_loop3A_196 : i32
      %parallel_loop3A_199 = arith.index_cast %parallel_loop3A_198 : i32 to index
      %parallel_loop3A_200 = tpu.vector_load %arg9[%parallel_loop3A_199] {strides = array<i32>} : memref<32768xf32, #tpu.memory_space<vmem>>, vector<16xf32>,
      %parallel_loop3A_201 = arith.addf %parallel_loop3A_194, %parallel_loop3A_200 : vector<16xf32>
      %parallel_loop3A_202 = arith.constant 16 : i32
      %parallel_loop3A_203 = arith.muli %parallel_loop3A_131, %parallel_loop3A_202 : i32
      %parallel_loop3A_204 = arith.constant 20480 : i32
      %parallel_loop3A_205 = arith.addi %parallel_loop3A_204, %parallel_loop3A_203 : i32
      %parallel_loop3A_206 = arith.index_cast %parallel_loop3A_205 : i32 to index
      %parallel_loop3A_207 = tpu.vector_load %arg9[%parallel_loop3A_206] {strides = array<i32>} : memref<32768xf32, #tpu.memory_space<vmem>>, vector<16xf32>,
      %parallel_loop3A_208 = arith.addf %parallel_loop3A_201, %parallel_loop3A_207 : vector<16xf32>
      %parallel_loop3A_209 = arith.constant 16 : i32
      %parallel_loop3A_210 = arith.muli %parallel_loop3A_131, %parallel_loop3A_209 : i32
      %parallel_loop3A_211 = arith.constant 22528 : i32
      %parallel_loop3A_212 = arith.addi %parallel_loop3A_211, %parallel_loop3A_210 : i32
      %parallel_loop3A_213 = arith.index_cast %parallel_loop3A_212 : i32 to index
      %parallel_loop3A_214 = tpu.vector_load %arg9[%parallel_loop3A_213] {strides = array<i32>} : memref<32768xf32, #tpu.memory_space<vmem>>, vector<16xf32>,
      %parallel_loop3A_215 = arith.addf %parallel_loop3A_208, %parallel_loop3A_214 : vector<16xf32>
      %parallel_loop3A_216 = arith.constant 16 : i32
      %parallel_loop3A_217 = arith.muli %parallel_loop3A_131, %parallel_loop3A_216 : i32
      %parallel_loop3A_218 = arith.constant 24576 : i32
      %parallel_loop3A_219 = arith.addi %parallel_loop3A_218, %parallel_loop3A_217 : i32
      %parallel_loop3A_220 = arith.index_cast %parallel_loop3A_219 : i32 to index
      %parallel_loop3A_221 = tpu.vector_load %arg9[%parallel_loop3A_220] {strides = array<i32>} : memref<32768xf32, #tpu.memory_space<vmem>>, vector<16xf32>,
      %parallel_loop3A_222 = arith.addf %parallel_loop3A_215, %parallel_loop3A_221 : vector<16xf32>
      %parallel_loop3A_223 = arith.constant 16 : i32
      %parallel_loop3A_224 = arith.muli %parallel_loop3A_131, %parallel_loop3A_223 : i32
      %parallel_loop3A_225 = arith.constant 26624 : i32
      %parallel_loop3A_226 = arith.addi %parallel_loop3A_225, %parallel_loop3A_224 : i32
      %parallel_loop3A_227 = arith.index_cast %parallel_loop3A_226 : i32 to index
      %parallel_loop3A_228 = tpu.vector_load %arg9[%parallel_loop3A_227] {strides = array<i32>} : memref<32768xf32, #tpu.memory_space<vmem>>, vector<16xf32>,
      %parallel_loop3A_229 = arith.addf %parallel_loop3A_222, %parallel_loop3A_228 : vector<16xf32>
      %parallel_loop3A_230 = arith.constant 16 : i32
      %parallel_loop3A_231 = arith.muli %parallel_loop3A_131, %parallel_loop3A_230 : i32
      %parallel_loop3A_232 = arith.constant 28672 : i32
      %parallel_loop3A_233 = arith.addi %parallel_loop3A_232, %parallel_loop3A_231 : i32
      %parallel_loop3A_234 = arith.index_cast %parallel_loop3A_233 : i32 to index
      %parallel_loop3A_235 = tpu.vector_load %arg9[%parallel_loop3A_234] {strides = array<i32>} : memref<32768xf32, #tpu.memory_space<vmem>>, vector<16xf32>,
      %parallel_loop3A_236 = arith.addf %parallel_loop3A_229, %parallel_loop3A_235 : vector<16xf32>
      %parallel_loop3A_237 = arith.constant 16 : i32
      %parallel_loop3A_238 = arith.muli %parallel_loop3A_131, %parallel_loop3A_237 : i32
      %parallel_loop3A_239 = arith.constant 30720 : i32
      %parallel_loop3A_240 = arith.addi %parallel_loop3A_239, %parallel_loop3A_238 : i32
      %parallel_loop3A_241 = arith.index_cast %parallel_loop3A_240 : i32 to index
      %parallel_loop3A_242 = tpu.vector_load %arg9[%parallel_loop3A_241] {strides = array<i32>} : memref<32768xf32, #tpu.memory_space<vmem>>, vector<16xf32>,
      %parallel_loop3A_243 = arith.addf %parallel_loop3A_236, %parallel_loop3A_242 : vector<16xf32>
      %parallel_loop3A_244 = arith.constant 16 : i32
      %parallel_loop3A_245 = arith.muli %parallel_loop3A_131, %parallel_loop3A_244 : i32
      %parallel_loop3A_246 = arith.index_cast %parallel_loop3A_245 : i32 to index
      %parallel_loop3A_247 = tpu.vector_load %arg10[%parallel_loop3A_246] {strides = array<i32>} : memref<2048xf32, #tpu.memory_space<vmem>>, vector<16xf32>,
      tpu.vector_store %arg10[%parallel_loop3A_246], %parallel_loop3A_243 {strides = array<i32>} : memref<2048xf32, #tpu.memory_space<vmem>>, vector<16xf32>,
    } {sc.loop_unroll_factor = 4 : i64, sc.parallel_access}
    %mul3A_85 = arith.constant 2048 : i32
    %mul3A_86 = arith.muli %add3A_51, %mul3A_85 : i32
    "tpu.region"() ({
      %run_scoped3A = tpu.sem_alloc : memref<!tpu.dma_semaphore, #tpu.memory_space<semaphore_mem>>
      %dma_start3A_131 = tpu.memref_slice %arg4[%mul3A_86] : memref<65536xf32, #tpu.memory_space<hbm>> -> memref<2048xf32, #tpu.memory_space<hbm>>
      %dma_start3A_132 = tpu.memref_slice %arg4[%mul3A_86] : memref<65536xf32, #tpu.memory_space<hbm>> -> memref<2048xf32, #tpu.memory_space<hbm>>
      tpu.enqueue_dma source(%arg10 : memref<2048xf32, #tpu.memory_space<vmem>>) target(%dma_start3A_132 : memref<2048xf32, #tpu.memory_space<hbm>>) target_semaphore(%run_scoped3A : memref<!tpu.dma_semaphore, #tpu.memory_space<semaphore_mem>>)
      %dma_wait3A_133 = tpu.memref_slice %arg4[%mul3A_86] : memref<65536xf32, #tpu.memory_space<hbm>> -> memref<2048xf32, #tpu.memory_space<hbm>>
      %dma_wait3A_134 = tpu.memref_slice %arg4[%mul3A_86] : memref<65536xf32, #tpu.memory_space<hbm>> -> memref<2048xf32, #tpu.memory_space<hbm>>
      tpu.wait_dma2 semaphore(%run_scoped3A : memref<!tpu.dma_semaphore, #tpu.memory_space<semaphore_mem>>) src(%arg10 : memref<2048xf32, #tpu.memory_space<vmem>>) dst(%dma_wait3A_134 : memref<2048xf32, #tpu.memory_space<hbm>>)
      tpu.yield
    }) : () -> ()
    %barrier3A = arith.constant 0 : index
    tpu.barrier barrier_id(%barrier3A)
    %mul3A_87 = arith.constant 2048 : i32
    %mul3A_88 = arith.muli %add3A_54, %mul3A_87 : i32
    "tpu.region"() ({
      %run_scoped3A = tpu.sem_alloc : memref<!tpu.dma_semaphore, #tpu.memory_space<semaphore_mem>>
      %dma_start3A_131 = tpu.memref_slice %arg4[%mul3A_88] : memref<65536xf32, #tpu.memory_space<hbm>> -> memref<2048xf32, #tpu.memory_space<hbm>>
      %dma_start3A_132 = tpu.memref_slice %arg4[%mul3A_88] : memref<65536xf32, #tpu.memory_space<hbm>> -> memref<2048xf32, #tpu.memory_space<hbm>>
      tpu.enqueue_dma source(%dma_start3A_132 : memref<2048xf32, #tpu.memory_space<hbm>>) target(%arg11 : memref<2048xf32, #tpu.memory_space<vmem>>) target_semaphore(%run_scoped3A : memref<!tpu.dma_semaphore, #tpu.memory_space<semaphore_mem>>)
      %dma_wait3A_133 = tpu.memref_slice %arg4[%mul3A_88] : memref<65536xf32, #tpu.memory_space<hbm>> -> memref<2048xf32, #tpu.memory_space<hbm>>
      %dma_wait3A_134 = tpu.memref_slice %arg4[%mul3A_88] : memref<65536xf32, #tpu.memory_space<hbm>> -> memref<2048xf32, #tpu.memory_space<hbm>>
      tpu.wait_dma2 semaphore(%run_scoped3A : memref<!tpu.dma_semaphore, #tpu.memory_space<semaphore_mem>>) src(%dma_wait3A_134 : memref<2048xf32, #tpu.memory_space<hbm>>) dst(%arg11 : memref<2048xf32, #tpu.memory_space<vmem>>)
      tpu.yield
    }) : () -> ()
    %scan3A_89 = arith.constant 0.000000e+00 : f32
    %scan3A_90 = arith.constant 0 : i32
    %scan3A_91 = arith.constant 128 : i32
    %scan3A_92 = arith.addi %scan3A_90, %scan3A_91 : i32
    %scan3A_93 = arith.constant 1 : i32
    %scan3A_94 = scf.for %scan3A_131 = %scan3A_90 to %scan3A_92 step %scan3A_93 iter_args(%scan3A_132 = %scan3A_89) -> (f32)  : i32 {
      %mul3A_133 = arith.constant 16 : i32
      %mul3A_134 = arith.muli %scan3A_131, %mul3A_133 : i32
      %get3A = arith.index_cast %mul3A_134 : i32 to index
      %get3A_135 = tpu.vector_load %arg10[%get3A] {strides = array<i32>} : memref<2048xf32, #tpu.memory_space<vmem>>, vector<16xf32>,
      %broadcast_in_dim3A_136 = arith.constant true
      %broadcast_in_dim3A_137 = vector.broadcast %broadcast_in_dim3A_136 : i1 to vector<16xi1>
      %masked_cumsum3A = tpu.scan <sum>, %get3A_135 masked %broadcast_in_dim3A_137 : vector<16xf32>, vector<16xi1> -> vector<16xf32>
      %sub3A_138 = arith.subf %masked_cumsum3A, %get3A_135 : vector<16xf32>
      %add3A_139 = vector.broadcast %scan3A_132 : f32 to vector<16xf32>
      %add3A_140 = arith.addf %sub3A_138, %add3A_139 : vector<16xf32>
      %mul3A_141 = arith.constant 16 : i32
      %mul3A_142 = arith.muli %scan3A_131, %mul3A_141 : i32
      %swap3A_143 = arith.index_cast %mul3A_142 : i32 to index
      %swap3A_144 = tpu.vector_load %arg12[%swap3A_143] {strides = array<i32>} : memref<2064xf32, #tpu.memory_space<vmem>>, vector<16xf32>,
      tpu.vector_store %arg12[%swap3A_143], %add3A_140 {strides = array<i32>} : memref<2064xf32, #tpu.memory_space<vmem>>, vector<16xf32>,
      %reduce_sum3A = arith.constant true
      %reduce_sum3A_145 = vector.broadcast %reduce_sum3A : i1 to vector<16xi1>
      %reduce_sum3A_146 = tpu.scan <sum>, %get3A_135 masked %reduce_sum3A_145 : vector<16xf32>, vector<16xi1> -> vector<16xf32>
      %reduce_sum3A_147 = vector.extract %reduce_sum3A_146[15] : f32 from vector<16xf32>
      %add3A_148 = arith.addf %scan3A_132, %reduce_sum3A_147 : f32
      scf.yield %add3A_148 : f32
    }
    %scan3A_95 = arith.constant 128 : i32
    %add3A_96 = vector.broadcast %scan3A_94 : f32 to vector<16xf32>
    %add3A_97 = arith.addf %broadcast_in_dim3A_60, %add3A_96 : vector<16xf32>
    %swap3A = arith.constant 2048 : index
    %swap3A_98 = tpu.vector_load %arg12[%swap3A] {strides = array<i32>} : memref<2064xf32, #tpu.memory_space<vmem>>, vector<16xf32>,
    tpu.vector_store %arg12[%swap3A], %add3A_97 {strides = array<i32>} : memref<2064xf32, #tpu.memory_space<vmem>>, vector<16xf32>,
    %scan3A_99 = arith.constant 0.000000e+00 : f32
    %scan3A_100 = arith.constant 0 : i32
    %scan3A_101 = arith.constant 128 : i32
    %scan3A_102 = arith.addi %scan3A_100, %scan3A_101 : i32
    %scan3A_103 = arith.constant 1 : i32
    %scan3A_104 = scf.for %scan3A_131 = %scan3A_100 to %scan3A_102 step %scan3A_103 iter_args(%scan3A_132 = %scan3A_99) -> (f32)  : i32 {
      %mul3A_133 = arith.constant 16 : i32
      %mul3A_134 = arith.muli %scan3A_131, %mul3A_133 : i32
      %get3A = arith.index_cast %mul3A_134 : i32 to index
      %get3A_135 = tpu.vector_load %arg11[%get3A] {strides = array<i32>} : memref<2048xf32, #tpu.memory_space<vmem>>, vector<16xf32>,
      %broadcast_in_dim3A_136 = arith.constant true
      %broadcast_in_dim3A_137 = vector.broadcast %broadcast_in_dim3A_136 : i1 to vector<16xi1>
      %masked_cumsum3A = tpu.scan <sum>, %get3A_135 masked %broadcast_in_dim3A_137 : vector<16xf32>, vector<16xi1> -> vector<16xf32>
      %sub3A_138 = arith.subf %masked_cumsum3A, %get3A_135 : vector<16xf32>
      %add3A_139 = vector.broadcast %scan3A_132 : f32 to vector<16xf32>
      %add3A_140 = arith.addf %sub3A_138, %add3A_139 : vector<16xf32>
      %mul3A_141 = arith.constant 16 : i32
      %mul3A_142 = arith.muli %scan3A_131, %mul3A_141 : i32
      %swap3A_143 = arith.index_cast %mul3A_142 : i32 to index
      %swap3A_144 = tpu.vector_load %arg13[%swap3A_143] {strides = array<i32>} : memref<2064xf32, #tpu.memory_space<vmem>>, vector<16xf32>,
      tpu.vector_store %arg13[%swap3A_143], %add3A_140 {strides = array<i32>} : memref<2064xf32, #tpu.memory_space<vmem>>, vector<16xf32>,
      %reduce_sum3A = arith.constant true
      %reduce_sum3A_145 = vector.broadcast %reduce_sum3A : i1 to vector<16xi1>
      %reduce_sum3A_146 = tpu.scan <sum>, %get3A_135 masked %reduce_sum3A_145 : vector<16xf32>, vector<16xi1> -> vector<16xf32>
      %reduce_sum3A_147 = vector.extract %reduce_sum3A_146[15] : f32 from vector<16xf32>
      %add3A_148 = arith.addf %scan3A_132, %reduce_sum3A_147 : f32
      scf.yield %add3A_148 : f32
    }
    %scan3A_105 = arith.constant 128 : i32
    %add3A_106 = vector.broadcast %scan3A_104 : f32 to vector<16xf32>
    %add3A_107 = arith.addf %broadcast_in_dim3A_60, %add3A_106 : vector<16xf32>
    %swap3A_108 = arith.constant 2048 : index
    %swap3A_109 = tpu.vector_load %arg13[%swap3A_108] {strides = array<i32>} : memref<2064xf32, #tpu.memory_space<vmem>>, vector<16xf32>,
    tpu.vector_store %arg13[%swap3A_108], %add3A_107 {strides = array<i32>} : memref<2064xf32, #tpu.memory_space<vmem>>, vector<16xf32>,
    %scan3A_110 = arith.constant 0 : i32
    %scan3A_111 = arith.constant 129 : i32
    %scan3A_112 = arith.addi %scan3A_110, %scan3A_111 : i32
    %scan3A_113 = arith.constant 1 : i32
    scf.for %scan3A_131 = %scan3A_110 to %scan3A_112 step %scan3A_113  : i32 {
      %mul3A_132 = arith.constant 16 : i32
      %mul3A_133 = arith.muli %scan3A_131, %mul3A_132 : i32
      %get3A = arith.index_cast %mul3A_133 : i32 to index
      %get3A_134 = tpu.vector_load %arg12[%get3A] {strides = array<i32>} : memref<2064xf32, #tpu.memory_space<vmem>>, vector<16xf32>,
      %broadcast_in_dim3A_135 = arith.constant 0 : i32
      %broadcast_in_dim3A_136 = vector.broadcast %broadcast_in_dim3A_135 : i32 to vector<16xi32>
      %add3A_137 = arith.constant 1024 : i32
      %add3A_138 = vector.broadcast %add3A_137 : i32 to vector<16xi32>
      %add3A_139 = arith.addi %broadcast_in_dim3A_136, %add3A_138 : vector<16xi32>
      %gather3A = tpu.vector_load_idx %arg13[%add3A_139] : memref<2064xf32, #tpu.memory_space<vmem>>[vector<16xi32>], vector<16xf32>,
      %le3A = arith.constant 2047 : i32
      %le3A_140 = vector.broadcast %le3A : i32 to vector<16xi32>
      %le3A_141 = arith.cmpi sle, %add3A_139, %le3A_140 : vector<16xi32>
      %le3A_142 = arith.cmpf ole, %gather3A, %get3A_134 : vector<16xf32>
      %and3A_143 = arith.andi %le3A_141, %le3A_142 : vector<16xi1>
      %select_n3A_144 = arith.select %and3A_143, %add3A_139, %broadcast_in_dim3A_136 : vector<16xi1>, vector<16xi32>
      %add3A_145 = arith.constant 512 : i32
      %add3A_146 = vector.broadcast %add3A_145 : i32 to vector<16xi32>
      %add3A_147 = arith.addi %select_n3A_144, %add3A_146 : vector<16xi32>
      %gather3A_148 = tpu.vector_load_idx %arg13[%add3A_147] : memref<2064xf32, #tpu.memory_space<vmem>>[vector<16xi32>], vector<16xf32>,
      %le3A_149 = arith.constant 2047 : i32
      %le3A_150 = vector.broadcast %le3A_149 : i32 to vector<16xi32>
      %le3A_151 = arith.cmpi sle, %add3A_147, %le3A_150 : vector<16xi32>
      %le3A_152 = arith.cmpf ole, %gather3A_148, %get3A_134 : vector<16xf32>
      %and3A_153 = arith.andi %le3A_151, %le3A_152 : vector<16xi1>
      %select_n3A_154 = arith.select %and3A_153, %add3A_147, %select_n3A_144 : vector<16xi1>, vector<16xi32>
      %add3A_155 = arith.constant 256 : i32
      %add3A_156 = vector.broadcast %add3A_155 : i32 to vector<16xi32>
      %add3A_157 = arith.addi %select_n3A_154, %add3A_156 : vector<16xi32>
      %gather3A_158 = tpu.vector_load_idx %arg13[%add3A_157] : memref<2064xf32, #tpu.memory_space<vmem>>[vector<16xi32>], vector<16xf32>,
      %le3A_159 = arith.constant 2047 : i32
      %le3A_160 = vector.broadcast %le3A_159 : i32 to vector<16xi32>
      %le3A_161 = arith.cmpi sle, %add3A_157, %le3A_160 : vector<16xi32>
      %le3A_162 = arith.cmpf ole, %gather3A_158, %get3A_134 : vector<16xf32>
      %and3A_163 = arith.andi %le3A_161, %le3A_162 : vector<16xi1>
      %select_n3A_164 = arith.select %and3A_163, %add3A_157, %select_n3A_154 : vector<16xi1>, vector<16xi32>
      %add3A_165 = arith.constant 128 : i32
      %add3A_166 = vector.broadcast %add3A_165 : i32 to vector<16xi32>
      %add3A_167 = arith.addi %select_n3A_164, %add3A_166 : vector<16xi32>
      %gather3A_168 = tpu.vector_load_idx %arg13[%add3A_167] : memref<2064xf32, #tpu.memory_space<vmem>>[vector<16xi32>], vector<16xf32>,
      %le3A_169 = arith.constant 2047 : i32
      %le3A_170 = vector.broadcast %le3A_169 : i32 to vector<16xi32>
      %le3A_171 = arith.cmpi sle, %add3A_167, %le3A_170 : vector<16xi32>
      %le3A_172 = arith.cmpf ole, %gather3A_168, %get3A_134 : vector<16xf32>
      %and3A_173 = arith.andi %le3A_171, %le3A_172 : vector<16xi1>
      %select_n3A_174 = arith.select %and3A_173, %add3A_167, %select_n3A_164 : vector<16xi1>, vector<16xi32>
      %add3A_175 = arith.constant 64 : i32
      %add3A_176 = vector.broadcast %add3A_175 : i32 to vector<16xi32>
      %add3A_177 = arith.addi %select_n3A_174, %add3A_176 : vector<16xi32>
      %gather3A_178 = tpu.vector_load_idx %arg13[%add3A_177] : memref<2064xf32, #tpu.memory_space<vmem>>[vector<16xi32>], vector<16xf32>,
      %le3A_179 = arith.constant 2047 : i32
      %le3A_180 = vector.broadcast %le3A_179 : i32 to vector<16xi32>
      %le3A_181 = arith.cmpi sle, %add3A_177, %le3A_180 : vector<16xi32>
      %le3A_182 = arith.cmpf ole, %gather3A_178, %get3A_134 : vector<16xf32>
      %and3A_183 = arith.andi %le3A_181, %le3A_182 : vector<16xi1>
      %select_n3A_184 = arith.select %and3A_183, %add3A_177, %select_n3A_174 : vector<16xi1>, vector<16xi32>
      %add3A_185 = arith.constant 32 : i32
      %add3A_186 = vector.broadcast %add3A_185 : i32 to vector<16xi32>
      %add3A_187 = arith.addi %select_n3A_184, %add3A_186 : vector<16xi32>
      %gather3A_188 = tpu.vector_load_idx %arg13[%add3A_187] : memref<2064xf32, #tpu.memory_space<vmem>>[vector<16xi32>], vector<16xf32>,
      %le3A_189 = arith.constant 2047 : i32
      %le3A_190 = vector.broadcast %le3A_189 : i32 to vector<16xi32>
      %le3A_191 = arith.cmpi sle, %add3A_187, %le3A_190 : vector<16xi32>
      %le3A_192 = arith.cmpf ole, %gather3A_188, %get3A_134 : vector<16xf32>
      %and3A_193 = arith.andi %le3A_191, %le3A_192 : vector<16xi1>
      %select_n3A_194 = arith.select %and3A_193, %add3A_187, %select_n3A_184 : vector<16xi1>, vector<16xi32>
      %add3A_195 = arith.constant 16 : i32
      %add3A_196 = vector.broadcast %add3A_195 : i32 to vector<16xi32>
      %add3A_197 = arith.addi %select_n3A_194, %add3A_196 : vector<16xi32>
      %gather3A_198 = tpu.vector_load_idx %arg13[%add3A_197] : memref<2064xf32, #tpu.memory_space<vmem>>[vector<16xi32>], vector<16xf32>,
      %le3A_199 = arith.constant 2047 : i32
      %le3A_200 = vector.broadcast %le3A_199 : i32 to vector<16xi32>
      %le3A_201 = arith.cmpi sle, %add3A_197, %le3A_200 : vector<16xi32>
      %le3A_202 = arith.cmpf ole, %gather3A_198, %get3A_134 : vector<16xf32>
      %and3A_203 = arith.andi %le3A_201, %le3A_202 : vector<16xi1>
      %select_n3A_204 = arith.select %and3A_203, %add3A_197, %select_n3A_194 : vector<16xi1>, vector<16xi32>
      %add3A_205 = arith.constant 8 : i32
      %add3A_206 = vector.broadcast %add3A_205 : i32 to vector<16xi32>
      %add3A_207 = arith.addi %select_n3A_204, %add3A_206 : vector<16xi32>
      %gather3A_208 = tpu.vector_load_idx %arg13[%add3A_207] : memref<2064xf32, #tpu.memory_space<vmem>>[vector<16xi32>], vector<16xf32>,
      %le3A_209 = arith.constant 2047 : i32
      %le3A_210 = vector.broadcast %le3A_209 : i32 to vector<16xi32>
      %le3A_211 = arith.cmpi sle, %add3A_207, %le3A_210 : vector<16xi32>
      %le3A_212 = arith.cmpf ole, %gather3A_208, %get3A_134 : vector<16xf32>
      %and3A_213 = arith.andi %le3A_211, %le3A_212 : vector<16xi1>
      %select_n3A_214 = arith.select %and3A_213, %add3A_207, %select_n3A_204 : vector<16xi1>, vector<16xi32>
      %add3A_215 = arith.constant 4 : i32
      %add3A_216 = vector.broadcast %add3A_215 : i32 to vector<16xi32>
      %add3A_217 = arith.addi %select_n3A_214, %add3A_216 : vector<16xi32>
      %gather3A_218 = tpu.vector_load_idx %arg13[%add3A_217] : memref<2064xf32, #tpu.memory_space<vmem>>[vector<16xi32>], vector<16xf32>,
      %le3A_219 = arith.constant 2047 : i32
      %le3A_220 = vector.broadcast %le3A_219 : i32 to vector<16xi32>
      %le3A_221 = arith.cmpi sle, %add3A_217, %le3A_220 : vector<16xi32>
      %le3A_222 = arith.cmpf ole, %gather3A_218, %get3A_134 : vector<16xf32>
      %and3A_223 = arith.andi %le3A_221, %le3A_222 : vector<16xi1>
      %select_n3A_224 = arith.select %and3A_223, %add3A_217, %select_n3A_214 : vector<16xi1>, vector<16xi32>
      %add3A_225 = arith.constant 2 : i32
      %add3A_226 = vector.broadcast %add3A_225 : i32 to vector<16xi32>
      %add3A_227 = arith.addi %select_n3A_224, %add3A_226 : vector<16xi32>
      %gather3A_228 = tpu.vector_load_idx %arg13[%add3A_227] : memref<2064xf32, #tpu.memory_space<vmem>>[vector<16xi32>], vector<16xf32>,
      %le3A_229 = arith.constant 2047 : i32
      %le3A_230 = vector.broadcast %le3A_229 : i32 to vector<16xi32>
      %le3A_231 = arith.cmpi sle, %add3A_227, %le3A_230 : vector<16xi32>
      %le3A_232 = arith.cmpf ole, %gather3A_228, %get3A_134 : vector<16xf32>
      %and3A_233 = arith.andi %le3A_231, %le3A_232 : vector<16xi1>
      %select_n3A_234 = arith.select %and3A_233, %add3A_227, %select_n3A_224 : vector<16xi1>, vector<16xi32>
      %add3A_235 = arith.constant 1 : i32
      %add3A_236 = vector.broadcast %add3A_235 : i32 to vector<16xi32>
      %add3A_237 = arith.addi %select_n3A_234, %add3A_236 : vector<16xi32>
      %gather3A_238 = tpu.vector_load_idx %arg13[%add3A_237] : memref<2064xf32, #tpu.memory_space<vmem>>[vector<16xi32>], vector<16xf32>,
      %le3A_239 = arith.constant 2047 : i32
      %le3A_240 = vector.broadcast %le3A_239 : i32 to vector<16xi32>
      %le3A_241 = arith.cmpi sle, %add3A_237, %le3A_240 : vector<16xi32>
      %le3A_242 = arith.cmpf ole, %gather3A_238, %get3A_134 : vector<16xf32>
      %and3A_243 = arith.andi %le3A_241, %le3A_242 : vector<16xi1>
      %select_n3A_244 = arith.select %and3A_243, %add3A_237, %select_n3A_234 : vector<16xi1>, vector<16xi32>
      %gather3A_245 = tpu.vector_load_idx %arg13[%select_n3A_244] : memref<2064xf32, #tpu.memory_space<vmem>>[vector<16xi32>], vector<16xf32>,
      %add3A_246 = arith.constant 1 : i32
      %add3A_247 = vector.broadcast %add3A_246 : i32 to vector<16xi32>
      %add3A_248 = arith.addi %select_n3A_244, %add3A_247 : vector<16xi32>
      %gather3A_249 = tpu.vector_load_idx %arg13[%add3A_248] : memref<2064xf32, #tpu.memory_space<vmem>>[vector<16xi32>], vector<16xf32>,
      %sub3A_250 = arith.subf %gather3A_249, %gather3A_245 : vector<16xf32>
      %max3A = arith.constant 1.000000e+00 : f32
      %max3A_251 = vector.broadcast %max3A : f32 to vector<16xf32>
      %max3A_252 = arith.maximumf %sub3A_250, %max3A_251 : vector<16xf32>
      %sub3A_253 = arith.subf %get3A_134, %gather3A_245 : vector<16xf32>
      %div3A_254 = arith.divf %sub3A_253, %max3A_252 : vector<16xf32>
      %jit3A_255 = arith.constant 0.000000e+00 : f32
      %jit3A_256 = arith.constant 1.000000e+00 : f32
      %max3A_257 = vector.broadcast %jit3A_255 : f32 to vector<16xf32>
      %max3A_258 = arith.maximumf %max3A_257, %div3A_254 : vector<16xf32>
      %min3A = vector.broadcast %jit3A_256 : f32 to vector<16xf32>
      %min3A_259 = arith.minimumf %min3A, %max3A_258 : vector<16xf32>
      %convert_element_type3A = arith.sitofp %select_n3A_244 : vector<16xi32> to vector<16xf32>
      %add3A_260 = arith.addf %convert_element_type3A, %min3A_259 : vector<16xf32>
      %mul3A_261 = arith.constant 7.32421875E-4 : f32
      %mul3A_262 = vector.broadcast %mul3A_261 : f32 to vector<16xf32>
      %mul3A_263 = arith.mulf %add3A_260, %mul3A_262 : vector<16xf32>
      %add3A_264 = arith.constant -2.500000e-01 : f32
      %add3A_265 = vector.broadcast %add3A_264 : f32 to vector<16xf32>
      %add3A_266 = arith.addf %add3A_265, %mul3A_263 : vector<16xf32>
      %mul3A_267 = arith.constant 16 : i32
      %mul3A_268 = arith.muli %scan3A_131, %mul3A_267 : i32
      %swap3A_269 = arith.index_cast %mul3A_268 : i32 to index
      %swap3A_270 = tpu.vector_load %arg14[%swap3A_269] {strides = array<i32>} : memref<2064xf32, #tpu.memory_space<vmem>>, vector<16xf32>,
      tpu.vector_store %arg14[%swap3A_269], %add3A_266 {strides = array<i32>} : memref<2064xf32, #tpu.memory_space<vmem>>, vector<16xf32>,
    }
    %scan3A_114 = arith.constant 129 : i32
    %add3A_115 = arith.constant 0 : i32
    %add3A_116 = arith.addi %mul3A_67, %add3A_115 : i32
    %dma_start3A_117 = tpu.memref_slice %arg2[%add3A_116] : memref<12582912xf32, #tpu.memory_space<hbm>> -> memref<8192xf32, #tpu.memory_space<hbm>>
    %dma_start3A_118 = tpu.memref_slice %arg2[%add3A_116] : memref<12582912xf32, #tpu.memory_space<hbm>> -> memref<8192xf32, #tpu.memory_space<hbm>>
    tpu.enqueue_dma source(%dma_start3A_118 : memref<8192xf32, #tpu.memory_space<hbm>>) target(%arg5 : memref<8192xf32, #tpu.memory_space<vmem>>) target_semaphore(%arg15 : memref<!tpu.dma_semaphore, #tpu.memory_space<semaphore_mem>>)
    %scan3A_119 = arith.constant 0 : i32
    %scan3A_120 = arith.constant 16 : i32
    %scan3A_121 = arith.addi %scan3A_119, %scan3A_120 : i32
    %scan3A_122 = arith.constant 1 : i32
    scf.for %scan3A_131 = %scan3A_119 to %scan3A_121 step %scan3A_122  : i32 {
      %mul3A_132 = arith.constant 2 : i32
      %mul3A_133 = arith.muli %mul3A_132, %scan3A_131 : i32
      %add3A_134 = arith.constant 1 : i32
      %add3A_135 = arith.addi %mul3A_133, %add3A_134 : i32
      %mul3A_136 = arith.constant 8192 : i32
      %mul3A_137 = arith.muli %mul3A_133, %mul3A_136 : i32
      %add3A_138 = arith.addi %mul3A_67, %mul3A_137 : i32
      %dma_wait3A_139 = tpu.memref_slice %arg2[%add3A_138] : memref<12582912xf32, #tpu.memory_space<hbm>> -> memref<8192xf32, #tpu.memory_space<hbm>>
      %dma_wait3A_140 = tpu.memref_slice %arg2[%add3A_138] : memref<12582912xf32, #tpu.memory_space<hbm>> -> memref<8192xf32, #tpu.memory_space<hbm>>
      tpu.wait_dma2 semaphore(%arg15 : memref<!tpu.dma_semaphore, #tpu.memory_space<semaphore_mem>>) src(%dma_wait3A_140 : memref<8192xf32, #tpu.memory_space<hbm>>) dst(%arg5 : memref<8192xf32, #tpu.memory_space<vmem>>)
      %mul3A_141 = arith.constant 8192 : i32
      %mul3A_142 = arith.muli %add3A_135, %mul3A_141 : i32
      %add3A_143 = arith.addi %mul3A_67, %mul3A_142 : i32
      %dma_start3A_144 = tpu.memref_slice %arg2[%add3A_143] : memref<12582912xf32, #tpu.memory_space<hbm>> -> memref<8192xf32, #tpu.memory_space<hbm>>
      %dma_start3A_145 = tpu.memref_slice %arg2[%add3A_143] : memref<12582912xf32, #tpu.memory_space<hbm>> -> memref<8192xf32, #tpu.memory_space<hbm>>
      tpu.enqueue_dma source(%dma_start3A_145 : memref<8192xf32, #tpu.memory_space<hbm>>) target(%arg6 : memref<8192xf32, #tpu.memory_space<vmem>>) target_semaphore(%arg16 : memref<!tpu.dma_semaphore, #tpu.memory_space<semaphore_mem>>)
      %gt3A = arith.constant 0 : i32
      %gt3A_146 = arith.cmpi sgt, %scan3A_131, %gt3A : i32
      %convert_element_type3A = arith.extui %gt3A_146 : i1 to i32
      %cond3A = arith.constant 0 : i32
      %cond3A_147 = arith.cmpi ne, %convert_element_type3A, %cond3A : i32
      scf.if %cond3A_147 {
        %sub3A_181 = arith.constant 2 : i32
        %sub3A_182 = arith.subi %mul3A_133, %sub3A_181 : i32
        %mul3A_183 = arith.constant 8192 : i32
        %mul3A_184 = arith.muli %sub3A_182, %mul3A_183 : i32
        %add3A_185 = arith.addi %mul3A_72, %mul3A_184 : i32
        %dma_wait3A_186 = tpu.memref_slice %arg3[%add3A_185] : memref<8388608xf32, #tpu.memory_space<hbm>> -> memref<8192xf32, #tpu.memory_space<hbm>>
        %dma_wait3A_187 = tpu.memref_slice %arg3[%add3A_185] : memref<8388608xf32, #tpu.memory_space<hbm>> -> memref<8192xf32, #tpu.memory_space<hbm>>
        tpu.wait_dma2 semaphore(%arg17 : memref<!tpu.dma_semaphore, #tpu.memory_space<semaphore_mem>>) src(%arg7 : memref<8192xf32, #tpu.memory_space<vmem>>) dst(%dma_wait3A_187 : memref<8192xf32, #tpu.memory_space<hbm>>)
      } else {
      }
      %parallel_loop3A_148 = arith.constant 0 : i32
      %parallel_loop3A_149 = arith.constant 512 : i32
      %parallel_loop3A_150 = arith.constant 1 : i32
      scf.for %parallel_loop3A_181 = %parallel_loop3A_148 to %parallel_loop3A_149 step %parallel_loop3A_150  : i32 {
        %parallel_loop3A_182 = arith.constant 16 : i32
        %parallel_loop3A_183 = arith.muli %parallel_loop3A_181, %parallel_loop3A_182 : i32
        %parallel_loop3A_184 = arith.index_cast %parallel_loop3A_183 : i32 to index
        %parallel_loop3A_185 = tpu.vector_load %arg5[%parallel_loop3A_184] {strides = array<i32>} : memref<8192xf32, #tpu.memory_space<vmem>>, vector<16xf32>,
        %parallel_loop3A_186 = arith.constant -2.500000e-01 : f32
        %parallel_loop3A_187 = vector.broadcast %parallel_loop3A_186 : f32 to vector<16xf32>
        %parallel_loop3A_188 = arith.subf %parallel_loop3A_185, %parallel_loop3A_187 : vector<16xf32>
        %parallel_loop3A_189 = arith.constant 1365.33337 : f32
        %parallel_loop3A_190 = vector.broadcast %parallel_loop3A_189 : f32 to vector<16xf32>
        %parallel_loop3A_191 = arith.mulf %parallel_loop3A_188, %parallel_loop3A_190 : vector<16xf32>
        %parallel_loop3A_192 = arith.constant 0.000000e+00 : f32
        %parallel_loop3A_193 = arith.constant 2047 : i32
        %parallel_loop3A_194 = vector.broadcast %parallel_loop3A_192 : f32 to vector<16xf32>
        %parallel_loop3A_195 = arith.maximumf %parallel_loop3A_194, %parallel_loop3A_191 : vector<16xf32>
        %parallel_loop3A_196 = arith.sitofp %parallel_loop3A_193 : i32 to f32
        %parallel_loop3A_197 = vector.broadcast %parallel_loop3A_196 : f32 to vector<16xf32>
        %parallel_loop3A_198 = arith.minimumf %parallel_loop3A_197, %parallel_loop3A_195 : vector<16xf32>
        %parallel_loop3A_199 = arith.fptosi %parallel_loop3A_198 : vector<16xf32> to vector<16xi32>
        %parallel_loop3A_200 = arith.sitofp %parallel_loop3A_199 : vector<16xi32> to vector<16xf32>
        %parallel_loop3A_201 = arith.subf %parallel_loop3A_198, %parallel_loop3A_200 : vector<16xf32>
        %parallel_loop3A_202 = arith.constant 0.000000e+00 : f32
        %parallel_loop3A_203 = arith.constant 1.000000e+00 : f32
        %parallel_loop3A_204 = vector.broadcast %parallel_loop3A_202 : f32 to vector<16xf32>
        %parallel_loop3A_205 = arith.maximumf %parallel_loop3A_204, %parallel_loop3A_201 : vector<16xf32>
        %parallel_loop3A_206 = vector.broadcast %parallel_loop3A_203 : f32 to vector<16xf32>
        %parallel_loop3A_207 = arith.minimumf %parallel_loop3A_206, %parallel_loop3A_205 : vector<16xf32>
        %parallel_loop3A_208 = tpu.vector_load_idx %arg14[%parallel_loop3A_199] : memref<2064xf32, #tpu.memory_space<vmem>>[vector<16xi32>], vector<16xf32>,
        %parallel_loop3A_209 = arith.constant 1 : i32
        %parallel_loop3A_210 = vector.broadcast %parallel_loop3A_209 : i32 to vector<16xi32>
        %parallel_loop3A_211 = arith.addi %parallel_loop3A_199, %parallel_loop3A_210 : vector<16xi32>
        %parallel_loop3A_212 = tpu.vector_load_idx %arg14[%parallel_loop3A_211] : memref<2064xf32, #tpu.memory_space<vmem>>[vector<16xi32>], vector<16xf32>,
        %parallel_loop3A_213 = arith.subf %parallel_loop3A_212, %parallel_loop3A_208 : vector<16xf32>
        %parallel_loop3A_214 = arith.mulf %parallel_loop3A_207, %parallel_loop3A_213 : vector<16xf32>
        %parallel_loop3A_215 = arith.addf %parallel_loop3A_208, %parallel_loop3A_214 : vector<16xf32>
        %parallel_loop3A_216 = arith.constant 16 : i32
        %parallel_loop3A_217 = arith.muli %parallel_loop3A_181, %parallel_loop3A_216 : i32
        %parallel_loop3A_218 = arith.index_cast %parallel_loop3A_217 : i32 to index
        %parallel_loop3A_219 = tpu.vector_load %arg7[%parallel_loop3A_218] {strides = array<i32>} : memref<8192xf32, #tpu.memory_space<vmem>>, vector<16xf32>,
        tpu.vector_store %arg7[%parallel_loop3A_218], %parallel_loop3A_215 {strides = array<i32>} : memref<8192xf32, #tpu.memory_space<vmem>>, vector<16xf32>,
      } {sc.loop_unroll_factor = 8 : i64, sc.parallel_access}
      %mul3A_151 = arith.constant 8192 : i32
      %mul3A_152 = arith.muli %mul3A_133, %mul3A_151 : i32
      %add3A_153 = arith.addi %mul3A_72, %mul3A_152 : i32
      %dma_start3A_154 = tpu.memref_slice %arg3[%add3A_153] : memref<8388608xf32, #tpu.memory_space<hbm>> -> memref<8192xf32, #tpu.memory_space<hbm>>
      %dma_start3A_155 = tpu.memref_slice %arg3[%add3A_153] : memref<8388608xf32, #tpu.memory_space<hbm>> -> memref<8192xf32, #tpu.memory_space<hbm>>
      tpu.enqueue_dma source(%arg7 : memref<8192xf32, #tpu.memory_space<vmem>>) target(%dma_start3A_155 : memref<8192xf32, #tpu.memory_space<hbm>>) target_semaphore(%arg17 : memref<!tpu.dma_semaphore, #tpu.memory_space<semaphore_mem>>)
      %mul3A_156 = arith.constant 8192 : i32
      %mul3A_157 = arith.muli %add3A_135, %mul3A_156 : i32
      %add3A_158 = arith.addi %mul3A_67, %mul3A_157 : i32
      %dma_wait3A_159 = tpu.memref_slice %arg2[%add3A_158] : memref<12582912xf32, #tpu.memory_space<hbm>> -> memref<8192xf32, #tpu.memory_space<hbm>>
      %dma_wait3A_160 = tpu.memref_slice %arg2[%add3A_158] : memref<12582912xf32, #tpu.memory_space<hbm>> -> memref<8192xf32, #tpu.memory_space<hbm>>
      tpu.wait_dma2 semaphore(%arg16 : memref<!tpu.dma_semaphore, #tpu.memory_space<semaphore_mem>>) src(%dma_wait3A_160 : memref<8192xf32, #tpu.memory_space<hbm>>) dst(%arg6 : memref<8192xf32, #tpu.memory_space<vmem>>)
      %add3A_161 = arith.constant 1 : i32
      %add3A_162 = arith.addi %add3A_135, %add3A_161 : i32
      %lt3A_163 = arith.constant 32 : i32
      %lt3A_164 = arith.cmpi slt, %add3A_162, %lt3A_163 : i32
      %convert_element_type3A_165 = arith.extui %lt3A_164 : i1 to i32
      %cond3A_166 = arith.constant 0 : i32
      %cond3A_167 = arith.cmpi ne, %convert_element_type3A_165, %cond3A_166 : i32
      scf.if %cond3A_167 {
        %add3A_181 = arith.constant 1 : i32
        %add3A_182 = arith.addi %add3A_135, %add3A_181 : i32
        %mul3A_183 = arith.constant 8192 : i32
        %mul3A_184 = arith.muli %add3A_182, %mul3A_183 : i32
        %add3A_185 = arith.addi %mul3A_67, %mul3A_184 : i32
        %dma_start3A_186 = tpu.memref_slice %arg2[%add3A_185] : memref<12582912xf32, #tpu.memory_space<hbm>> -> memref<8192xf32, #tpu.memory_space<hbm>>
        %dma_start3A_187 = tpu.memref_slice %arg2[%add3A_185] : memref<12582912xf32, #tpu.memory_space<hbm>> -> memref<8192xf32, #tpu.memory_space<hbm>>
        tpu.enqueue_dma source(%dma_start3A_187 : memref<8192xf32, #tpu.memory_space<hbm>>) target(%arg5 : memref<8192xf32, #tpu.memory_space<vmem>>) target_semaphore(%arg15 : memref<!tpu.dma_semaphore, #tpu.memory_space<semaphore_mem>>)
      } else {
      }
      %gt3A_168 = arith.constant 0 : i32
      %gt3A_169 = arith.cmpi sgt, %scan3A_131, %gt3A_168 : i32
      %convert_element_type3A_170 = arith.extui %gt3A_169 : i1 to i32
      %cond3A_171 = arith.constant 0 : i32
      %cond3A_172 = arith.cmpi ne, %convert_element_type3A_170, %cond3A_171 : i32
      scf.if %cond3A_172 {
        %sub3A_181 = arith.constant 2 : i32
        %sub3A_182 = arith.subi %add3A_135, %sub3A_181 : i32
        %mul3A_183 = arith.constant 8192 : i32
        %mul3A_184 = arith.muli %sub3A_182, %mul3A_183 : i32
        %add3A_185 = arith.addi %mul3A_72, %mul3A_184 : i32
        %dma_wait3A_186 = tpu.memref_slice %arg3[%add3A_185] : memref<8388608xf32, #tpu.memory_space<hbm>> -> memref<8192xf32, #tpu.memory_space<hbm>>
        %dma_wait3A_187 = tpu.memref_slice %arg3[%add3A_185] : memref<8388608xf32, #tpu.memory_space<hbm>> -> memref<8192xf32, #tpu.memory_space<hbm>>
        tpu.wait_dma2 semaphore(%arg18 : memref<!tpu.dma_semaphore, #tpu.memory_space<semaphore_mem>>) src(%arg8 : memref<8192xf32, #tpu.memory_space<vmem>>) dst(%dma_wait3A_187 : memref<8192xf32, #tpu.memory_space<hbm>>)
      } else {
      }
      %parallel_loop3A_173 = arith.constant 0 : i32
      %parallel_loop3A_174 = arith.constant 512 : i32
      %parallel_loop3A_175 = arith.constant 1 : i32
      scf.for %parallel_loop3A_181 = %parallel_loop3A_173 to %parallel_loop3A_174 step %parallel_loop3A_175  : i32 {
        %parallel_loop3A_182 = arith.constant 16 : i32
        %parallel_loop3A_183 = arith.muli %parallel_loop3A_181, %parallel_loop3A_182 : i32
        %parallel_loop3A_184 = arith.index_cast %parallel_loop3A_183 : i32 to index
        %parallel_loop3A_185 = tpu.vector_load %arg6[%parallel_loop3A_184] {strides = array<i32>} : memref<8192xf32, #tpu.memory_space<vmem>>, vector<16xf32>,
        %parallel_loop3A_186 = arith.constant -2.500000e-01 : f32
        %parallel_loop3A_187 = vector.broadcast %parallel_loop3A_186 : f32 to vector<16xf32>
        %parallel_loop3A_188 = arith.subf %parallel_loop3A_185, %parallel_loop3A_187 : vector<16xf32>
        %parallel_loop3A_189 = arith.constant 1365.33337 : f32
        %parallel_loop3A_190 = vector.broadcast %parallel_loop3A_189 : f32 to vector<16xf32>
        %parallel_loop3A_191 = arith.mulf %parallel_loop3A_188, %parallel_loop3A_190 : vector<16xf32>
        %parallel_loop3A_192 = arith.constant 0.000000e+00 : f32
        %parallel_loop3A_193 = arith.constant 2047 : i32
        %parallel_loop3A_194 = vector.broadcast %parallel_loop3A_192 : f32 to vector<16xf32>
        %parallel_loop3A_195 = arith.maximumf %parallel_loop3A_194, %parallel_loop3A_191 : vector<16xf32>
        %parallel_loop3A_196 = arith.sitofp %parallel_loop3A_193 : i32 to f32
        %parallel_loop3A_197 = vector.broadcast %parallel_loop3A_196 : f32 to vector<16xf32>
        %parallel_loop3A_198 = arith.minimumf %parallel_loop3A_197, %parallel_loop3A_195 : vector<16xf32>
        %parallel_loop3A_199 = arith.fptosi %parallel_loop3A_198 : vector<16xf32> to vector<16xi32>
        %parallel_loop3A_200 = arith.sitofp %parallel_loop3A_199 : vector<16xi32> to vector<16xf32>
        %parallel_loop3A_201 = arith.subf %parallel_loop3A_198, %parallel_loop3A_200 : vector<16xf32>
        %parallel_loop3A_202 = arith.constant 0.000000e+00 : f32
        %parallel_loop3A_203 = arith.constant 1.000000e+00 : f32
        %parallel_loop3A_204 = vector.broadcast %parallel_loop3A_202 : f32 to vector<16xf32>
        %parallel_loop3A_205 = arith.maximumf %parallel_loop3A_204, %parallel_loop3A_201 : vector<16xf32>
        %parallel_loop3A_206 = vector.broadcast %parallel_loop3A_203 : f32 to vector<16xf32>
        %parallel_loop3A_207 = arith.minimumf %parallel_loop3A_206, %parallel_loop3A_205 : vector<16xf32>
        %parallel_loop3A_208 = tpu.vector_load_idx %arg14[%parallel_loop3A_199] : memref<2064xf32, #tpu.memory_space<vmem>>[vector<16xi32>], vector<16xf32>,
        %parallel_loop3A_209 = arith.constant 1 : i32
        %parallel_loop3A_210 = vector.broadcast %parallel_loop3A_209 : i32 to vector<16xi32>
        %parallel_loop3A_211 = arith.addi %parallel_loop3A_199, %parallel_loop3A_210 : vector<16xi32>
        %parallel_loop3A_212 = tpu.vector_load_idx %arg14[%parallel_loop3A_211] : memref<2064xf32, #tpu.memory_space<vmem>>[vector<16xi32>], vector<16xf32>,
        %parallel_loop3A_213 = arith.subf %parallel_loop3A_212, %parallel_loop3A_208 : vector<16xf32>
        %parallel_loop3A_214 = arith.mulf %parallel_loop3A_207, %parallel_loop3A_213 : vector<16xf32>
        %parallel_loop3A_215 = arith.addf %parallel_loop3A_208, %parallel_loop3A_214 : vector<16xf32>
        %parallel_loop3A_216 = arith.constant 16 : i32
        %parallel_loop3A_217 = arith.muli %parallel_loop3A_181, %parallel_loop3A_216 : i32
        %parallel_loop3A_218 = arith.index_cast %parallel_loop3A_217 : i32 to index
        %parallel_loop3A_219 = tpu.vector_load %arg8[%parallel_loop3A_218] {strides = array<i32>} : memref<8192xf32, #tpu.memory_space<vmem>>, vector<16xf32>,
        tpu.vector_store %arg8[%parallel_loop3A_218], %parallel_loop3A_215 {strides = array<i32>} : memref<8192xf32, #tpu.memory_space<vmem>>, vector<16xf32>,
      } {sc.loop_unroll_factor = 8 : i64, sc.parallel_access}
      %mul3A_176 = arith.constant 8192 : i32
      %mul3A_177 = arith.muli %add3A_135, %mul3A_176 : i32
      %add3A_178 = arith.addi %mul3A_72, %mul3A_177 : i32
      %dma_start3A_179 = tpu.memref_slice %arg3[%add3A_178] : memref<8388608xf32, #tpu.memory_space<hbm>> -> memref<8192xf32, #tpu.memory_space<hbm>>
      %dma_start3A_180 = tpu.memref_slice %arg3[%add3A_178] : memref<8388608xf32, #tpu.memory_space<hbm>> -> memref<8192xf32, #tpu.memory_space<hbm>>
      tpu.enqueue_dma source(%arg8 : memref<8192xf32, #tpu.memory_space<vmem>>) target(%dma_start3A_180 : memref<8192xf32, #tpu.memory_space<hbm>>) target_semaphore(%arg18 : memref<!tpu.dma_semaphore, #tpu.memory_space<semaphore_mem>>)
    }
    %scan3A_123 = arith.constant 16 : i32
    %add3A_124 = arith.constant 245760 : i32
    %add3A_125 = arith.addi %mul3A_72, %add3A_124 : i32
    %dma_wait3A = tpu.memref_slice %arg3[%add3A_125] : memref<8388608xf32, #tpu.memory_space<hbm>> -> memref<8192xf32, #tpu.memory_space<hbm>>
    %dma_wait3A_126 = tpu.memref_slice %arg3[%add3A_125] : memref<8388608xf32, #tpu.memory_space<hbm>> -> memref<8192xf32, #tpu.memory_space<hbm>>
    tpu.wait_dma2 semaphore(%arg17 : memref<!tpu.dma_semaphore, #tpu.memory_space<semaphore_mem>>) src(%arg7 : memref<8192xf32, #tpu.memory_space<vmem>>) dst(%dma_wait3A_126 : memref<8192xf32, #tpu.memory_space<hbm>>)
    %add3A_127 = arith.constant 253952 : i32
    %add3A_128 = arith.addi %mul3A_72, %add3A_127 : i32
    %dma_wait3A_129 = tpu.memref_slice %arg3[%add3A_128] : memref<8388608xf32, #tpu.memory_space<hbm>> -> memref<8192xf32, #tpu.memory_space<hbm>>
    %dma_wait3A_130 = tpu.memref_slice %arg3[%add3A_128] : memref<8388608xf32, #tpu.memory_space<hbm>> -> memref<8192xf32, #tpu.memory_space<hbm>>
    tpu.wait_dma2 semaphore(%arg18 : memref<!tpu.dma_semaphore, #tpu.memory_space<semaphore_mem>>) src(%arg8 : memref<8192xf32, #tpu.memory_space<vmem>>) dst(%dma_wait3A_130 : memref<8192xf32, #tpu.memory_space<hbm>>)
    return
  }
}

module attributes {stable_mosaic.version = 14 : i64} {
  func.func @_rgb2ycbcr_body(%arg0: i32, %arg1: i32, %arg2: memref<1x3x128x512xf32, #tpu.memory_space<vmem>>, %arg3: memref<1x3x128x512xf32, #tpu.memory_space<vmem>>) attributes {dimension_semantics = [#tpu.dimension_semantics<arbitrary>, #tpu.dimension_semantics<arbitrary>], iteration_bounds = array<i64: 16, 4>, scalar_prefetch = 0 : i64, scratch_operands = 0 : i64, tpu.core_type = #tpu.core_type<tc>, window_params = [{transform_indices = @transform_0, window_bounds = array<i64: 1, 3, 128, 512>}, {transform_indices = @transform_1, window_bounds = array<i64: 1, 3, 128, 512>}]} {
    %get3A = arith.constant 0 : index
    %get3A_0 = arith.constant 0 : index
    %get3A_1 = arith.constant 0 : index
    %get3A_2 = arith.constant 0 : index
    %get3A_3 = vector.load %arg2[%get3A, %get3A_0, %get3A_1, %get3A_2] : memref<1x3x128x512xf32, #tpu.memory_space<vmem>>, vector<1x1x128x512xf32>
    %get3A_4 = vector.shape_cast %get3A_3 : vector<1x1x128x512xf32> to vector<128x512xf32>
    %get3A_5 = arith.constant 0 : index
    %get3A_6 = arith.constant 1 : index
    %get3A_7 = arith.constant 0 : index
    %get3A_8 = arith.constant 0 : index
    %get3A_9 = vector.load %arg2[%get3A_5, %get3A_6, %get3A_7, %get3A_8] : memref<1x3x128x512xf32, #tpu.memory_space<vmem>>, vector<1x1x128x512xf32>
    %get3A_10 = vector.shape_cast %get3A_9 : vector<1x1x128x512xf32> to vector<128x512xf32>
    %get3A_11 = arith.constant 0 : index
    %get3A_12 = arith.constant 2 : index
    %get3A_13 = arith.constant 0 : index
    %get3A_14 = arith.constant 0 : index
    %get3A_15 = vector.load %arg2[%get3A_11, %get3A_12, %get3A_13, %get3A_14] : memref<1x3x128x512xf32, #tpu.memory_space<vmem>>, vector<1x1x128x512xf32>
    %get3A_16 = vector.shape_cast %get3A_15 : vector<1x1x128x512xf32> to vector<128x512xf32>
    %mul3A = arith.constant 2.990000e-01 : f32
    %mul3A_17 = vector.broadcast %mul3A : f32 to vector<128x512xf32>
    %mul3A_18 = arith.mulf %mul3A_17, %get3A_4 : vector<128x512xf32>
    %mul3A_19 = arith.constant 5.870000e-01 : f32
    %mul3A_20 = vector.broadcast %mul3A_19 : f32 to vector<128x512xf32>
    %mul3A_21 = arith.mulf %mul3A_20, %get3A_10 : vector<128x512xf32>
    %add3A = arith.addf %mul3A_18, %mul3A_21 : vector<128x512xf32>
    %mul3A_22 = arith.constant 1.140000e-01 : f32
    %mul3A_23 = vector.broadcast %mul3A_22 : f32 to vector<128x512xf32>
    %mul3A_24 = arith.mulf %mul3A_23, %get3A_16 : vector<128x512xf32>
    %add3A_25 = arith.addf %add3A, %mul3A_24 : vector<128x512xf32>
    %swap3A = arith.constant 0 : index
    %swap3A_26 = arith.constant 0 : index
    %swap3A_27 = arith.constant 0 : index
    %swap3A_28 = arith.constant 0 : index
    %swap3A_29 = vector.load %arg3[%swap3A, %swap3A_26, %swap3A_27, %swap3A_28] : memref<1x3x128x512xf32, #tpu.memory_space<vmem>>, vector<1x1x128x512xf32>
    %swap3A_30 = vector.shape_cast %swap3A_29 : vector<1x1x128x512xf32> to vector<128x512xf32>
    %swap3A_31 = vector.shape_cast %add3A_25 : vector<128x512xf32> to vector<1x1x128x512xf32>
    tpu.vector_store %arg3[%swap3A, %swap3A_26, %swap3A_27, %swap3A_28], %swap3A_31 {strides = array<i32>} : memref<1x3x128x512xf32, #tpu.memory_space<vmem>>, vector<1x1x128x512xf32>,
    %sub3A = arith.subf %get3A_16, %add3A_25 : vector<128x512xf32>
    %mul3A_32 = arith.constant 5.640000e-01 : f32
    %mul3A_33 = vector.broadcast %mul3A_32 : f32 to vector<128x512xf32>
    %mul3A_34 = arith.mulf %sub3A, %mul3A_33 : vector<128x512xf32>
    %add3A_35 = arith.constant 5.000000e-01 : f32
    %add3A_36 = vector.broadcast %add3A_35 : f32 to vector<128x512xf32>
    %add3A_37 = arith.addf %mul3A_34, %add3A_36 : vector<128x512xf32>
    %swap3A_38 = arith.constant 0 : index
    %swap3A_39 = arith.constant 1 : index
    %swap3A_40 = arith.constant 0 : index
    %swap3A_41 = arith.constant 0 : index
    %swap3A_42 = vector.load %arg3[%swap3A_38, %swap3A_39, %swap3A_40, %swap3A_41] : memref<1x3x128x512xf32, #tpu.memory_space<vmem>>, vector<1x1x128x512xf32>
    %swap3A_43 = vector.shape_cast %swap3A_42 : vector<1x1x128x512xf32> to vector<128x512xf32>
    %swap3A_44 = vector.shape_cast %add3A_37 : vector<128x512xf32> to vector<1x1x128x512xf32>
    tpu.vector_store %arg3[%swap3A_38, %swap3A_39, %swap3A_40, %swap3A_41], %swap3A_44 {strides = array<i32>} : memref<1x3x128x512xf32, #tpu.memory_space<vmem>>, vector<1x1x128x512xf32>,
    %sub3A_45 = arith.subf %get3A_4, %add3A_25 : vector<128x512xf32>
    %mul3A_46 = arith.constant 0.712999999 : f32
    %mul3A_47 = vector.broadcast %mul3A_46 : f32 to vector<128x512xf32>
    %mul3A_48 = arith.mulf %sub3A_45, %mul3A_47 : vector<128x512xf32>
    %add3A_49 = arith.constant 5.000000e-01 : f32
    %add3A_50 = vector.broadcast %add3A_49 : f32 to vector<128x512xf32>
    %add3A_51 = arith.addf %mul3A_48, %add3A_50 : vector<128x512xf32>
    %swap3A_52 = arith.constant 0 : index
    %swap3A_53 = arith.constant 2 : index
    %swap3A_54 = arith.constant 0 : index
    %swap3A_55 = arith.constant 0 : index
    %swap3A_56 = vector.load %arg3[%swap3A_52, %swap3A_53, %swap3A_54, %swap3A_55] : memref<1x3x128x512xf32, #tpu.memory_space<vmem>>, vector<1x1x128x512xf32>
    %swap3A_57 = vector.shape_cast %swap3A_56 : vector<1x1x128x512xf32> to vector<128x512xf32>
    %swap3A_58 = vector.shape_cast %add3A_51 : vector<128x512xf32> to vector<1x1x128x512xf32>
    tpu.vector_store %arg3[%swap3A_52, %swap3A_53, %swap3A_54, %swap3A_55], %swap3A_58 {strides = array<i32>} : memref<1x3x128x512xf32, #tpu.memory_space<vmem>>, vector<1x1x128x512xf32>,
    return
  }
  func.func @transform_0(%arg0: i32, %arg1: i32) -> (i32, i32, i32, i32) {
    %c0_i32 = arith.constant 0 : i32
    %c0_i32_0 = arith.constant 0 : i32
    %c0_i32_1 = arith.constant 0 : i32
    return %arg0, %c0_i32, %arg1, %c0_i32_0 : i32, i32, i32, i32
  }
  func.func @transform_1(%arg0: i32, %arg1: i32) -> (i32, i32, i32, i32) {
    %c0_i32 = arith.constant 0 : i32
    %c0_i32_0 = arith.constant 0 : i32
    %c0_i32_1 = arith.constant 0 : i32
    return %arg0, %c0_i32, %arg1, %c0_i32_0 : i32, i32, i32, i32
  }
}

module attributes {stable_mosaic.version = 14 : i64} {
  func.func @_recon_body(%arg0: i32, %arg1: i32, %arg2: memref<1x1x128x512xf32, #tpu.memory_space<vmem>>, %arg3: memref<1x2x128x512xf32, #tpu.memory_space<vmem>>, %arg4: memref<1x3x128x512xf32, #tpu.memory_space<vmem>>) attributes {dimension_semantics = [#tpu.dimension_semantics<arbitrary>, #tpu.dimension_semantics<arbitrary>], iteration_bounds = array<i64: 16, 4>, scalar_prefetch = 0 : i64, scratch_operands = 0 : i64, tpu.core_type = #tpu.core_type<tc>, window_params = [{transform_indices = @transform_0, window_bounds = array<i64: 1, 1, 128, 512>}, {transform_indices = @transform_1, window_bounds = array<i64: 1, 2, 128, 512>}, {transform_indices = @transform_2, window_bounds = array<i64: 1, 3, 128, 512>}]} {
    %get3A = arith.constant 0 : index
    %get3A_0 = arith.constant 0 : index
    %get3A_1 = arith.constant 0 : index
    %get3A_2 = arith.constant 0 : index
    %get3A_3 = vector.load %arg2[%get3A, %get3A_0, %get3A_1, %get3A_2] : memref<1x1x128x512xf32, #tpu.memory_space<vmem>>, vector<1x1x128x512xf32>
    %get3A_4 = vector.shape_cast %get3A_3 : vector<1x1x128x512xf32> to vector<128x512xf32>
    %get3A_5 = arith.constant 0 : index
    %get3A_6 = arith.constant 0 : index
    %get3A_7 = arith.constant 0 : index
    %get3A_8 = arith.constant 0 : index
    %get3A_9 = vector.load %arg3[%get3A_5, %get3A_6, %get3A_7, %get3A_8] : memref<1x2x128x512xf32, #tpu.memory_space<vmem>>, vector<1x1x128x512xf32>
    %get3A_10 = vector.shape_cast %get3A_9 : vector<1x1x128x512xf32> to vector<128x512xf32>
    %sub3A = arith.constant 5.000000e-01 : f32
    %sub3A_11 = vector.broadcast %sub3A : f32 to vector<128x512xf32>
    %sub3A_12 = arith.subf %get3A_10, %sub3A_11 : vector<128x512xf32>
    %get3A_13 = arith.constant 0 : index
    %get3A_14 = arith.constant 1 : index
    %get3A_15 = arith.constant 0 : index
    %get3A_16 = arith.constant 0 : index
    %get3A_17 = vector.load %arg3[%get3A_13, %get3A_14, %get3A_15, %get3A_16] : memref<1x2x128x512xf32, #tpu.memory_space<vmem>>, vector<1x1x128x512xf32>
    %get3A_18 = vector.shape_cast %get3A_17 : vector<1x1x128x512xf32> to vector<128x512xf32>
    %sub3A_19 = arith.constant 5.000000e-01 : f32
    %sub3A_20 = vector.broadcast %sub3A_19 : f32 to vector<128x512xf32>
    %sub3A_21 = arith.subf %get3A_18, %sub3A_20 : vector<128x512xf32>
    %mul3A = arith.constant 1.403000e+00 : f32
    %mul3A_22 = vector.broadcast %mul3A : f32 to vector<128x512xf32>
    %mul3A_23 = arith.mulf %mul3A_22, %sub3A_21 : vector<128x512xf32>
    %add3A = arith.addf %get3A_4, %mul3A_23 : vector<128x512xf32>
    %swap3A = arith.constant 0 : index
    %swap3A_24 = arith.constant 0 : index
    %swap3A_25 = arith.constant 0 : index
    %swap3A_26 = arith.constant 0 : index
    %swap3A_27 = vector.load %arg4[%swap3A, %swap3A_24, %swap3A_25, %swap3A_26] : memref<1x3x128x512xf32, #tpu.memory_space<vmem>>, vector<1x1x128x512xf32>
    %swap3A_28 = vector.shape_cast %swap3A_27 : vector<1x1x128x512xf32> to vector<128x512xf32>
    %swap3A_29 = vector.shape_cast %add3A : vector<128x512xf32> to vector<1x1x128x512xf32>
    tpu.vector_store %arg4[%swap3A, %swap3A_24, %swap3A_25, %swap3A_26], %swap3A_29 {strides = array<i32>} : memref<1x3x128x512xf32, #tpu.memory_space<vmem>>, vector<1x1x128x512xf32>,
    %mul3A_30 = arith.constant 7.140000e-01 : f32
    %mul3A_31 = vector.broadcast %mul3A_30 : f32 to vector<128x512xf32>
    %mul3A_32 = arith.mulf %mul3A_31, %sub3A_21 : vector<128x512xf32>
    %sub3A_33 = arith.subf %get3A_4, %mul3A_32 : vector<128x512xf32>
    %mul3A_34 = arith.constant 3.440000e-01 : f32
    %mul3A_35 = vector.broadcast %mul3A_34 : f32 to vector<128x512xf32>
    %mul3A_36 = arith.mulf %mul3A_35, %sub3A_12 : vector<128x512xf32>
    %sub3A_37 = arith.subf %sub3A_33, %mul3A_36 : vector<128x512xf32>
    %swap3A_38 = arith.constant 0 : index
    %swap3A_39 = arith.constant 1 : index
    %swap3A_40 = arith.constant 0 : index
    %swap3A_41 = arith.constant 0 : index
    %swap3A_42 = vector.load %arg4[%swap3A_38, %swap3A_39, %swap3A_40, %swap3A_41] : memref<1x3x128x512xf32, #tpu.memory_space<vmem>>, vector<1x1x128x512xf32>
    %swap3A_43 = vector.shape_cast %swap3A_42 : vector<1x1x128x512xf32> to vector<128x512xf32>
    %swap3A_44 = vector.shape_cast %sub3A_37 : vector<128x512xf32> to vector<1x1x128x512xf32>
    tpu.vector_store %arg4[%swap3A_38, %swap3A_39, %swap3A_40, %swap3A_41], %swap3A_44 {strides = array<i32>} : memref<1x3x128x512xf32, #tpu.memory_space<vmem>>, vector<1x1x128x512xf32>,
    %mul3A_45 = arith.constant 1.773000e+00 : f32
    %mul3A_46 = vector.broadcast %mul3A_45 : f32 to vector<128x512xf32>
    %mul3A_47 = arith.mulf %mul3A_46, %sub3A_12 : vector<128x512xf32>
    %add3A_48 = arith.addf %get3A_4, %mul3A_47 : vector<128x512xf32>
    %swap3A_49 = arith.constant 0 : index
    %swap3A_50 = arith.constant 2 : index
    %swap3A_51 = arith.constant 0 : index
    %swap3A_52 = arith.constant 0 : index
    %swap3A_53 = vector.load %arg4[%swap3A_49, %swap3A_50, %swap3A_51, %swap3A_52] : memref<1x3x128x512xf32, #tpu.memory_space<vmem>>, vector<1x1x128x512xf32>
    %swap3A_54 = vector.shape_cast %swap3A_53 : vector<1x1x128x512xf32> to vector<128x512xf32>
    %swap3A_55 = vector.shape_cast %add3A_48 : vector<128x512xf32> to vector<1x1x128x512xf32>
    tpu.vector_store %arg4[%swap3A_49, %swap3A_50, %swap3A_51, %swap3A_52], %swap3A_55 {strides = array<i32>} : memref<1x3x128x512xf32, #tpu.memory_space<vmem>>, vector<1x1x128x512xf32>,
    return
  }
  func.func @transform_0(%arg0: i32, %arg1: i32) -> (i32, i32, i32, i32) {
    %c0_i32 = arith.constant 0 : i32
    %c0_i32_0 = arith.constant 0 : i32
    %c0_i32_1 = arith.constant 0 : i32
    return %arg0, %c0_i32, %arg1, %c0_i32_0 : i32, i32, i32, i32
  }
  func.func @transform_1(%arg0: i32, %arg1: i32) -> (i32, i32, i32, i32) {
    %c0_i32 = arith.constant 0 : i32
    %c0_i32_0 = arith.constant 0 : i32
    %c0_i32_1 = arith.constant 0 : i32
    return %arg0, %c0_i32, %arg1, %c0_i32_0 : i32, i32, i32, i32
  }
  func.func @transform_2(%arg0: i32, %arg1: i32) -> (i32, i32, i32, i32) {
    %c0_i32 = arith.constant 0 : i32
    %c0_i32_0 = arith.constant 0 : i32
    %c0_i32_1 = arith.constant 0 : i32
    return %arg0, %c0_i32, %arg1, %c0_i32_0 : i32, i32, i32, i32
  }
}

</mosaic_0001>

<sc_bundles>
// kernel: kernel.5.cloned.1.call-start
scs
__scs_entry_jumppad:
0x0: {  	(pc) =	sbr.rel $0x88, $3  }
0x1: {  	(tag) =	ssettag $0x0;
	lr =	simm.s32 $0x1  }
0x2: {  	[smem:$0x3FA0] =	sst lr;
	_ =	strace $0xD0000000  }
0x3: {  	_ = 	snop  }
0x4: {  	_ = 	snop  }
0x5: {  	_ = 	snop  }
0x6: {  	_ = 	snop  }
0x7: {  	_ = 	snop  }
__scs_overlays_trampoline_lowered:
0x8: {  	[smem:$0x3FAF] =	sst s0  }
0x9: {  	[smem:$0x3FB0] =	sst s1  }
0xa: {  	[smem:$0x3FB1] =	sst s2  }
0xb: {  	[smem:$0x3FB2] =	sst s3  }
0xc: {  	[smem:$0x3FB3] =	sst s4  }
0xd: {  	[smem:$0x3FB4] =	sst s5  }
0xe: {  	[smem:$0x3FB5] =	sst s6  }
0xf: {  	[smem:$0x3FB6] =	sst s7  }
0x10: {  	[smem:$0x3FB7] =	sst s8  }
0x11: {  	[smem:$0x3FB8] =	sst s9;
	s0 =	simm.s32 @!p0 $0x0  }
0x12: {  	s1 =	sld [smem:$0x3F9E];
	s0 =	simm.s32 @p0 $0x1  }
0x13: {  	[smem:$0x3FB9] =	sst s0;
	s0 =	simm.s32 @!p1 $0x0  }
0x14: {  	s2 =	sld [smem:$0x3F9D];
	s0 =	simm.s32 @p1 $0x1  }
0x15: {  	[smem:$0x3FBA] =	sst s0;
	s0 =	simm.s32 @!p2 $0x0  }
0x16: {  	s3 =	sld [smem:$0x3FDB];
	s0 =	simm.s32 @p2 $0x1  }
0x17: {  	s4 =	simm.s32 $0x1BF5;
	[smem:$0x3FBC] =	sst s0  }
0x18: {  	s0 =	sld [smem:$0x3F9F];
	_ =	swait.ge [sflag:s4], $0x0  }
0x19: {  	s7 =	sld [smem:$0x3FA0]  }
0x1a: {  	s8 =	sadd.s32 $0xFFFFE003, lr  }
0x1b: {  	s9 =	sadd.s32 $0xFFFFFEF7, lr;
	s5 =	simm.s32 $0xFFFFFFFF;
	p2 =	slt.u32 s8, $0xFFFFF086  }
0x1c: {  	p1 =	slt.u32 s9, $0xF7A;
	s5 =	simm.s32 @!p2 $0x0  }
0x1d: {  	s5 =	simm.s32 @p1 $0x1;
	p0 =	seq.s32 s7, s2  }
0x1e: {  	s7 =	smul.u32 @!p0 $0xF7A, s2;
	p2 =	seq.s32 @!p0 s5, $0x0  }
0x1f: {  	s9 =	smul.u32 $0xF7A, s1;
	s8 =	simm.s32 @!p0 $0x1BF5;
	p2 =	por !p2, p0  }
0x20: {  	[sflag:s8] =	ssyncset.s32 @!p0 $0xFFFFF086;
	s6 =	sadd.s32 @!p0 s3, s7;
	s7 =	simm.s32 @!p0 $0x108  }
0x21: {  	s3 =	sadd.s32 s3, s9;
	s6 =	sadd.s32 @!p0 $0x88, s6;
	s7 =	simm.s32 @p2 $0x1082  }
0x22: {  	[simem:s7], [sflag:s8] =	dma.local @!p0 [hbm:s6], $0xF7A  }
0x23: {  	s9 =	sor.u32 $0xD0000000, s2;
	s6 =	simm.s32 $0x108;
	_ =	swait.ge @!p0 [sflag:s8], $0x0  }
0x24: {  	s3 =	sadd.s32 $0x88, s3;
	s6 =	simm.s32 @!p1 $0x1082;
	[sflag:s4] =	ssyncset.s32 $0xFFFFF086  }
0x25: {  	[simem:s6], [sflag:s4] =	dma.local [hbm:s3], $0xF7A  }
0x26: {  	[smem:$0x3FA0] =	sst s1;
	(tag) =	ssettag s2;
	_ =	strace s9  }
0x27: {  	s1 =	sld [smem:$0x3FB0]  }
0x28: {  	s2 =	sld [smem:$0x3FB1]  }
0x29: {  	s4 =	sld [smem:$0x3FB3]  }
0x2a: {  	p0 =	seq.s32 s5, $0x0;
	s5 =	sld [smem:$0x3FB4]  }
0x2b: {  	s6 =	sld [smem:$0x3FB5]  }
0x2c: {  	s7 =	sld [smem:$0x3FB6]  }
0x2d: {  	s3 =	simm.s32 $0x108;
	s8 =	sld [smem:$0x3FB7]  }
0x2e: {  	s3 =	simm.s32 @!p0 $0x1082;
	s9 =	sld [smem:$0x3FB8]  }
0x2f: {  	lr =	sadd.s32 s0, s3;
	s0 =	sld [smem:$0x3FAF]  }
0x30: {  	s3 =	sld [smem:$0x3FB2]  }
0x31: {  	[smem:$0x3FBB] =	sst s10  }
0x32: {  	s10 =	sld [smem:$0x3FB9];
	_ =	sdelay $0x3  }
0x33: {  	p0 =	seq.s32 s10, $0x1;
	s10 =	sld [smem:$0x3FBB];
	_ =	sdelay $0x3  }
0x34: {  	[smem:$0x3FBB] =	sst s10  }
0x35: {  	s10 =	sld [smem:$0x3FBA];
	_ =	sdelay $0x3  }
0x36: {  	p1 =	seq.s32 s10, $0x1;
	s10 =	sld [smem:$0x3FBB];
	_ =	sdelay $0x3  }
0x37: {  	[smem:$0x3FBB] =	sst s10  }
0x38: {  	s10 =	sld [smem:$0x3FBC]  }
0x39: {  	_ = 	snop;
	(pc) =	sbr.ind lr, $3  }
0x3a: {  	_ = 	snop  }
0x3b: {  	_ = 	snop  }
0x3c: {  	p2 =	seq.s32 s10, $0x1;
	s10 =	sld [smem:$0x3FBB]  }
0x3d: {  	_ =	shalt  }
0x3e: {  	_ =	shalt  }
0x3f: {  	_ =	shalt  }
0x40: {  	_ =	shalt  }
0x41: {  	_ =	shalt  }
0x42: {  	_ =	shalt  }
0x43: {  	_ =	shalt  }
0x44: {  	_ =	shalt  }
0x45: {  	_ =	shalt  }
0x46: {  	_ =	shalt  }
0x47: {  	_ =	shalt  }
0x48: {  	_ =	shalt  }
0x49: {  	_ =	shalt  }
0x4a: {  	_ =	shalt  }
0x4b: {  	_ =	shalt  }
0x4c: {  	_ =	shalt  }
0x4d: {  	_ =	shalt  }
0x4e: {  	_ =	shalt  }
0x4f: {  	_ =	shalt  }
0x50: {  	_ =	shalt  }
0x51: {  	_ =	shalt  }
0x52: {  	_ =	shalt  }
0x53: {  	_ =	shalt  }
0x54: {  	_ =	shalt  }
0x55: {  	_ =	shalt  }
0x56: {  	_ =	shalt  }
0x57: {  	_ =	shalt  }
0x58: {  	_ =	shalt  }
0x59: {  	_ =	shalt  }
0x5a: {  	_ =	shalt  }
0x5b: {  	_ =	shalt  }
0x5c: {  	_ =	shalt  }
0x5d: {  	_ =	shalt  }
0x5e: {  	_ =	shalt  }
0x5f: {  	_ =	shalt  }
0x60: {  	_ =	shalt  }
0x61: {  	_ =	shalt  }
0x62: {  	_ =	shalt  }
0x63: {  	_ =	shalt  }
0x64: {  	_ =	shalt  }
0x65: {  	_ =	shalt  }
0x66: {  	_ =	shalt  }
0x67: {  	_ =	shalt  }
0x68: {  	_ =	shalt  }
0x69: {  	_ =	shalt  }
0x6a: {  	_ =	shalt  }
0x6b: {  	_ =	shalt  }
0x6c: {  	_ =	shalt  }
0x6d: {  	_ =	shalt  }
0x6e: {  	_ =	shalt  }
0x6f: {  	_ =	shalt  }
0x70: {  	_ =	shalt  }
0x71: {  	_ =	shalt  }
0x72: {  	_ =	shalt  }
0x73: {  	_ =	shalt  }
0x74: {  	_ =	shalt  }
0x75: {  	_ =	shalt  }
0x76: {  	_ =	shalt  }
0x77: {  	_ =	shalt  }
0x78: {  	_ =	shalt  }
0x79: {  	_ =	shalt  }
0x7a: {  	_ =	shalt  }
0x7b: {  	_ =	shalt  }
0x7c: {  	_ =	shalt  }
0x7d: {  	_ =	shalt  }
0x7e: {  	_ =	shalt  }
0x7f: {  	_ =	shalt  }
0x80: {  	_ =	shalt  }
0x81: {  	_ =	shalt  }
0x82: {  	_ =	shalt  }
0x83: {  	_ =	shalt  }
0x84: {  	_ =	shalt  }
0x85: {  	_ =	shalt  }
0x86: {  	_ =	shalt  }
0x87: {  	_ =	shalt  }
.Lfunc_end0:
.L_simem_size_0:
called_computation.1_lowered:
.L_overlay_start_0:
0x88: {  	s2 =	sld [smem:$0x3FD9]  }
0x89: {  	s3 =	sld [smem:$0x3FFE];
	_ =	sdelay $0x1  }
0x8a: {  	s1 =	srdreg.scid  }
0x8b: {  	s0 =	sand.u32 $0x1, s1  }
0x8c: {  	s16 =	sshll.u32 s0, $0xA;
	s2 =	sadd.s32 s3, s2  }
0x8d: {  	s2 =	sadd.s32 s2, s16  }
0x8e: {  	[smem:$0x3FC7] =	sst s2  }
0x8f: {  	_ = 	snop  }
0x90: {  	(tm) =	ssettm $0x1  }
0x91: {  	s17 =	sld [smem:$0x3FFB];
	_ =	sdelay $0x3  }
0x92: {  	_ =	strace s17  }
0x93: {  	s2 =	sld [smem:$0x3FFC];
	_ =	sdelay $0x3  }
0x94: {  	_ =	strace s2  }
0x95: {  	s2 =	sld [smem:$0x3FFD];
	_ =	sdelay $0x3  }
0x96: {  	_ =	strace s2  }
0x97: {  	_ =	strace $0x8FFFFFFF  }
0x98: {  	s18 =	sld [smem:$0x3FDB];
	_ =	sdelay $0x1  }
0x99: {  	s19 =	simm.s32 $_scs_section_size  }
0x9a: {  	s4 =	simm.s32 $_size__tile_overlayer_lowered;
	s5 =	simm.s32 $_tile_overlayer_lowered  }
0x9b: {  	s22 =	simm.s32 $0x1BFF;
	s21 =	sshll.u32 s5, $0x1;
	s2 =	sadd.s32 s19, s18  }
0x9c: {  	s6 =	simm.s32 $0x0;
	s20 =	sshll.u32 s4, $0x1;
	s4 =	sadd.s32 s21, s2  }
0x9d: {  	[timem:s6], [sflag:s22] =	dma.local [hbm:s4], s20  }
0x9e: {  	_ =	swait.ge [sflag:s22], s20  }
0x9f: {  	s3 =	ssub.s32 $0x0, s20;
	[sflag:s22] =	ssyncset.done $0x0  }
0xa0: {  	[sflag:s22] =	ssyncadd.s32 s3;
	_ =	sdelay $0x1  }
0xa1: {  	s23 =	simm.s32 $0x1B8B  }
0xa2: {  	_ =	swait.ge [sflag:s23], $0x1  }
0xa3: {  	[sflag:s23] =	ssyncset.done $0x0  }
0xa4: {  	s25 =	simm.s32 $0x1B8E;
	s24 =	sld [smem:$0x3FFE];
	[sflag:s23] =	ssyncadd.s32 $0xFFFFFFFF  }
0xa5: {  	s26 =	simm.s32 $execute0_lowered;
	[smem:$0x3FD2] =	sst s25  }
0xa6: {  	s4 =	sshll.u32 s26, $0x1;
	_ =	strace $0x80000049;
	[dreg:$0x1] =	wrdreg $0xFFFFFFFF  }
0xa7: {  	s28 =	simm.s32 $_size_execute0_lowered;
	s2 =	sadd.s32 s2, s4;
	[dreg:$0x0] =	wrdreg $0x0  }
0xa8: {  	s4 =	sshll.u32 s28, $0x1;
	[dreg:$0x2] =	wrdreg s2  }
0xa9: {  	[dreg:$0x3] =	wrdreg s4  }
0xaa: {  	[dreg:$0x4] =	wrdreg $0xC0  }
0xab: {  	_ =	task [dreg:s6], $0x5FFFF  }
0xac: {  	[dreg:$0x1] =	wrdreg $0xFFFFFFFF  }
0xad: {  	[dreg:$0x0] =	wrdreg $0x60  }
0xae: {  	[dreg:$0x2] =	wrdreg s24  }
0xaf: {  	[dreg:$0x3] =	wrdreg $0x9  }
0xb0: {  	_ =	task.clear_ibuf [dreg:s6], $0x4FFFF;
	_ =	strace $0x90000049  }
0xb1: {  	s29 =	simm.s32 $0x9;
	_ =	strace $0x8000004B  }
0xb2: {  	_ =	swait.ge [sflag:s29], $0x1  }
0xb3: {  	[sflag:s29] =	ssyncadd.s32 $0xFFFFFFFF  }
0xb4: {  	_ =	strace $0x9000004B  }
0xb5: {  	_ =	sfence  }
0xb6: {  	s30 =	sld [smem:$0x0];
	_ =	sdelay $0x2  }
0xb7: {  	s31 =	sshll.u32 s1, $0xD;
	s1 =	sshrl.u32 s1, $0x2  }
0xb8: {  	s3 =	sand.u32 $0x4000, s31;
	s1 =	sadd.s32 s1, s30  }
0xb9: {  	s0 =	sor.u32 s3, s0;
	s1 =	sshll.u32 s1, $0x11  }
0xba: {  	s0 =	sor.u32 s1, s0  }
0xbb: {  	s0 =	sadd.s32 $0x8F2B, s0  }
0xbc: {  	[sflag:s0] =	ssyncadd.remote.s32 $0x1  }
0xbd: {  	_ =	sfence.sel $0xFFFF  }
0xbe: {  	[dreg:$0x0] =	wrdreg $0xFFFFFFFF;
	(pc) =	sbr.abs _section_cstart, $3  }
0xbf: {  	[dreg:$0x1] =	wrdreg $0xFFFFFFFF  }
0xc0: {  	_ =	task.clear_ibuf [dreg:s6], $0x2FFFF;
	_ =	strace $0x9FFFFFFF  }
0xc1: {  	(tm) =	ssettm $0x7FFFFFFF  }
tec
execute0_lowered:
.L_overlay_start_1:
0x0: {  	(tag) =	ssettag $0x1  }
0x1: {  	s0 =	rddreg [dreg:$0x0];
	s2 =	simm.s32 $0x0;
	s1 =	srdreg.scid  }
0x2: {  	s7 =	stileid.u32;
	s12 =	simm.s32 $0x1;
	s13 =	simm.s32 $0x2000  }
0x3: {  	s14 =	simm.s32 $0x8000;
	s15 =	simm.s32 $0x2;
	s17 =	simm.s32 $0x5  }
0x4: {  	s19 =	simm.s32 $0x11880;
	s20 =	simm.s32 $0x12100;
	s21 =	simm.s32 $0x4000  }
0x5: {  	s22 =	simm.s32 $0x6000;
	s23 =	simm.s32 $0x3;
	s24 =	simm.s32 $0x4  }
0x6: {  	s25 =	simm.s32 $0x0;
	s1 =	sand.u32 $0x1, s1;
	s3 =	sand.u32 $0xE, s7  }
0x7: {  	[smem:$0x7FF] =	sst s2;
	s4 =	sadd.s32 $0x3C0600, s0;
	s5 =	sor.u32 s1, s3  }
0x8: {  	s7 =	sand.u32 $0x1, s7;
	_ =	strace $0x8000004A;
	s6 =	smul.u32 $0x3, s5  }
0x9: {  	s3 =	sadd.s32 $0x600, s0;
	s0 =	sadd.s32 $0x180600, s0;
	s1 =	ssub.s32 $0x2, s1  }
0xa: {  	s8 =	sshrl.u32 s1, $0x1;
	s5 =	sshll.u32 s5, $0x1;
	s6 =	sadd.s32 s6, s7  }
0xb: {  	v3 =	vimm.s32 $0x400;
	s1 =	ssub.s32 s1, s8;
	s7 =	sor.u32 s7, s5;
	s6 =	sadd.s32 $0x1, s6  }
0xc: {  	s11 =	smax.u32 s1, $0x1;
	s9 =	sshll.u32 s7, $0x8;
	s5 =	sshll.u32 s6, $0x12  }
0xd: {  	s31 =	sshll.u32 s6, $0xF;
	s10 =	sxor.u32 $0x1000, s9;
	s9 =	sadd.s32 s0, s9  }
0xe: {  	v1 =	vlaneseq.u32;
	v0 =	vimm.f32 $0.0e+00;
	s6 =	sshll.u32 s7, $0x12;
	[dreg:$0x2] =	wrdreg s9;
	s0 =	sadd.s32 s0, s10  }
0xf: {  	v2 =	vimm.f32 $1.000000000e+00;
	v4 =	vimm.s32 $0x0;
	v1 =	vmul.u32 $0x800, v1;
	s7 =	sadd.s32 s3, s31;
	s8 =	sor.u32 $0x4000, s5;
	[dreg:$0x3] =	wrdreg s0  }
.LBB2_1:
0x10: {  	s0 =	simm.s32 $0x8040  }
0x11: {  	[tilespmem:s0+$0xFFFFFFC0] =	vst v0  }
0x12: {  	[tilespmem:s0+$0x30] =	vst v0  }
0x13: {  	[tilespmem:s0+$0x20] =	vst v0  }
0x14: {  	[tilespmem:s0+$0x10] =	vst v0  }
0x15: {  	[tilespmem:s0+$0x0] =	vst v0  }
0x16: {  	[tilespmem:s0+$0xFFFFFFF0] =	vst v0  }
0x17: {  	s1 =	simm.s32 $0x0;
	[tilespmem:s0+$0xFFFFFFE0] =	vst v0  }
.LBB2_2:
0x18: {  	s1 =	sadd.s32 $0x8, s1;
	[tilespmem:s0+$0xFFFFFFD0] =	vst v0;
	s0 =	sadd.s32 $0x80, s0  }
0x19: {  	[tilespmem:s0+$0xFFFFFFC0] =	vst v0;
	p0 =	slt.u32 s1, $0x7F8  }
0x1a: {  	[tilespmem:s0+$0x30] =	vst v0  }
.Ltmp0:
0x1b: {  	[tilespmem:s0+$0x20] =	vst v0;
	(pc) =	sbr.rel @p0 .LBB2_2-.Ltmp0, $4  }
0x1c: {  	[tilespmem:s0+$0x10] =	vst v0  }
0x1d: {  	[tilespmem:s0+$0x0] =	vst v0  }
0x1e: {  	[tilespmem:s0+$0xFFFFFFF0] =	vst v0  }
0x1f: {  	[tilespmem:s0+$0xFFFFFFE0] =	vst v0  }
0x20: {  	[tilespmem:s0+$0xFFFFFFD0] =	vst v0;
	s26 =	simm.s32 $0x0  }
0x21: {  	[tilespmem:s26], [sflag:$0x1] =	stream.linear.gather [hbm4b:s7+s26], $0x2000, $0x38;
	[tilespmem:$0x12980] =	vst v63  }
.LBB2_4:
0x22: {  	s0 =	sshll.u32 s26, $0xE  }
0x23: {  	s1 =	sor.u32 s0, s5  }
0x24: {  	_ =	swait.ge [sflag:s12], $0x2000;
	s1 =	sshrl.u32 s1, $0x3  }
0x25: {  	[sflag:s12] =	ssyncset.done $0x0;
	s1 =	sadd.s32 s1, s3  }
0x26: {  	s30 =	simm.s32 $0x40;
	[sflag:s12] =	ssyncadd.s32 $0xFFFFE000;
	s1 =	sadd.s32 $0x400, s1  }
0x27: {  	[tilespmem:s13], [sflag:$0x2] =	stream.linear.gather [hbm4b:s1+s2], $0x2000, $0x38;
	[tilespmem:$0x12980] =	vst v63  }
0x28: {  	v5 =	vld [tilespmem:s30+$0x30]  }
0x29: {  	v6 =	vld [tilespmem:s30+$0xFFFFFFD0]  }
0x2a: {  	v7 =	vld [tilespmem:s30+$0xFFFFFFE0]  }
0x2b: {  	v8 =	vld [tilespmem:s30+$0xFFFFFFF0]  }
0x2c: {  	v9 =	vld [tilespmem:s30+$0x0]  }
0x2d: {  	v10 =	vld [tilespmem:s30+$0x10]  }
0x2e: {  	v11 =	vld [tilespmem:s30+$0x20]  }
0x2f: {  	s31 =	simm.s32 $0xC0;
	v12 =	vld [tilespmem:s30+$0xFFFFFFC0]  }
0x30: {  	v13 =	vld [tilespmem:s31+$0x30];
	v5 =	vadd.f32 $2.500000000e-01, v5  }
0x31: {  	v16 =	vld [tilespmem:s31+$0xFFFFFFF0];
	v6 =	vadd.f32 $2.500000000e-01, v6;
	v7 =	vadd.f32 $2.500000000e-01, v7  }
0x32: {  	v19 =	vld [tilespmem:s31+$0x0];
	v8 =	vadd.f32 $2.500000000e-01, v8;
	v9 =	vadd.f32 $2.500000000e-01, v9  }
0x33: {  	v10 =	vadd.f32 $2.500000000e-01, v10;
	v11 =	vadd.f32 $2.500000000e-01, v11  }
0x34: {  	v12 =	vadd.f32 $2.500000000e-01, v12;
	v5 =	vmul.f32 $1.365333370e+03, v5;
	v6 =	vmul.f32 $1.365333370e+03, v6  }
0x35: {  	v13 =	vadd.f32 $2.500000000e-01, v13;
	v7 =	vmul.f32 $1.365333370e+03, v7;
	v8 =	vmul.f32 $1.365333370e+03, v8  }
0x36: {  	v16 =	vadd.f32 $2.500000000e-01, v16;
	v9 =	vmul.f32 $1.365333370e+03, v9;
	v10 =	vmul.f32 $1.365333370e+03, v10  }
0x37: {  	v19 =	vadd.f32 $2.500000000e-01, v19;
	v11 =	vmul.f32 $1.365333370e+03, v11;
	v12 =	vmul.f32 $1.365333370e+03, v12  }
0x38: {  	v13 =	vmul.f32 $1.365333370e+03, v13;
	v16 =	vmul.f32 $1.365333370e+03, v16  }
0x39: {  	v19 =	vmul.f32 $1.365333370e+03, v19;
	v5 =	vmax.f32 v5, $0.0e+00;
	v6 =	vmax.f32 v6, $0.0e+00  }
0x3a: {  	v7 =	vmax.f32 v7, $0.0e+00;
	v8 =	vmax.f32 v8, $0.0e+00;
	v9 =	vmax.f32 v9, $0.0e+00  }
0x3b: {  	v10 =	vmax.f32 v10, $0.0e+00;
	v11 =	vmax.f32 v11, $0.0e+00;
	v12 =	vmax.f32 v12, $0.0e+00  }
0x3c: {  	v13 =	vmax.f32 v13, $0.0e+00;
	v5 =	vmin.f32 v5, $2.047000000e+03;
	v6 =	vmin.f32 v6, $2.047000000e+03  }
0x3d: {  	v7 =	vmin.f32 v7, $2.047000000e+03;
	v12 =	vmin.f32 v12, $2.047000000e+03;
	v8 =	vmin.f32 v8, $2.047000000e+03  }
0x3e: {  	v9 =	vmin.f32 v9, $2.047000000e+03;
	v5 =	vtrunc.f32 v5;
	v12 =	vtrunc.f32 v12  }
0x3f: {  	v14 =	vld [tilespmem:s31+$0xFFFFFFD0];
	v10 =	vmin.f32 v10, $2.047000000e+03;
	v6 =	vtrunc.f32 v6;
	v7 =	vtrunc.f32 v7  }
0x40: {  	v21 =	vld [tilespmem:s31+$0x10];
	v11 =	vmin.f32 v11, $2.047000000e+03;
	v8 =	vtrunc.f32 v8;
	v9 =	vtrunc.f32 v9  }
0x41: {  	v15 =	vld [tilespmem:s31+$0xFFFFFFE0];
	v13 =	vmin.f32 v13, $2.047000000e+03;
	v10 =	vtrunc.f32 v10;
	v11 =	vtrunc.f32 v11  }
0x42: {  	v13 =	vtrunc.f32 v13;
	v5 =	vcvt.f32.s32 v5  }
0x43: {  	v12 =	vcvt.f32.s32 v12;
	v17 =	vcvt.f32.s32 v6  }
0x44: {  	v20 =	vcvt.f32.s32 v7;
	v18 =	vadd.s32 v1, v5;
	v5 =	vcvt.f32.s32 v11;
	v11 =	vld [tilespmem:s31+$0xFFFFFFC0]  }
0x45: {  	v62 =	vadd.f32 $2.500000000e-01, v21;
	v7 =	vcvt.f32.s32 v9;
	v6 =	vcvt.f32.s32 v10;
	v10 =	vld [tilespmem:s31+$0x20]  }
0x46: {  	v9 =	vadd.f32 $2.500000000e-01, v14;
	v14 =	vadd.f32 $2.500000000e-01, v15;
	v12 =	vadd.s32 v1, v12  }
0x47: {  	v8 =	vcvt.f32.s32 v8;
	v13 =	vcvt.f32.s32 v13;
	v15 =	vadd.s32 v1, v17  }
0x48: {  	v22 =	vmax.f32 v16, $0.0e+00;
	v9 =	vmul.f32 $1.365333370e+03, v9;
	v14 =	vmul.f32 $1.365333370e+03, v14  }
0x49: {  	v17 =	vadd.s32 v1, v20;
	v20 =	vmul.f32 $1.365333370e+03, v62;
	v11 =	vadd.f32 $2.500000000e-01, v11  }
0x4a: {  	v63 =	vmax.f32 v9, $0.0e+00;
	v14 =	vmax.f32 v14, $0.0e+00;
	v10 =	vadd.f32 $2.500000000e-01, v10;
	[tilespmem:v18+s14+$0x0] =	vst.idx.add.f32.msk $0xffff, v2  }
0x4b: {  	v9 =	vadd.s32 v1, v13;
	v14 =	vmin.f32 v14, $2.047000000e+03;
	[tilespmem:v12+s14+$0x0] =	vst.idx.add.f32.msk $0xffff, v2;
	v18 =	vmul.f32 $1.365333370e+03, v11  }
0x4c: {  	v10 =	vmul.f32 $1.365333370e+03, v10;
	v12 =	vmax.f32 v19, $0.0e+00;
	[tilespmem:v15+s14+$0x0] =	vst.idx.add.f32.msk $0xffff, v2;
	v15 =	vmin.f32 v63, $2.047000000e+03  }
0x4d: {  	v12 =	vmin.f32 v12, $2.047000000e+03;
	v11 =	vmax.f32 v20, $0.0e+00;
	v13 =	vmax.f32 v18, $0.0e+00  }
0x4e: {  	s16 =	simm.s32 $0x140;
	s1 =	simm.s32 $0x8;
	[tilespmem:v17+s14+$0x0] =	vst.idx.add.f32.msk $0xffff, v2;
	v10 =	vmax.f32 v10, $0.0e+00;
	v16 =	vmin.f32 v13, $2.047000000e+03;
	v13 =	vmin.f32 v22, $2.047000000e+03  }
.LBB2_5:
0x4f: {  	v17 =	vld [tilespmem:s16+$0x30];
	v16 =	vtrunc.f32 v16;
	v11 =	vmin.f32 v11, $2.047000000e+03;
	v10 =	vmin.f32 v10, $2.047000000e+03  }
0x50: {  	s1 =	sadd.s32 $0x8, s1;
	v15 =	vtrunc.f32 v15;
	v14 =	vtrunc.f32 v14;
	[tilespmem:v9+s14+$0x0] =	vst.idx.add.f32.msk $0xffff, v2;
	v9 =	vadd.s32 v1, v8  }
0x51: {  	v12 =	vtrunc.f32 v12;
	p0 =	slt.u32 s1, $0x1F8;
	v8 =	vtrunc.f32 v13;
	v13 =	vadd.s32 v1, v7;
	v18 =	vld [tilespmem:s16+$0xFFFFFFD0]  }
0x52: {  	v20 =	vadd.s32 v1, v6;
	v11 =	vtrunc.f32 v11;
	v10 =	vtrunc.f32 v10;
	v19 =	vld [tilespmem:s16+$0xFFFFFFE0]  }
0x53: {  	v22 =	vadd.s32 v1, v5;
	v16 =	vcvt.f32.s32 v16;
	v15 =	vcvt.f32.s32 v15;
	v21 =	vld [tilespmem:s16+$0xFFFFFFF0]  }
0x54: {  	v14 =	vcvt.f32.s32 v14;
	v8 =	vcvt.f32.s32 v8;
	v23 =	vld [tilespmem:s16+$0x0]  }
0x55: {  	v7 =	vcvt.f32.s32 v12;
	v6 =	vcvt.f32.s32 v11;
	v17 =	vadd.f32 $2.500000000e-01, v17;
	v24 =	vld [tilespmem:s16+$0x10]  }
0x56: {  	v5 =	vcvt.f32.s32 v10;
	v16 =	vadd.s32 v1, v16;
	v11 =	vadd.f32 $2.500000000e-01, v18;
	v12 =	vld [tilespmem:s16+$0x20]  }
0x57: {  	v15 =	vadd.s32 v1, v15;
	v17 =	vmul.f32 $1.365333370e+03, v17;
	v10 =	vld [tilespmem:s16+$0xFFFFFFC0];
	v18 =	vadd.f32 $2.500000000e-01, v19  }
0x58: {  	v14 =	vadd.s32 v1, v14;
	v11 =	vmul.f32 $1.365333370e+03, v11;
	v19 =	vadd.f32 $2.500000000e-01, v21;
	[tilespmem:v9+s14+$0x0] =	vst.idx.add.f32.msk $0xffff, v2  }
0x59: {  	v17 =	vmax.f32 v17, $0.0e+00;
	v9 =	vmul.f32 $1.365333370e+03, v18;
	v18 =	vadd.f32 $2.500000000e-01, v23;
	[tilespmem:v13+s14+$0x0] =	vst.idx.add.f32.msk $0xffff, v2  }
0x5a: {  	v17 =	vmin.f32 v17, $2.047000000e+03;
	v13 =	vmul.f32 $1.365333370e+03, v19;
	v19 =	vadd.f32 $2.500000000e-01, v24;
	[tilespmem:v20+s14+$0x0] =	vst.idx.add.f32.msk $0xffff, v2  }
0x5b: {  	v17 =	vtrunc.f32 v17;
	v18 =	vmul.f32 $1.365333370e+03, v18;
	v12 =	vadd.f32 $2.500000000e-01, v12;
	[tilespmem:v16+s14+$0x0] =	vst.idx.add.f32.msk $0xffff, v2  }
0x5c: {  	v17 =	vcvt.f32.s32 v17;
	v10 =	vadd.f32 $2.500000000e-01, v10;
	v16 =	vmul.f32 $1.365333370e+03, v19;
	[tilespmem:v15+s14+$0x0] =	vst.idx.add.f32.msk $0xffff, v2  }
.Ltmp1:
0x5d: {  	v15 =	vmax.f32 v11, $0.0e+00;
	v19 =	vmax.f32 v9, $0.0e+00;
	v12 =	vmul.f32 $1.365333370e+03, v12;
	[tilespmem:v14+s14+$0x0] =	vst.idx.add.f32.msk $0xffff, v2;
	(pc) =	sbr.rel @p0 .LBB2_5-.Ltmp1, $4  }
0x5e: {  	v13 =	vmax.f32 v13, $0.0e+00;
	v9 =	vadd.s32 v1, v17;
	v14 =	vmul.f32 $1.365333370e+03, v10;
	[tilespmem:v22+s14+$0x0] =	vst.idx.add.f32.msk $0xffff, v2  }
0x5f: {  	v17 =	vmax.f32 v18, $0.0e+00;
	v11 =	vmax.f32 v16, $0.0e+00;
	v10 =	vmax.f32 v12, $0.0e+00  }
0x60: {  	v15 =	vmin.f32 v15, $2.047000000e+03;
	v12 =	vmax.f32 v14, $0.0e+00;
	v14 =	vmin.f32 v19, $2.047000000e+03  }
0x61: {  	s16 =	sadd.s32 $0x80, s16;
	v13 =	vmin.f32 v13, $2.047000000e+03;
	v16 =	vmin.f32 v12, $2.047000000e+03;
	v12 =	vmin.f32 v17, $2.047000000e+03  }
0x62: {  	v16 =	vtrunc.f32 v16;
	v8 =	vadd.s32 v1, v8  }
0x63: {  	v15 =	vtrunc.f32 v15;
	v7 =	vadd.s32 v1, v7;
	v14 =	vtrunc.f32 v14  }
0x64: {  	v6 =	vadd.s32 v1, v6;
	v11 =	vmin.f32 v11, $2.047000000e+03;
	v16 =	vcvt.f32.s32 v16  }
0x65: {  	v10 =	vmin.f32 v10, $2.047000000e+03;
	v5 =	vadd.s32 v1, v5;
	v15 =	vcvt.f32.s32 v15  }
0x66: {  	[tilespmem:v9+s14+$0x0] =	vst.idx.add.f32.msk $0xffff, v2;
	v9 =	vtrunc.f32 v13;
	v14 =	vcvt.f32.s32 v14;
	v16 =	vadd.s32 v1, v16  }
0x67: {  	v12 =	vtrunc.f32 v12;
	v9 =	vcvt.f32.s32 v9;
	v13 =	vadd.s32 v1, v15;
	[tilespmem:v8+s14+$0x0] =	vst.idx.add.f32.msk $0xffff, v2  }
0x68: {  	v14 =	vadd.s32 v1, v14;
	v8 =	vtrunc.f32 v11;
	v11 =	vcvt.f32.s32 v12;
	[tilespmem:v7+s14+$0x0] =	vst.idx.add.f32.msk $0xffff, v2  }
0x69: {  	v7 =	vtrunc.f32 v10;
	[tilespmem:v6+s14+$0x0] =	vst.idx.add.f32.msk $0xffff, v2;
	v6 =	vadd.s32 v1, v9;
	v8 =	vcvt.f32.s32 v8  }
0x6a: {  	[tilespmem:v5+s14+$0x0] =	vst.idx.add.f32.msk $0xffff, v2;
	v7 =	vcvt.f32.s32 v7;
	v9 =	vadd.s32 v1, v11  }
0x6b: {  	[tilespmem:v16+s14+$0x0] =	vst.idx.add.f32.msk $0xffff, v2;
	v8 =	vadd.s32 v1, v8  }
0x6c: {  	[tilespmem:v13+s14+$0x0] =	vst.idx.add.f32.msk $0xffff, v2;
	v7 =	vadd.s32 v1, v7  }
0x6d: {  	[tilespmem:v14+s14+$0x0] =	vst.idx.add.f32.msk $0xffff, v2  }
0x6e: {  	[tilespmem:v6+s14+$0x0] =	vst.idx.add.f32.msk $0xffff, v2  }
0x6f: {  	[tilespmem:v9+s14+$0x0] =	vst.idx.add.f32.msk $0xffff, v2  }
0x70: {  	[tilespmem:v8+s14+$0x0] =	vst.idx.add.f32.msk $0xffff, v2  }
0x71: {  	p0 =	seq.s32 s26, $0xF;
	[tilespmem:v7+s14+$0x0] =	vst.idx.add.f32.msk $0xffff, v2  }
0x72: {  	s0 =	sadd.s32 @!p0 s0, s8;
	_ =	swait.ge [sflag:s15], $0x2000  }
0x73: {  	s30 =	simm.s32 $0x2040;
	s0 =	sshrl.u32 @!p0 s0, $0x3;
	[sflag:s15] =	ssyncset.done $0x0  }
0x74: {  	s1 =	simm.s32 @!p0 $0x0;
	s0 =	sadd.s32 @!p0 s3, s0;
	[sflag:s15] =	ssyncadd.s32 $0xFFFFE000  }
0x75: {  	[tilespmem:s1], [sflag:$0x1] =	stream.linear.gather @!p0 [hbm4b:s0+s1], $0x2000, $0x38;
	[tilespmem:$0x12980] =	vst v63  }
0x76: {  	v5 =	vld [tilespmem:s30+$0x30]  }
0x77: {  	v6 =	vld [tilespmem:s30+$0xFFFFFFD0]  }
0x78: {  	v7 =	vld [tilespmem:s30+$0xFFFFFFE0]  }
0x79: {  	v8 =	vld [tilespmem:s30+$0xFFFFFFF0]  }
0x7a: {  	v9 =	vld [tilespmem:s30+$0x0]  }
0x7b: {  	v10 =	vld [tilespmem:s30+$0x10]  }
0x7c: {  	v11 =	vld [tilespmem:s30+$0x20]  }
0x7d: {  	s31 =	simm.s32 $0x20C0;
	v12 =	vld [tilespmem:s30+$0xFFFFFFC0]  }
0x7e: {  	v13 =	vld [tilespmem:s31+$0x30];
	v5 =	vadd.f32 $2.500000000e-01, v5  }
0x7f: {  	v16 =	vld [tilespmem:s31+$0xFFFFFFF0];
	v6 =	vadd.f32 $2.500000000e-01, v6;
	v7 =	vadd.f32 $2.500000000e-01, v7  }
0x80: {  	v19 =	vld [tilespmem:s31+$0x0];
	v8 =	vadd.f32 $2.500000000e-01, v8;
	v9 =	vadd.f32 $2.500000000e-01, v9  }
0x81: {  	v10 =	vadd.f32 $2.500000000e-01, v10;
	v11 =	vadd.f32 $2.500000000e-01, v11  }
0x82: {  	v12 =	vadd.f32 $2.500000000e-01, v12;
	v5 =	vmul.f32 $1.365333370e+03, v5;
	v6 =	vmul.f32 $1.365333370e+03, v6  }
0x83: {  	v13 =	vadd.f32 $2.500000000e-01, v13;
	v7 =	vmul.f32 $1.365333370e+03, v7;
	v8 =	vmul.f32 $1.365333370e+03, v8  }
0x84: {  	v16 =	vadd.f32 $2.500000000e-01, v16;
	v9 =	vmul.f32 $1.365333370e+03, v9;
	v10 =	vmul.f32 $1.365333370e+03, v10  }
0x85: {  	v19 =	vadd.f32 $2.500000000e-01, v19;
	v11 =	vmul.f32 $1.365333370e+03, v11;
	v12 =	vmul.f32 $1.365333370e+03, v12  }
0x86: {  	v13 =	vmul.f32 $1.365333370e+03, v13;
	v16 =	vmul.f32 $1.365333370e+03, v16  }
0x87: {  	v19 =	vmul.f32 $1.365333370e+03, v19;
	v5 =	vmax.f32 v5, $0.0e+00;
	v6 =	vmax.f32 v6, $0.0e+00  }
0x88: {  	v7 =	vmax.f32 v7, $0.0e+00;
	v8 =	vmax.f32 v8, $0.0e+00;
	v9 =	vmax.f32 v9, $0.0e+00  }
0x89: {  	v10 =	vmax.f32 v10, $0.0e+00;
	v11 =	vmax.f32 v11, $0.0e+00;
	v12 =	vmax.f32 v12, $0.0e+00  }
0x8a: {  	v13 =	vmax.f32 v13, $0.0e+00;
	v5 =	vmin.f32 v5, $2.047000000e+03;
	v6 =	vmin.f32 v6, $2.047000000e+03  }
0x8b: {  	v7 =	vmin.f32 v7, $2.047000000e+03;
	v12 =	vmin.f32 v12, $2.047000000e+03;
	v8 =	vmin.f32 v8, $2.047000000e+03  }
0x8c: {  	v9 =	vmin.f32 v9, $2.047000000e+03;
	v5 =	vtrunc.f32 v5;
	v12 =	vtrunc.f32 v12  }
0x8d: {  	v14 =	vld [tilespmem:s31+$0xFFFFFFD0];
	v10 =	vmin.f32 v10, $2.047000000e+03;
	v6 =	vtrunc.f32 v6;
	v7 =	vtrunc.f32 v7  }
0x8e: {  	v21 =	vld [tilespmem:s31+$0x10];
	v11 =	vmin.f32 v11, $2.047000000e+03;
	v8 =	vtrunc.f32 v8;
	v9 =	vtrunc.f32 v9  }
0x8f: {  	v15 =	vld [tilespmem:s31+$0xFFFFFFE0];
	v13 =	vmin.f32 v13, $2.047000000e+03;
	v10 =	vtrunc.f32 v10;
	v11 =	vtrunc.f32 v11  }
0x90: {  	v13 =	vtrunc.f32 v13;
	v5 =	vcvt.f32.s32 v5  }
0x91: {  	v12 =	vcvt.f32.s32 v12;
	v17 =	vcvt.f32.s32 v6  }
0x92: {  	v20 =	vcvt.f32.s32 v7;
	v18 =	vadd.s32 v1, v5;
	v5 =	vcvt.f32.s32 v11;
	v11 =	vld [tilespmem:s31+$0xFFFFFFC0]  }
0x93: {  	v62 =	vadd.f32 $2.500000000e-01, v21;
	v7 =	vcvt.f32.s32 v9;
	v6 =	vcvt.f32.s32 v10;
	v10 =	vld [tilespmem:s31+$0x20]  }
0x94: {  	v9 =	vadd.f32 $2.500000000e-01, v14;
	v14 =	vadd.f32 $2.500000000e-01, v15;
	v12 =	vadd.s32 v1, v12  }
0x95: {  	v8 =	vcvt.f32.s32 v8;
	v13 =	vcvt.f32.s32 v13;
	v15 =	vadd.s32 v1, v17  }
0x96: {  	v22 =	vmax.f32 v16, $0.0e+00;
	v9 =	vmul.f32 $1.365333370e+03, v9;
	v14 =	vmul.f32 $1.365333370e+03, v14  }
0x97: {  	v17 =	vadd.s32 v1, v20;
	v20 =	vmul.f32 $1.365333370e+03, v62;
	v11 =	vadd.f32 $2.500000000e-01, v11  }
0x98: {  	v63 =	vmax.f32 v9, $0.0e+00;
	v14 =	vmax.f32 v14, $0.0e+00;
	v10 =	vadd.f32 $2.500000000e-01, v10;
	[tilespmem:v18+s14+$0x0] =	vst.idx.add.f32.msk $0xffff, v2  }
0x99: {  	v9 =	vadd.s32 v1, v13;
	v14 =	vmin.f32 v14, $2.047000000e+03;
	[tilespmem:v12+s14+$0x0] =	vst.idx.add.f32.msk $0xffff, v2;
	v18 =	vmul.f32 $1.365333370e+03, v11  }
0x9a: {  	v10 =	vmul.f32 $1.365333370e+03, v10;
	v12 =	vmax.f32 v19, $0.0e+00;
	[tilespmem:v15+s14+$0x0] =	vst.idx.add.f32.msk $0xffff, v2;
	v15 =	vmin.f32 v63, $2.047000000e+03  }
0x9b: {  	v12 =	vmin.f32 v12, $2.047000000e+03;
	v11 =	vmax.f32 v20, $0.0e+00;
	v13 =	vmax.f32 v18, $0.0e+00  }
0x9c: {  	s0 =	simm.s32 $0x8;
	s1 =	simm.s32 $0x2140;
	[tilespmem:v17+s14+$0x0] =	vst.idx.add.f32.msk $0xffff, v2;
	v10 =	vmax.f32 v10, $0.0e+00;
	v16 =	vmin.f32 v13, $2.047000000e+03;
	v13 =	vmin.f32 v22, $2.047000000e+03  }
.LBB2_7:
0x9d: {  	v17 =	vld [tilespmem:s1+$0x30];
	v16 =	vtrunc.f32 v16;
	v11 =	vmin.f32 v11, $2.047000000e+03;
	v10 =	vmin.f32 v10, $2.047000000e+03  }
0x9e: {  	s0 =	sadd.s32 $0x8, s0;
	v15 =	vtrunc.f32 v15;
	v14 =	vtrunc.f32 v14;
	[tilespmem:v9+s14+$0x0] =	vst.idx.add.f32.msk $0xffff, v2;
	v9 =	vadd.s32 v1, v8  }
0x9f: {  	v12 =	vtrunc.f32 v12;
	p0 =	slt.u32 s0, $0x1F8;
	v8 =	vtrunc.f32 v13;
	v13 =	vadd.s32 v1, v7;
	v18 =	vld [tilespmem:s1+$0xFFFFFFD0]  }
0xa0: {  	v20 =	vadd.s32 v1, v6;
	v11 =	vtrunc.f32 v11;
	v10 =	vtrunc.f32 v10;
	v19 =	vld [tilespmem:s1+$0xFFFFFFE0]  }
0xa1: {  	v22 =	vadd.s32 v1, v5;
	v16 =	vcvt.f32.s32 v16;
	v15 =	vcvt.f32.s32 v15;
	v21 =	vld [tilespmem:s1+$0xFFFFFFF0]  }
0xa2: {  	v14 =	vcvt.f32.s32 v14;
	v8 =	vcvt.f32.s32 v8;
	v23 =	vld [tilespmem:s1+$0x0]  }
0xa3: {  	v7 =	vcvt.f32.s32 v12;
	v6 =	vcvt.f32.s32 v11;
	v17 =	vadd.f32 $2.500000000e-01, v17;
	v24 =	vld [tilespmem:s1+$0x10]  }
0xa4: {  	v5 =	vcvt.f32.s32 v10;
	v16 =	vadd.s32 v1, v16;
	v11 =	vadd.f32 $2.500000000e-01, v18;
	v12 =	vld [tilespmem:s1+$0x20]  }
0xa5: {  	v15 =	vadd.s32 v1, v15;
	v17 =	vmul.f32 $1.365333370e+03, v17;
	v10 =	vld [tilespmem:s1+$0xFFFFFFC0];
	v18 =	vadd.f32 $2.500000000e-01, v19  }
0xa6: {  	v14 =	vadd.s32 v1, v14;
	v11 =	vmul.f32 $1.365333370e+03, v11;
	v19 =	vadd.f32 $2.500000000e-01, v21;
	[tilespmem:v9+s14+$0x0] =	vst.idx.add.f32.msk $0xffff, v2  }
0xa7: {  	v17 =	vmax.f32 v17, $0.0e+00;
	v9 =	vmul.f32 $1.365333370e+03, v18;
	v18 =	vadd.f32 $2.500000000e-01, v23;
	[tilespmem:v13+s14+$0x0] =	vst.idx.add.f32.msk $0xffff, v2  }
0xa8: {  	v17 =	vmin.f32 v17, $2.047000000e+03;
	v13 =	vmul.f32 $1.365333370e+03, v19;
	v19 =	vadd.f32 $2.500000000e-01, v24;
	[tilespmem:v20+s14+$0x0] =	vst.idx.add.f32.msk $0xffff, v2  }
0xa9: {  	v17 =	vtrunc.f32 v17;
	v18 =	vmul.f32 $1.365333370e+03, v18;
	v12 =	vadd.f32 $2.500000000e-01, v12;
	[tilespmem:v16+s14+$0x0] =	vst.idx.add.f32.msk $0xffff, v2  }
0xaa: {  	v17 =	vcvt.f32.s32 v17;
	v10 =	vadd.f32 $2.500000000e-01, v10;
	v16 =	vmul.f32 $1.365333370e+03, v19;
	[tilespmem:v15+s14+$0x0] =	vst.idx.add.f32.msk $0xffff, v2  }
.Ltmp2:
0xab: {  	v15 =	vmax.f32 v11, $0.0e+00;
	v19 =	vmax.f32 v9, $0.0e+00;
	v12 =	vmul.f32 $1.365333370e+03, v12;
	[tilespmem:v14+s14+$0x0] =	vst.idx.add.f32.msk $0xffff, v2;
	(pc) =	sbr.rel @p0 .LBB2_7-.Ltmp2, $4  }
0xac: {  	v13 =	vmax.f32 v13, $0.0e+00;
	v9 =	vadd.s32 v1, v17;
	v14 =	vmul.f32 $1.365333370e+03, v10;
	[tilespmem:v22+s14+$0x0] =	vst.idx.add.f32.msk $0xffff, v2  }
0xad: {  	v17 =	vmax.f32 v18, $0.0e+00;
	v11 =	vmax.f32 v16, $0.0e+00;
	v10 =	vmax.f32 v12, $0.0e+00  }
0xae: {  	v15 =	vmin.f32 v15, $2.047000000e+03;
	v12 =	vmax.f32 v14, $0.0e+00;
	v14 =	vmin.f32 v19, $2.047000000e+03  }
0xaf: {  	s1 =	sadd.s32 $0x80, s1;
	v13 =	vmin.f32 v13, $2.047000000e+03;
	v16 =	vmin.f32 v12, $2.047000000e+03;
	v12 =	vmin.f32 v17, $2.047000000e+03  }
0xb0: {  	v16 =	vtrunc.f32 v16;
	v8 =	vadd.s32 v1, v8  }
0xb1: {  	v15 =	vtrunc.f32 v15;
	v7 =	vadd.s32 v1, v7;
	v14 =	vtrunc.f32 v14  }
0xb2: {  	v6 =	vadd.s32 v1, v6;
	v11 =	vmin.f32 v11, $2.047000000e+03;
	v16 =	vcvt.f32.s32 v16  }
0xb3: {  	v10 =	vmin.f32 v10, $2.047000000e+03;
	v5 =	vadd.s32 v1, v5;
	v15 =	vcvt.f32.s32 v15  }
0xb4: {  	[tilespmem:v9+s14+$0x0] =	vst.idx.add.f32.msk $0xffff, v2;
	v12 =	vtrunc.f32 v12;
	v14 =	vcvt.f32.s32 v14;
	v16 =	vadd.s32 v1, v16  }
0xb5: {  	v59 =	vtrunc.f32 v13;
	v62 =	vcvt.f32.s32 v12;
	v60 =	vadd.s32 v1, v15;
	[tilespmem:v8+s14+$0x0] =	vst.idx.add.f32.msk $0xffff, v2  }
0xb6: {  	v9 =	vcvt.f32.s32 v59;
	v61 =	vtrunc.f32 v11;
	v14 =	vadd.s32 v1, v14;
	[tilespmem:v7+s14+$0x0] =	vst.idx.add.f32.msk $0xffff, v2  }
0xb7: {  	v63 =	vadd.s32 v1, v62;
	v7 =	vtrunc.f32 v10;
	v8 =	vcvt.f32.s32 v61;
	[tilespmem:v6+s14+$0x0] =	vst.idx.add.f32.msk $0xffff, v2  }
0xb8: {  	v6 =	vadd.s32 v1, v9;
	[tilespmem:v5+s14+$0x0] =	vst.idx.add.f32.msk $0xffff, v2;
	v7 =	vcvt.f32.s32 v7  }
0xb9: {  	s26 =	sadd.s32 $0x1, s26;
	v8 =	vadd.s32 v1, v8;
	[tilespmem:v16+s14+$0x0] =	vst.idx.add.f32.msk $0xffff, v2  }
0xba: {  	p0 =	sne.s32 s26, $0x10;
	[tilespmem:v60+s14+$0x0] =	vst.idx.add.f32.msk $0xffff, v2;
	v7 =	vadd.s32 v1, v7  }
.Ltmp3:
0xbb: {  	[tilespmem:v14+s14+$0x0] =	vst.idx.add.f32.msk $0xffff, v2;
	(pc) =	sbr.rel @p0 .LBB2_4-.Ltmp3, $4  }
0xbc: {  	[tilespmem:v63+s14+$0x0] =	vst.idx.add.f32.msk $0xffff, v2  }
0xbd: {  	[tilespmem:v6+s14+$0x0] =	vst.idx.add.f32.msk $0xffff, v2  }
0xbe: {  	[tilespmem:v8+s14+$0x0] =	vst.idx.add.f32.msk $0xffff, v2  }
0xbf: {  	[tilespmem:v7+s14+$0x0] =	vst.idx.add.f32.msk $0xffff, v2  }
0xc0: {  	s28 =	simm.s32 $0x0  }
0xc1: {  	v20 =	vld [tilespmem:s28+$0x8030]  }
0xc2: {  	v21 =	vld [tilespmem:s28+$0x8000]  }
0xc3: {  	v22 =	vld [tilespmem:s28+$0x8830]  }
0xc4: {  	v23 =	vld [tilespmem:s28+$0x8010]  }
0xc5: {  	v24 =	vld [tilespmem:s28+$0x9030]  }
0xc6: {  	v25 =	vld [tilespmem:s28+$0x8020]  }
0xc7: {  	v26 =	vld [tilespmem:s28+$0x9830]  }
0xc8: {  	v27 =	vld [tilespmem:s28+$0x8810]  }
0xc9: {  	v28 =	vld [tilespmem:s28+$0xA030]  }
0xca: {  	v29 =	vld [tilespmem:s28+$0x8820]  }
0xcb: {  	v30 =	vld [tilespmem:s28+$0xA830]  }
0xcc: {  	v31 =	vld [tilespmem:s28+$0x9010]  }
0xcd: {  	v32 =	vld [tilespmem:s28+$0xB030]  }
0xce: {  	v33 =	vld [tilespmem:s28+$0x9020]  }
0xcf: {  	v34 =	vld [tilespmem:s28+$0xB830]  }
0xd0: {  	v35 =	vld [tilespmem:s28+$0x9810]  }
0xd1: {  	v57 =	vld [tilespmem:s28+$0xC030]  }
0xd2: {  	v58 =	vld [tilespmem:s28+$0x9820]  }
0xd3: {  	v59 =	vld [tilespmem:s28+$0xC830]  }
0xd4: {  	v60 =	vld [tilespmem:s28+$0xA010]  }
0xd5: {  	v61 =	vld [tilespmem:s28+$0xD030]  }
0xd6: {  	v62 =	vld [tilespmem:s28+$0xA020]  }
0xd7: {  	v63 =	vld [tilespmem:s28+$0xD830]  }
0xd8: {  	v36 =	vld [tilespmem:s28+$0xA810]  }
0xd9: {  	s26 =	simm.s32 $0x0;
	v37 =	vld [tilespmem:s28+$0xE030]  }
0xda: {  	s0 =	sand.u32 $0x7C0, s26;
	v38 =	vld [tilespmem:s28+$0xA820]  }
0xdb: {  	v19 =	vld [tilespmem:s0+$0x8800]  }
0xdc: {  	v39 =	vld [tilespmem:s28+$0xE830]  }
0xdd: {  	v18 =	vld [tilespmem:s0+$0x9000]  }
0xde: {  	v40 =	vld [tilespmem:s28+$0xB010];
	v20 =	vadd.f32 $0.0e+00, v20;
	v21 =	vadd.f32 $0.0e+00, v21  }
0xdf: {  	v17 =	vld [tilespmem:s0+$0x9800]  }
0xe0: {  	v41 =	vld [tilespmem:s28+$0xF030];
	v20 =	vadd.f32 v22, v20;
	v19 =	vadd.f32 v19, v21  }
0xe1: {  	v16 =	vld [tilespmem:s0+$0xA000]  }
0xe2: {  	v42 =	vld [tilespmem:s28+$0xB020];
	v20 =	vadd.f32 v24, v20;
	v18 =	vadd.f32 v18, v19  }
0xe3: {  	v15 =	vld [tilespmem:s0+$0xA800]  }
0xe4: {  	v43 =	vld [tilespmem:s28+$0xF830];
	v20 =	vadd.f32 v26, v20;
	v17 =	vadd.f32 v17, v18  }
0xe5: {  	v14 =	vld [tilespmem:s0+$0xB000];
	v23 =	vadd.f32 $0.0e+00, v23  }
0xe6: {  	v45 =	vld [tilespmem:s28+$0xB810];
	v20 =	vadd.f32 v28, v20;
	v16 =	vadd.f32 v16, v17  }
0xe7: {  	v13 =	vld [tilespmem:s0+$0xB800];
	v25 =	vadd.f32 $0.0e+00, v25;
	v23 =	vadd.f32 v27, v23  }
0xe8: {  	v46 =	vld [tilespmem:s28+$0xB820];
	v20 =	vadd.f32 v30, v20;
	v15 =	vadd.f32 v15, v16  }
0xe9: {  	v12 =	vld [tilespmem:s0+$0xC000];
	v25 =	vadd.f32 v29, v25;
	v23 =	vadd.f32 v31, v23  }
0xea: {  	v49 =	vld [tilespmem:s28+$0xC010];
	v20 =	vadd.f32 v32, v20;
	v14 =	vadd.f32 v14, v15  }
0xeb: {  	v11 =	vld [tilespmem:s0+$0xC800];
	v25 =	vadd.f32 v33, v25;
	v23 =	vadd.f32 v35, v23  }
0xec: {  	v52 =	vld [tilespmem:s28+$0xC810];
	v20 =	vadd.f32 v34, v20;
	v13 =	vadd.f32 v13, v14  }
0xed: {  	v10 =	vld [tilespmem:s0+$0xD000];
	v22 =	vadd.f32 v58, v25;
	v44 =	vadd.f32 v60, v23  }
0xee: {  	v54 =	vld [tilespmem:s28+$0xD010];
	v20 =	vadd.f32 v57, v20;
	v12 =	vadd.f32 v12, v13  }
0xef: {  	v9 =	vld [tilespmem:s0+$0xD800];
	v22 =	vadd.f32 v62, v22;
	v47 =	vadd.f32 v36, v44  }
0xf0: {  	v56 =	vld [tilespmem:s28+$0xD810];
	v19 =	vadd.f32 v59, v20;
	v11 =	vadd.f32 v11, v12  }
0xf1: {  	v8 =	vld [tilespmem:s0+$0xE000];
	v48 =	vadd.f32 v38, v22;
	v50 =	vadd.f32 v40, v47  }
0xf2: {  	v18 =	vadd.f32 v61, v19;
	v10 =	vadd.f32 v10, v11;
	v11 =	vld [tilespmem:s28+$0xC020]  }
0xf3: {  	v7 =	vld [tilespmem:s0+$0xE800];
	v51 =	vadd.f32 v42, v48;
	v53 =	vadd.f32 v45, v50  }
0xf4: {  	v17 =	vadd.f32 v63, v18;
	v9 =	vadd.f32 v9, v10;
	v10 =	vld [tilespmem:s28+$0xC820]  }
0xf5: {  	v5 =	vld [tilespmem:s0+$0xF000];
	v55 =	vadd.f32 v49, v53;
	v12 =	vadd.f32 v46, v51  }
0xf6: {  	v16 =	vadd.f32 v37, v17;
	v8 =	vadd.f32 v8, v9;
	v9 =	vld [tilespmem:s28+$0xD020]  }
0xf7: {  	v6 =	vld [tilespmem:s0+$0xF800];
	v58 =	vadd.f32 v52, v55;
	v11 =	vadd.f32 v11, v12  }
0xf8: {  	v57 =	vadd.f32 v39, v16;
	v7 =	vadd.f32 v7, v8;
	v8 =	vld [tilespmem:s28+$0xD820]  }
0xf9: {  	v59 =	vld [tilespmem:s28+$0xE010];
	v61 =	vadd.f32 v54, v58;
	v10 =	vadd.f32 v10, v11  }
0xfa: {  	v60 =	vld [tilespmem:s28+$0xE020];
	v11 =	vadd.f32 v41, v57;
	v7 =	vadd.f32 v5, v7  }
0xfb: {  	v62 =	vadd.f32 v56, v61;
	v5 =	vld [tilespmem:s28+$0xE810];
	v9 =	vadd.f32 v9, v10  }
0xfc: {  	v10 =	vadd.f32 v43, v11;
	v11 =	vadd.f32 v6, v7;
	v6 =	vld [tilespmem:s28+$0xE820]  }
0xfd: {  	v7 =	vld [tilespmem:s28+$0xF010];
	v63 =	vadd.f32 v8, v9  }
0xfe: {  	v8 =	vld [tilespmem:s28+$0xF020];
	[tilespmem:s28+$0x10030] =	vst v10;
	v10 =	vadd.f32 v59, v62  }
0xff: {  	s29 =	simm.s32 $0x40;
	s0 =	simm.s32 $0x0;
	v9 =	vld [tilespmem:s28+$0xF810];
	[tilespmem:s28+$0x10000] =	vst v11;
	v11 =	vadd.f32 v60, v63  }
.LBB2_10:
0x100: {  	s1 =	sand.u32 $0x7C0, s29;
	v10 =	vadd.f32 v5, v10;
	v12 =	vld [tilespmem:s28+$0xF820]  }
0x101: {  	v5 =	vld [tilespmem:s1+$0xF800];
	v11 =	vadd.f32 v6, v11  }
0x102: {  	v6 =	vld [tilespmem:s1+$0xF000];
	v10 =	vadd.f32 v7, v10  }
0x103: {  	v7 =	vld [tilespmem:s1+$0xE800];
	v8 =	vadd.f32 v8, v11  }
0x104: {  	v11 =	vld [tilespmem:s1+$0xE000];
	v9 =	vadd.f32 v9, v10  }
0x105: {  	v10 =	vld [tilespmem:s1+$0xD800];
	v8 =	vadd.f32 v12, v8  }
0x106: {  	v12 =	vld [tilespmem:s1+$0xD000];
	[tilespmem:s28+$0x10010] =	vst v9  }
0x107: {  	v9 =	vld [tilespmem:s1+$0xC800];
	[tilespmem:s28+$0x10020] =	vst v8  }
0x108: {  	v8 =	vld [tilespmem:s1+$0xC000]  }
0x109: {  	v13 =	vld [tilespmem:s1+$0xB800]  }
0x10a: {  	v14 =	vld [tilespmem:s1+$0xB000]  }
0x10b: {  	v15 =	vld [tilespmem:s1+$0xA800]  }
0x10c: {  	v16 =	vld [tilespmem:s1+$0xA000]  }
0x10d: {  	v17 =	vld [tilespmem:s1+$0x9800]  }
0x10e: {  	s26 =	sadd.s32 $0x100, s26;
	v18 =	vld [tilespmem:s1+$0x9000]  }
0x10f: {  	s0 =	sadd.s32 $0x4, s0;
	s28 =	sshra.s32 s26, $0x2;
	v19 =	vld [tilespmem:s1+$0x8800]  }
0x110: {  	p0 =	slt.u32 s0, $0x7C;
	v20 =	vld [tilespmem:s28+$0x8030]  }
0x111: {  	v21 =	vld [tilespmem:s28+$0x8000]  }
0x112: {  	v22 =	vld [tilespmem:s28+$0x8830]  }
0x113: {  	v23 =	vld [tilespmem:s28+$0x8010]  }
0x114: {  	v24 =	vld [tilespmem:s28+$0x9030]  }
0x115: {  	v25 =	vld [tilespmem:s28+$0x8020];
	v20 =	vadd.f32 $0.0e+00, v20  }
0x116: {  	v21 =	vadd.f32 $0.0e+00, v21;
	v26 =	vld [tilespmem:s28+$0x9830]  }
0x117: {  	v27 =	vld [tilespmem:s28+$0x8810];
	v20 =	vadd.f32 v22, v20  }
0x118: {  	v19 =	vadd.f32 v19, v21;
	v21 =	vadd.f32 $0.0e+00, v23;
	v22 =	vld [tilespmem:s28+$0xA030]  }
0x119: {  	v23 =	vld [tilespmem:s28+$0x8820];
	v20 =	vadd.f32 v24, v20  }
0x11a: {  	v18 =	vadd.f32 v18, v19;
	v19 =	vadd.f32 $0.0e+00, v25;
	v24 =	vld [tilespmem:s28+$0xA830]  }
0x11b: {  	v25 =	vld [tilespmem:s28+$0x9010];
	v20 =	vadd.f32 v26, v20  }
0x11c: {  	v17 =	vadd.f32 v17, v18;
	v18 =	vadd.f32 v27, v21;
	v21 =	vld [tilespmem:s28+$0xB030]  }
0x11d: {  	v26 =	vld [tilespmem:s28+$0x9020];
	v20 =	vadd.f32 v22, v20  }
0x11e: {  	v16 =	vadd.f32 v16, v17;
	v17 =	vadd.f32 v23, v19;
	v19 =	vld [tilespmem:s28+$0xB830]  }
0x11f: {  	v22 =	vld [tilespmem:s28+$0x9810];
	v20 =	vadd.f32 v24, v20  }
0x120: {  	v15 =	vadd.f32 v15, v16;
	v16 =	vadd.f32 v25, v18;
	v18 =	vld [tilespmem:s28+$0xC030]  }
0x121: {  	v23 =	vld [tilespmem:s28+$0x9820];
	v20 =	vadd.f32 v21, v20  }
0x122: {  	v14 =	vadd.f32 v14, v15;
	v15 =	vadd.f32 v26, v17;
	v17 =	vld [tilespmem:s28+$0xC830]  }
0x123: {  	v21 =	vld [tilespmem:s28+$0xA010];
	v19 =	vadd.f32 v19, v20  }
0x124: {  	v13 =	vadd.f32 v13, v14;
	v14 =	vadd.f32 v22, v16;
	v16 =	vld [tilespmem:s28+$0xD030]  }
0x125: {  	v20 =	vld [tilespmem:s28+$0xA020];
	v18 =	vadd.f32 v18, v19  }
0x126: {  	v8 =	vadd.f32 v8, v13;
	v13 =	vadd.f32 v23, v15;
	v15 =	vld [tilespmem:s28+$0xD830]  }
0x127: {  	v19 =	vld [tilespmem:s28+$0xA810];
	v17 =	vadd.f32 v17, v18  }
0x128: {  	v8 =	vadd.f32 v9, v8;
	v9 =	vadd.f32 v21, v14;
	v14 =	vld [tilespmem:s28+$0xE030]  }
0x129: {  	v18 =	vld [tilespmem:s28+$0xA820];
	v16 =	vadd.f32 v16, v17  }
0x12a: {  	v8 =	vadd.f32 v12, v8;
	v12 =	vadd.f32 v20, v13;
	v13 =	vld [tilespmem:s28+$0xE830]  }
0x12b: {  	v17 =	vld [tilespmem:s28+$0xB010];
	v15 =	vadd.f32 v15, v16  }
0x12c: {  	v8 =	vadd.f32 v10, v8;
	v9 =	vadd.f32 v19, v9;
	v10 =	vld [tilespmem:s28+$0xF030]  }
0x12d: {  	v16 =	vld [tilespmem:s28+$0xB020];
	v14 =	vadd.f32 v14, v15  }
0x12e: {  	v8 =	vadd.f32 v11, v8;
	v11 =	vadd.f32 v18, v12;
	v12 =	vld [tilespmem:s28+$0xF830]  }
0x12f: {  	v15 =	vld [tilespmem:s28+$0xB810];
	v13 =	vadd.f32 v13, v14  }
0x130: {  	v7 =	vadd.f32 v7, v8;
	v8 =	vadd.f32 v17, v9;
	v9 =	vld [tilespmem:s28+$0xB820]  }
0x131: {  	v14 =	vld [tilespmem:s28+$0xC010];
	v10 =	vadd.f32 v10, v13  }
0x132: {  	v6 =	vadd.f32 v6, v7;
	v7 =	vadd.f32 v16, v11;
	v11 =	vld [tilespmem:s28+$0xC020]  }
0x133: {  	v13 =	vld [tilespmem:s28+$0xC810];
	v10 =	vadd.f32 v12, v10  }
0x134: {  	v5 =	vadd.f32 v5, v6;
	v6 =	vadd.f32 v15, v8;
	v8 =	vld [tilespmem:s28+$0xC820]  }
0x135: {  	v12 =	vld [tilespmem:s28+$0xD010];
	v7 =	vadd.f32 v9, v7;
	[tilespmem:s28+$0x10030] =	vst v10  }
0x136: {  	[tilespmem:s28+$0x10000] =	vst v5;
	v5 =	vadd.f32 v14, v6;
	v6 =	vld [tilespmem:s28+$0xD020]  }
0x137: {  	v9 =	vld [tilespmem:s28+$0xD810];
	v7 =	vadd.f32 v11, v7  }
0x138: {  	v5 =	vadd.f32 v13, v5;
	v10 =	vld [tilespmem:s28+$0xD820]  }
0x139: {  	v11 =	vld [tilespmem:s28+$0xE010];
	v7 =	vadd.f32 v8, v7  }
0x13a: {  	v8 =	vadd.f32 v12, v5;
	v12 =	vld [tilespmem:s28+$0xE020]  }
.Ltmp4:
0x13b: {  	v5 =	vld [tilespmem:s28+$0xE810];
	v13 =	vadd.f32 v6, v7;
	(pc) =	sbr.rel @p0 .LBB2_10-.Ltmp4, $4  }
0x13c: {  	v8 =	vadd.f32 v9, v8;
	v6 =	vld [tilespmem:s28+$0xE820]  }
0x13d: {  	v7 =	vld [tilespmem:s28+$0xF010];
	v13 =	vadd.f32 v10, v13  }
0x13e: {  	v10 =	vadd.f32 v11, v8;
	v8 =	vld [tilespmem:s28+$0xF020]  }
0x13f: {  	s29 =	sadd.s32 $0x40, s29;
	v9 =	vld [tilespmem:s28+$0xF810];
	v11 =	vadd.f32 v12, v13  }
0x140: {  	v5 =	vadd.f32 v5, v10;
	v10 =	vld [tilespmem:s28+$0xF820]  }
0x141: {  	v6 =	vadd.f32 v6, v11  }
0x142: {  	v5 =	vadd.f32 v7, v5  }
0x143: {  	v6 =	vadd.f32 v8, v6  }
0x144: {  	v5 =	vadd.f32 v9, v5  }
0x145: {  	v6 =	vadd.f32 v10, v6  }
0x146: {  	[tilespmem:s28+$0x10010] =	vst v5  }
0x147: {  	[tilespmem:s28+$0x10020] =	vst v6  }
0x148: {  	s0 =	simm.s32 $0x0;
	s9 =	simm.s32 $0x10000;
	s1 =	rddreg [dreg:$0x2]  }
0x149: {  	[hbm4b:s1+s0] =	stream.linear.scatter [tilespmem:s9], [sflag:$0x5], $0x800, $0x38;
	[tilespmem:$0x12980] =	vst v63  }
0x14a: {  	_ =	swait.ge [sflag:s17], $0x800  }
0x14b: {  	[sflag:s17] =	ssyncset.done $0x0  }
0x14c: {  	[sflag:s17] =	ssyncadd.s32 $0xFFFFF800  }
0x14d: {  	[bflag:$0x0] =	sbarrier.arrive $0xFFFF  }
0x14e: {  	s31 =	simm.s32 $0x10800;
	s26 =	rddreg [dreg:$0x3]  }
0x14f: {  	[tilespmem:s31], [sflag:$0x5] =	stream.linear.gather [hbm4b:s26+s0], $0x800, $0x38;
	[tilespmem:$0x12980] =	vst v63  }
0x150: {  	_ =	swait.ge [sflag:s17], $0x800  }
0x151: {  	[sflag:s17] =	ssyncset.done $0x0  }
0x152: {  	s26 =	simm.s32 $0x0;
	[sflag:s17] =	ssyncadd.s32 $0xFFFFF800  }
0x153: {  	v6 =	vld [tilespmem:s26+$0x10000]  }
0x154: {  	s0 =	simm.s32 $0x10  }
0x155: {  	s1 =	simm.s32 $0x20;
	v7 =	vld [tilespmem:s0+$0x10000]  }
0x156: {  	v9 =	vld [tilespmem:s1+$0x10000];
	_ =	sdelay $0x1  }
0x157: {  	(xrf2) =	vadd.scan.msk.f32 $0xffff, v6;
	_ =	sdelay $0x1  }
0x158: {  	(xrf2) =	vadd.scan.msk.f32 $0xffff, v7  }
0x159: {  	(xrf2) =	vadd.scan.msk.f32 $0xffff, v9;
	_ =	sdelay $0x6  }
0x15a: {  	v8, _, _ =	vpop (xrf2)  }
0x15b: {  	(v2sf) =	vpush v8, $0xF  }
0x15c: {  	s16 =	simm.s32 $0x30;
	v6 =	vsub.f32 v8, v6;
	v8, _, _ =	vpop (xrf2)  }
0x15d: {  	v5 =	vld [tilespmem:s16+$0x10000];
	(v2sf) =	vpush v8, $0xF;
	v10, _, _ =	vpop (xrf2)  }
0x15e: {  	(v2sf) =	vpush v10, $0xF;
	_ =	sdelay $0x3  }
0x15f: {  	s28 =	simm.s32 $0x40;
	(xrf2) =	vadd.scan.msk.f32 $0xffff, v5  }
0x160: {  	v7 =	vsub.f32 v8, v7;
	v8 =	vld [tilespmem:s28+$0x10000];
	_ =	sdelay $0x3  }
0x161: {  	s29 =	simm.f32 $0.0e+00;
	s30 =	simm.s32 $0x140;
	v9 =	vsub.f32 v10, v9  }
.LBB2_12:
0x162: {  	s31 =	sshra.s32 s30, $0x2;
	p0 =	sne.s32 s30, $0x1FC0;
	s30 =	sadd.s32 $0x40, s30;
	(xrf2) =	vadd.scan.msk.f32 $0xffff, v8;
	v10 =	vadd.f32 s29, v6;
	v11 =	vmov v8;
	v6 =	vmov v7  }
.Ltmp5:
0x163: {  	v8 =	vld [tilespmem:s31+$0x10000];
	v7 =	vmov v9;
	(pc) =	sbr.rel @p0 .LBB2_12-.Ltmp5, $4  }
0x164: {  	[tilespmem:s26+$0x11000] =	vst v10;
	s18 =	spop (v2sf);
	s26 =	smov.u32 s0;
	s0 =	smov.u32 s1  }
0x165: {  	s1 =	smov.u32 s16;
	s16 =	smov.u32 s28;
	s29 =	sadd.f32 s18, s29  }
0x166: {  	s28 =	smov.u32 s31;
	v10, _, _ =	vpop (xrf2)  }
0x167: {  	v9 =	vsub.f32 v10, v5;
	(v2sf) =	vpush v10, $0xF;
	v5 =	vmov v11  }
0x168: {  	(xrf2) =	vadd.scan.msk.f32 $0xffff, v8;
	_ =	sdelay $0x7  }
0x169: {  	v10, _, _ =	vpop (xrf2)  }
0x16a: {  	(v2sf) =	vpush v10, $0xF  }
0x16b: {  	v11, _, _ =	vpop (xrf2)  }
0x16c: {  	(v2sf) =	vpush v11, $0xF;
	_ =	sdelay $0x6  }
0x16d: {  	s18 =	spop (v2sf)  }
0x16e: {  	s18 =	sadd.f32 s18, s29  }
0x16f: {  	s30 =	spop (v2sf)  }
0x170: {  	s30 =	sadd.f32 s30, s18  }
0x171: {  	s31 =	spop (v2sf)  }
0x172: {  	s31 =	sadd.f32 s31, s30  }
0x173: {  	s9 =	spop (v2sf)  }
0x174: {  	s9 =	sadd.f32 s9, s31  }
0x175: {  	s10 =	spop (v2sf)  }
0x176: {  	v6 =	vadd.f32 s29, v6;
	s10 =	sadd.f32 s10, s9  }
0x177: {  	v7 =	vadd.f32 s18, v7;
	v5 =	vsub.f32 v10, v5  }
0x178: {  	[tilespmem:s26+$0x11000] =	vst v6;
	v6 =	vadd.f32 s30, v9;
	v8 =	vsub.f32 v11, v8;
	v9 =	vmov s10  }
0x179: {  	[tilespmem:s0+$0x11000] =	vst v7;
	v5 =	vadd.f32 s31, v5;
	v7 =	vadd.f32 $0.0e+00, v9  }
0x17a: {  	[tilespmem:s1+$0x11000] =	vst v6;
	v6 =	vadd.f32 s9, v8  }
0x17b: {  	[tilespmem:s16+$0x11000] =	vst v5;
	v5 =	vbroadcast v7, $0x0  }
0x17c: {  	[tilespmem:s28+$0x11000] =	vst v6  }
0x17d: {  	s26 =	simm.s32 $0x0;
	[tilespmem:$0x11800] =	vst v5  }
0x17e: {  	v6 =	vld [tilespmem:s26+$0x10800]  }
0x17f: {  	s0 =	simm.s32 $0x10  }
0x180: {  	s1 =	simm.s32 $0x20;
	v7 =	vld [tilespmem:s0+$0x10800]  }
0x181: {  	v9 =	vld [tilespmem:s1+$0x10800];
	_ =	sdelay $0x1  }
0x182: {  	(xrf2) =	vadd.scan.msk.f32 $0xffff, v6;
	_ =	sdelay $0x1  }
0x183: {  	(xrf2) =	vadd.scan.msk.f32 $0xffff, v7  }
0x184: {  	(xrf2) =	vadd.scan.msk.f32 $0xffff, v9;
	_ =	sdelay $0x6  }
0x185: {  	v8, _, _ =	vpop (xrf2)  }
0x186: {  	(v2sf) =	vpush v8, $0xF  }
0x187: {  	s16 =	simm.s32 $0x30;
	v6 =	vsub.f32 v8, v6;
	v8, _, _ =	vpop (xrf2)  }
0x188: {  	v5 =	vld [tilespmem:s16+$0x10800];
	(v2sf) =	vpush v8, $0xF;
	v10, _, _ =	vpop (xrf2)  }
0x189: {  	(v2sf) =	vpush v10, $0xF;
	_ =	sdelay $0x3  }
0x18a: {  	s28 =	simm.s32 $0x40;
	(xrf2) =	vadd.scan.msk.f32 $0xffff, v5  }
0x18b: {  	v7 =	vsub.f32 v8, v7;
	v8 =	vld [tilespmem:s28+$0x10800];
	_ =	sdelay $0x3  }
0x18c: {  	s29 =	simm.f32 $0.0e+00;
	s30 =	simm.s32 $0x140;
	v9 =	vsub.f32 v10, v9  }
.LBB2_14:
0x18d: {  	s9 =	sshra.s32 s30, $0x2;
	p0 =	sne.s32 s30, $0x1FC0;
	s30 =	sadd.s32 $0x40, s30;
	(xrf2) =	vadd.scan.msk.f32 $0xffff, v8;
	v10 =	vadd.f32 s29, v6;
	v11 =	vmov v8;
	v6 =	vmov v7  }
.Ltmp6:
0x18e: {  	v8 =	vld [tilespmem:s9+$0x10800];
	v7 =	vmov v9;
	(pc) =	sbr.rel @p0 .LBB2_14-.Ltmp6, $4  }
0x18f: {  	[tilespmem:s26+$0x11880] =	vst v10;
	s10 =	spop (v2sf);
	s26 =	smov.u32 s0;
	s0 =	smov.u32 s1  }
0x190: {  	s1 =	smov.u32 s16;
	s16 =	smov.u32 s28;
	s29 =	sadd.f32 s10, s29  }
0x191: {  	s28 =	smov.u32 s9;
	v10, _, _ =	vpop (xrf2)  }
0x192: {  	v9 =	vsub.f32 v10, v5;
	(v2sf) =	vpush v10, $0xF;
	v5 =	vmov v11  }
0x193: {  	(xrf2) =	vadd.scan.msk.f32 $0xffff, v8;
	_ =	sdelay $0x7  }
0x194: {  	v10, _, _ =	vpop (xrf2)  }
0x195: {  	(v2sf) =	vpush v10, $0xF  }
0x196: {  	v11, _, _ =	vpop (xrf2)  }
0x197: {  	(v2sf) =	vpush v11, $0xF;
	_ =	sdelay $0x6  }
0x198: {  	s9 =	spop (v2sf)  }
0x199: {  	s9 =	sadd.f32 s9, s29  }
0x19a: {  	s10 =	spop (v2sf)  }
0x19b: {  	s10 =	sadd.f32 s10, s9  }
0x19c: {  	s18 =	spop (v2sf)  }
0x19d: {  	s18 =	sadd.f32 s18, s10  }
0x19e: {  	s30 =	spop (v2sf)  }
0x19f: {  	s30 =	sadd.f32 s30, s18  }
0x1a0: {  	s31 =	spop (v2sf)  }
0x1a1: {  	v6 =	vadd.f32 s29, v6;
	s31 =	sadd.f32 s31, s30  }
0x1a2: {  	v7 =	vadd.f32 s9, v7;
	v5 =	vsub.f32 v10, v5  }
0x1a3: {  	[tilespmem:s26+$0x11880] =	vst v6;
	v6 =	vadd.f32 s10, v9;
	v63 =	vsub.f32 v11, v8;
	v62 =	vmov s31  }
0x1a4: {  	[tilespmem:s0+$0x11880] =	vst v7;
	v5 =	vadd.f32 s18, v5;
	v7 =	vadd.f32 $0.0e+00, v62  }
0x1a5: {  	[tilespmem:s1+$0x11880] =	vst v6;
	v6 =	vadd.f32 s30, v63  }
0x1a6: {  	[tilespmem:s16+$0x11880] =	vst v5;
	v5 =	vbroadcast v7, $0x0  }
0x1a7: {  	[tilespmem:s28+$0x11880] =	vst v6  }
0x1a8: {  	s0 =	simm.s32 $0x0;
	[tilespmem:$0x12080] =	vst v5  }
.LBB2_16:
0x1a9: {  	s1 =	sshra.s32 s0, $0x2;
	v6 =	vld.idx.msk [tilespmem:v3+s19+$0x0], $0xffff  }
0x1aa: {  	v5 =	vld [tilespmem:s1+$0x11000];
	_ =	sdelay $0x4  }
0x1ab: {  	vm0 =	vle.f32 v6, v5  }
0x1ac: {  	v6 =	vsel vm0, $0x400, v4  }
0x1ad: {  	v7 =	vor.u32 $0x200, v6;
	_ =	sdelay $0x4  }
0x1ae: {  	v8 =	vld.idx.msk [tilespmem:v7+s19+$0x0], $0xffff;
	_ =	sdelay $0x4  }
0x1af: {  	vm7 =	vle.f32 v8, v5  }
0x1b0: {  	v6 =	vsel vm7, v7, v6  }
0x1b1: {  	v7 =	vor.u32 $0x100, v6;
	_ =	sdelay $0x4  }
0x1b2: {  	v54 =	vld.idx.msk [tilespmem:v7+s19+$0x0], $0xffff;
	_ =	sdelay $0x4  }
0x1b3: {  	vm8 =	vle.f32 v54, v5  }
0x1b4: {  	v6 =	vsel vm8, v7, v6  }
0x1b5: {  	v7 =	vor.u32 $0x80, v6;
	_ =	sdelay $0x4  }
0x1b6: {  	v55 =	vld.idx.msk [tilespmem:v7+s19+$0x0], $0xffff;
	_ =	sdelay $0x4  }
0x1b7: {  	vm9 =	vle.f32 v55, v5  }
0x1b8: {  	v6 =	vsel vm9, v7, v6  }
0x1b9: {  	v7 =	vadd.s32 $0x40, v6;
	_ =	sdelay $0x4  }
0x1ba: {  	v56 =	vld.idx.msk [tilespmem:v7+s19+$0x0], $0xffff;
	_ =	sdelay $0x4  }
0x1bb: {  	vm0 =	vlt.u32 v6, $0x7C0;
	vm1 =	vle.f32 v56, v5  }
0x1bc: {  	vm0 =	vmand vm1, vm0  }
0x1bd: {  	v6 =	vsel vm0, v7, v6  }
0x1be: {  	v7 =	vadd.s32 $0x20, v6;
	_ =	sdelay $0x4  }
0x1bf: {  	v57 =	vld.idx.msk [tilespmem:v7+s19+$0x0], $0xffff;
	_ =	sdelay $0x4  }
0x1c0: {  	vm0 =	vlt.u32 v6, $0x7E0;
	vm10 =	vle.f32 v57, v5  }
0x1c1: {  	vm0 =	vmand vm10, vm0  }
0x1c2: {  	v6 =	vsel vm0, v7, v6  }
0x1c3: {  	v7 =	vadd.s32 $0x10, v6;
	_ =	sdelay $0x4  }
0x1c4: {  	v58 =	vld.idx.msk [tilespmem:v7+s19+$0x0], $0xffff;
	_ =	sdelay $0x4  }
0x1c5: {  	vm0 =	vlt.u32 v6, $0x7F0;
	vm11 =	vle.f32 v58, v5  }
0x1c6: {  	vm0 =	vmand vm11, vm0  }
0x1c7: {  	v6 =	vsel vm0, v7, v6  }
0x1c8: {  	v7 =	vadd.s32 $0x8, v6;
	_ =	sdelay $0x4  }
0x1c9: {  	v59 =	vld.idx.msk [tilespmem:v7+s19+$0x0], $0xffff;
	_ =	sdelay $0x4  }
0x1ca: {  	vm0 =	vlt.u32 v6, $0x7F8;
	vm12 =	vle.f32 v59, v5  }
0x1cb: {  	vm0 =	vmand vm12, vm0  }
0x1cc: {  	v6 =	vsel vm0, v7, v6  }
0x1cd: {  	v7 =	vadd.s32 $0x4, v6;
	_ =	sdelay $0x4  }
0x1ce: {  	v60 =	vld.idx.msk [tilespmem:v7+s19+$0x0], $0xffff;
	_ =	sdelay $0x4  }
0x1cf: {  	vm0 =	vlt.u32 v6, $0x7FC;
	vm13 =	vle.f32 v60, v5  }
0x1d0: {  	vm0 =	vmand vm13, vm0  }
0x1d1: {  	v6 =	vsel vm0, v7, v6  }
0x1d2: {  	v7 =	vadd.s32 $0x2, v6;
	_ =	sdelay $0x4  }
0x1d3: {  	v61 =	vld.idx.msk [tilespmem:v7+s19+$0x0], $0xffff;
	_ =	sdelay $0x4  }
0x1d4: {  	vm0 =	vlt.u32 v6, $0x7FE;
	vm14 =	vle.f32 v61, v5  }
0x1d5: {  	vm0 =	vmand vm14, vm0  }
0x1d6: {  	v6 =	vsel vm0, v7, v6  }
0x1d7: {  	v7 =	vadd.s32 $0x1, v6;
	_ =	sdelay $0x4  }
0x1d8: {  	v62 =	vld.idx.msk [tilespmem:v7+s19+$0x0], $0xffff;
	_ =	sdelay $0x4  }
0x1d9: {  	vm0 =	vlt.u32 v6, $0x7FF;
	vm15 =	vle.f32 v62, v5  }
0x1da: {  	vm0 =	vmand vm15, vm0  }
0x1db: {  	v6 =	vsel vm0, v7, v6  }
0x1dc: {  	v7 =	vadd.s32 $0x1, v6;
	_ =	sdelay $0x3  }
0x1dd: {  	v63 =	vld.idx.msk [tilespmem:v6+s19+$0x0], $0xffff  }
0x1de: {  	v7 =	vld.idx.msk [tilespmem:v7+s19+$0x0], $0xffff;
	_ =	sdelay $0x4  }
0x1df: {  	v7 =	vsub.f32 v7, v63;
	_ =	sdelay $0x1  }
0x1e0: {  	v7 =	vmax.f32 v7, $1.000000000e+00  }
0x1e1: {  	(erf) = vrcp.f32 v7;
	_ =	sdelay $0x7  }
0x1e2: {  	v5 =	vsub.f32 v5, v63  }
0x1e3: {  	v7 =	vpop (erf)  }
0x1e4: {  	v5 =	vmul.f32 v7, v5;
	_ =	sdelay $0x1  }
0x1e5: {  	v6 =	vcvt.s32.f32 v6;
	v5 =	vmax.f32 v5, $0.0e+00  }
0x1e6: {  	v5 =	vmin.f32 v5, $1.000000000e+00  }
0x1e7: {  	v5 =	vadd.f32 v6, v5  }
0x1e8: {  	p0 =	sne.s32 s0, $0x2000  }
.Ltmp7:
0x1e9: {  	v5 =	vmul.f32 $7.324218750e-04, v5;
	(pc) =	sbr.rel @p0 .LBB2_16-.Ltmp7, $3  }
0x1ea: {  	_ = 	snop  }
0x1eb: {  	v5 =	vadd.f32 $-2.500000000e-01, v5;
	_ =	sdelay $0x1  }
0x1ec: {  	s0 =	sadd.s32 $0x40, s0;
	[tilespmem:s1+$0x12100] =	vst v5  }
0x1ed: {  	s26 =	simm.s32 $0x0  }
0x1ee: {  	[tilespmem:s26], [sflag:$0x1] =	stream.linear.gather [hbm4b:s7+s26], $0x2000, $0x38;
	[tilespmem:$0x12980] =	vst v63  }
.LBB2_18:
0x1ef: {  	s29 =	sshll.u32 s26, $0xE  }
0x1f0: {  	s28 =	sor.u32 $0x2000, s29  }
0x1f1: {  	_ =	swait.ge [sflag:s12], $0x2000;
	s0 =	sor.u32 s5, s28  }
0x1f2: {  	[sflag:s12] =	ssyncset.done $0x0;
	s0 =	sshrl.u32 s0, $0x3  }
0x1f3: {  	p0 =	seq.s32 s26, $0x0;
	[sflag:s12] =	ssyncadd.s32 $0xFFFFE000;
	s0 =	sadd.s32 s3, s0  }
0x1f4: {  	[tilespmem:s13], [sflag:$0x2] =	stream.linear.gather [hbm4b:s0+s2], $0x2000, $0x38;
	[tilespmem:$0x12980] =	vst v63  }
0x1f5: {  	s0 =	simm.s32 @!p0 $0x3  }
0x1f6: {  	_ =	swait.ge @!p0 [sflag:s0], $0x2000  }
0x1f7: {  	[sflag:s0] =	ssyncset.done @!p0 $0x0  }
0x1f8: {  	s10 =	simm.s32 $0x40;
	[sflag:s0] =	ssyncadd.s32 @!p0 $0xFFFFE000  }
0x1f9: {  	v5 =	vld [tilespmem:s10+$0x30]  }
0x1fa: {  	v6 =	vld [tilespmem:s10+$0xFFFFFFD0]  }
0x1fb: {  	v7 =	vld [tilespmem:s10+$0xFFFFFFE0]  }
0x1fc: {  	v8 =	vld [tilespmem:s10+$0xFFFFFFF0]  }
0x1fd: {  	v9 =	vld [tilespmem:s10+$0x0]  }
0x1fe: {  	v12 =	vld [tilespmem:s10+$0xFFFFFFC0]  }
0x1ff: {  	v10 =	vld [tilespmem:s10+$0x10]  }
0x200: {  	v11 =	vld [tilespmem:s10+$0x20]  }
0x201: {  	v5 =	vadd.f32 $2.500000000e-01, v5;
	v6 =	vadd.f32 $2.500000000e-01, v6  }
0x202: {  	v7 =	vadd.f32 $2.500000000e-01, v7;
	v8 =	vadd.f32 $2.500000000e-01, v8  }
0x203: {  	v9 =	vadd.f32 $2.500000000e-01, v9;
	v12 =	vadd.f32 $2.500000000e-01, v12;
	v5 =	vmul.f32 $1.365333370e+03, v5  }
0x204: {  	v10 =	vadd.f32 $2.500000000e-01, v10;
	v6 =	vmul.f32 $1.365333370e+03, v6;
	v7 =	vmul.f32 $1.365333370e+03, v7  }
0x205: {  	v11 =	vadd.f32 $2.500000000e-01, v11;
	v8 =	vmul.f32 $1.365333370e+03, v8;
	v12 =	vmul.f32 $1.365333370e+03, v12  }
0x206: {  	v9 =	vmul.f32 $1.365333370e+03, v9;
	v10 =	vmul.f32 $1.365333370e+03, v10;
	v5 =	vmax.f32 v5, $0.0e+00  }
0x207: {  	v11 =	vmul.f32 $1.365333370e+03, v11;
	v12 =	vmax.f32 v12, $0.0e+00;
	v5 =	vmin.f32 v5, $2.047000000e+03  }
0x208: {  	v6 =	vmax.f32 v6, $0.0e+00;
	v12 =	vmin.f32 v12, $2.047000000e+03;
	v13 =	vtrunc.f32 v5  }
0x209: {  	v6 =	vmin.f32 v6, $2.047000000e+03;
	v15 =	vtrunc.f32 v12;
	v13 =	vcvt.f32.s32 v13  }
0x20a: {  	v7 =	vmax.f32 v7, $0.0e+00;
	v16 =	vtrunc.f32 v6;
	v15 =	vcvt.f32.s32 v15  }
0x20b: {  	v8 =	vmax.f32 v8, $0.0e+00;
	v9 =	vmax.f32 v9, $0.0e+00;
	v16 =	vcvt.f32.s32 v16  }
0x20c: {  	v10 =	vmax.f32 v10, $0.0e+00;
	v8 =	vmin.f32 v8, $2.047000000e+03;
	v9 =	vmin.f32 v9, $2.047000000e+03  }
0x20d: {  	v10 =	vmin.f32 v10, $2.047000000e+03;
	v19 =	vtrunc.f32 v8;
	v14 =	vadd.s32 $0x1, v13  }
0x20e: {  	v20 =	vtrunc.f32 v9;
	v21 =	vtrunc.f32 v10;
	v23 =	vadd.s32 $0x1, v16  }
0x20f: {  	v7 =	vmin.f32 v7, $2.047000000e+03;
	v19 =	vcvt.f32.s32 v19;
	v21 =	vcvt.f32.s32 v21;
	v17 =	vld.idx.msk [tilespmem:v13+s20+$0x0], $0xffff  }
0x210: {  	v11 =	vmax.f32 v11, $0.0e+00;
	v18 =	vtrunc.f32 v7;
	v20 =	vcvt.f32.s32 v20;
	v27 =	vld.idx.msk [tilespmem:v15+s20+$0x0], $0xffff  }
0x211: {  	v25 =	vadd.s32 $0x1, v19;
	v30 =	vcvt.s32.f32 v16;
	v13 =	vcvt.s32.f32 v13;
	v16 =	vld.idx.msk [tilespmem:v16+s20+$0x0], $0xffff  }
0x212: {  	v26 =	vadd.s32 $0x1, v20;
	v28 =	vadd.s32 $0x1, v21;
	v31 =	vcvt.s32.f32 v21;
	v14 =	vld.idx.msk [tilespmem:v14+s20+$0x0], $0xffff  }
0x213: {  	s16 =	simm.s32 $0xC0;
	v23 =	vld.idx.msk [tilespmem:v23+s20+$0x0], $0xffff;
	v5 =	vsub.f32 v5, v13;
	v13 =	vadd.s32 $0x1, v15;
	v15 =	vcvt.s32.f32 v15  }
0x214: {  	v18 =	vcvt.f32.s32 v18;
	v6 =	vsub.f32 v6, v30;
	v10 =	vsub.f32 v10, v31;
	v31 =	vld [tilespmem:s16+$0xFFFFFFE0]  }
0x215: {  	v21 =	vld.idx.msk [tilespmem:v21+s20+$0x0], $0xffff;
	v5 =	vmax.f32 v5, $0.0e+00;
	v12 =	vsub.f32 v12, v15;
	v15 =	vcvt.s32.f32 v20  }
0x216: {  	v24 =	vadd.s32 $0x1, v18;
	v6 =	vmax.f32 v6, $0.0e+00;
	v25 =	vld.idx.msk [tilespmem:v25+s20+$0x0], $0xffff;
	v5 =	vmin.f32 v5, $1.000000000e+00  }
0x217: {  	v26 =	vld.idx.msk [tilespmem:v26+s20+$0x0], $0xffff;
	v14 =	vsub.f32 v14, v17;
	v12 =	vmax.f32 v12, $0.0e+00;
	v9 =	vsub.f32 v9, v15  }
0x218: {  	v28 =	vld.idx.msk [tilespmem:v28+s20+$0x0], $0xffff;
	v15 =	vmax.f32 v10, $0.0e+00;
	v10 =	vmin.f32 v12, $1.000000000e+00;
	v12 =	vsub.f32 v23, v16  }
0x219: {  	v11 =	vmin.f32 v11, $2.047000000e+03;
	v6 =	vmin.f32 v6, $1.000000000e+00;
	v20 =	vld.idx.msk [tilespmem:v20+s20+$0x0], $0xffff;
	v5 =	vmul.f32 v5, v14  }
0x21a: {  	v22 =	vtrunc.f32 v11;
	v13 =	vld.idx.msk [tilespmem:v13+s20+$0x0], $0xffff;
	v6 =	vmul.f32 v6, v12  }
0x21b: {  	v14 =	vadd.f32 v5, v17;
	v5 =	vcvt.s32.f32 v18;
	v17 =	vcvt.s32.f32 v19;
	v19 =	vld.idx.msk [tilespmem:v19+s20+$0x0], $0xffff  }
0x21c: {  	v22 =	vcvt.f32.s32 v22;
	v16 =	vadd.f32 v6, v16;
	v6 =	vld [tilespmem:s16+$0xFFFFFFC0]  }
0x21d: {  	v5 =	vsub.f32 v7, v5;
	v7 =	vld.idx.msk [tilespmem:v24+s20+$0x0], $0xffff  }
0x21e: {  	v29 =	vadd.s32 $0x1, v22;
	v24 =	vcvt.s32.f32 v22;
	v8 =	vsub.f32 v8, v17;
	v17 =	vld.idx.msk [tilespmem:v18+s20+$0x0], $0xffff  }
0x21f: {  	v28 =	vsub.f32 v28, v21;
	v9 =	vmax.f32 v9, $0.0e+00;
	v13 =	vsub.f32 v13, v27;
	v18 =	vld [tilespmem:s16+$0x30]  }
0x220: {  	v38 =	vsub.f32 v26, v20;
	v11 =	vsub.f32 v11, v24;
	v5 =	vmax.f32 v5, $0.0e+00  }
0x221: {  	v8 =	vmax.f32 v8, $0.0e+00;
	v24 =	vld [tilespmem:s16+$0xFFFFFFD0];
	v23 =	vmul.f32 v10, v13;
	v10 =	vmin.f32 v9, $1.000000000e+00  }
0x222: {  	v9 =	vld [tilespmem:s16+$0x10];
	v13 =	vmin.f32 v8, $1.000000000e+00;
	v36 =	vsub.f32 v25, v19;
	v30 =	vmax.f32 v11, $0.0e+00  }
0x223: {  	v8 =	vld [tilespmem:s16+$0x0];
	v11 =	vmin.f32 v15, $1.000000000e+00;
	v15 =	vadd.f32 v23, v27;
	v27 =	vadd.f32 $2.500000000e-01, v31  }
0x224: {  	v32 =	vld [tilespmem:s16+$0xFFFFFFF0];
	v5 =	vmin.f32 v5, $1.000000000e+00;
	v6 =	vadd.f32 $2.500000000e-01, v6;
	v18 =	vadd.f32 $2.500000000e-01, v18  }
0x225: {  	v7 =	vsub.f32 v7, v17;
	v13 =	vmul.f32 v13, v36;
	v11 =	vmul.f32 v11, v28  }
0x226: {  	v12 =	vmin.f32 v30, $1.000000000e+00;
	v27 =	vmul.f32 $1.365333370e+03, v27;
	v6 =	vmul.f32 $1.365333370e+03, v6  }
0x227: {  	v23 =	vadd.f32 $2.500000000e-01, v24;
	v18 =	vmul.f32 $1.365333370e+03, v18;
	v7 =	vmul.f32 v5, v7  }
0x228: {  	v9 =	vadd.f32 $2.500000000e-01, v9;
	v8 =	vadd.f32 $2.500000000e-01, v8;
	v27 =	vmax.f32 v27, $0.0e+00  }
0x229: {  	v24 =	vld [tilespmem:s16+$0x20];
	v6 =	vmax.f32 v6, $0.0e+00;
	v5 =	vmul.f32 $1.365333370e+03, v23;
	v23 =	vadd.f32 $2.500000000e-01, v32  }
0x22a: {  	v18 =	vmax.f32 v18, $0.0e+00;
	v9 =	vmul.f32 $1.365333370e+03, v9;
	v27 =	vmin.f32 v27, $2.047000000e+03  }
0x22b: {  	v18 =	vmin.f32 v18, $2.047000000e+03;
	v8 =	vmul.f32 $1.365333370e+03, v8;
	v35 =	vtrunc.f32 v27  }
0x22c: {  	v6 =	vmin.f32 v6, $2.047000000e+03;
	v23 =	vmul.f32 $1.365333370e+03, v23;
	v30 =	vtrunc.f32 v18  }
0x22d: {  	v5 =	vmax.f32 v5, $0.0e+00;
	v9 =	vmax.f32 v9, $0.0e+00;
	v30 =	vcvt.f32.s32 v30  }
0x22e: {  	v35 =	vcvt.f32.s32 v35;
	v24 =	vadd.f32 $2.500000000e-01, v24;
	v8 =	vmax.f32 v8, $0.0e+00  }
0x22f: {  	v29 =	vld.idx.msk [tilespmem:v29+s20+$0x0], $0xffff;
	v63 =	vmin.f32 v5, $2.047000000e+03;
	v9 =	vmin.f32 v9, $2.047000000e+03;
	v31 =	vadd.s32 $0x1, v30  }
0x230: {  	v5 =	vld.idx.msk [tilespmem:v22+s20+$0x0], $0xffff;
	v23 =	vmax.f32 v23, $0.0e+00;
	v8 =	vmin.f32 v8, $2.047000000e+03;
	v26 =	vtrunc.f32 v9  }
0x231: {  	v24 =	vmul.f32 $1.365333370e+03, v24;
	v22 =	vmin.f32 v23, $2.047000000e+03;
	v23 =	vtrunc.f32 v6  }
0x232: {  	v52 =	vadd.s32 $0x1, v35;
	v37 =	vtrunc.f32 v8;
	v41 =	vcvt.f32.s32 v26  }
0x233: {  	v23 =	vcvt.f32.s32 v23;
	v37 =	vcvt.f32.s32 v37;
	v24 =	vmax.f32 v24, $0.0e+00;
	v34 =	vld.idx.msk [tilespmem:v30+s20+$0x0], $0xffff  }
0x234: {  	v45 =	vadd.s32 $0x1, v41;
	v33 =	vmin.f32 v24, $2.047000000e+03;
	v24 =	vtrunc.f32 v63;
	v25 =	vld.idx.msk [tilespmem:v31+s20+$0x0], $0xffff  }
0x235: {  	v29 =	vsub.f32 v29, v5;
	v30 =	vcvt.s32.f32 v30;
	v39 =	vtrunc.f32 v33  }
0x236: {  	v44 =	vadd.s32 $0x1, v37;
	v40 =	vcvt.f32.s32 v24;
	v31 =	vtrunc.f32 v22  }
0x237: {  	v24 =	vcvt.f32.s32 v39;
	v18 =	vsub.f32 v18, v30;
	v30 =	vadd.s32 $0x1, v23  }
0x238: {  	v31 =	vcvt.f32.s32 v31;
	v42 =	vadd.s32 $0x1, v40;
	v48 =	vcvt.s32.f32 v40  }
0x239: {  	v47 =	vld.idx.msk [tilespmem:v23+s20+$0x0], $0xffff;
	v23 =	vcvt.s32.f32 v23;
	v18 =	vmax.f32 v18, $0.0e+00;
	v25 =	vsub.f32 v25, v34  }
0x23a: {  	v46 =	vadd.s32 $0x1, v24;
	v53 =	vcvt.s32.f32 v31;
	v18 =	vmin.f32 v18, $1.000000000e+00  }
0x23b: {  	s18 =	simm.s32 $0x140;
	v43 =	vadd.s32 $0x1, v31;
	v6 =	vsub.f32 v6, v23;
	v18 =	vmul.f32 v18, v25  }
0x23c: {  	v28 =	vld [tilespmem:s18+$0x0];
	v32 =	vsub.f32 v63, v48;
	v23 =	vcvt.s32.f32 v41;
	v22 =	vsub.f32 v22, v53  }
0x23d: {  	v6 =	vmax.f32 v6, $0.0e+00;
	v26 =	vadd.f32 v18, v34;
	v18 =	vld.idx.msk [tilespmem:v30+s20+$0x0], $0xffff;
	v30 =	vcvt.s32.f32 v35  }
0x23e: {  	v54 =	vld.idx.msk [tilespmem:v42+s20+$0x0], $0xffff;
	v9 =	vsub.f32 v9, v23;
	v25 =	vadd.f32 v7, v17;
	v7 =	vcvt.s32.f32 v37  }
0x23f: {  	v17 =	vld.idx.msk [tilespmem:v40+s20+$0x0], $0xffff;
	v22 =	vmax.f32 v22, $0.0e+00;
	v27 =	vsub.f32 v27, v30;
	v30 =	vcvt.s32.f32 v24  }
0x240: {  	v55 =	vld.idx.msk [tilespmem:v52+s20+$0x0], $0xffff;
	v6 =	vmin.f32 v6, $1.000000000e+00;
	v9 =	vmax.f32 v9, $0.0e+00;
	v7 =	vsub.f32 v8, v7  }
0x241: {  	v8 =	vmax.f32 v32, $0.0e+00;
	v9 =	vmin.f32 v9, $1.000000000e+00;
	v23 =	vsub.f32 v33, v30;
	v30 =	vld [tilespmem:s18+$0x30]  }
0x242: {  	v35 =	vld.idx.msk [tilespmem:v35+s20+$0x0], $0xffff;
	v34 =	vadd.f32 v11, v21;
	v21 =	vadd.f32 $2.500000000e-01, v28;
	v56 =	vmin.f32 v8, $1.000000000e+00  }
0x243: {  	v8 =	vmin.f32 v22, $1.000000000e+00;
	v22 =	vld [tilespmem:s18+$0xFFFFFFD0];
	v7 =	vmax.f32 v7, $0.0e+00;
	v18 =	vsub.f32 v18, v47  }
0x244: {  	v21 =	vmul.f32 $1.365333370e+03, v21;
	v57 =	vsub.f32 v54, v17;
	v7 =	vmin.f32 v7, $1.000000000e+00  }
0x245: {  	v27 =	vmax.f32 v27, $0.0e+00;
	v23 =	vmax.f32 v23, $0.0e+00;
	v18 =	vmul.f32 v6, v18  }
0x246: {  	v33 =	vmul.f32 v56, v57;
	v6 =	vmin.f32 v23, $1.000000000e+00;
	v23 =	vld [tilespmem:s18+$0xFFFFFFE0];
	v30 =	vadd.f32 $2.500000000e-01, v30  }
0x247: {  	v58 =	vld [tilespmem:s18+$0xFFFFFFF0];
	v59 =	vadd.f32 v18, v47;
	v18 =	vmul.f32 v10, v38;
	v38 =	vadd.f32 v13, v19  }
0x248: {  	v13 =	vld [tilespmem:s18+$0x10];
	v10 =	vmul.f32 v12, v29;
	v12 =	vsub.f32 v55, v35;
	v19 =	vadd.f32 $2.500000000e-01, v22  }
0x249: {  	v27 =	vmin.f32 v27, $1.000000000e+00;
	v33 =	vadd.f32 v33, v17;
	v22 =	vld [tilespmem:s18+$0x20];
	v17 =	vmul.f32 $1.365333370e+03, v30  }
0x24a: {  	v32 =	vadd.f32 v18, v20;
	v18 =	vld [tilespmem:s18+$0xFFFFFFC0];
	v27 =	vmul.f32 v27, v12;
	v12 =	vmul.f32 $1.365333370e+03, v19  }
0x24b: {  	v21 =	vmax.f32 v21, $0.0e+00;
	v20 =	vadd.f32 $2.500000000e-01, v23;
	v17 =	vmax.f32 v17, $0.0e+00  }
0x24c: {  	v19 =	vadd.f32 $2.500000000e-01, v58;
	v12 =	vmax.f32 v12, $0.0e+00;
	v17 =	vmin.f32 v17, $2.047000000e+03  }
0x24d: {  	v57 =	vadd.f32 v27, v35;
	v20 =	vmul.f32 $1.365333370e+03, v20;
	v11 =	vtrunc.f32 v17  }
0x24e: {  	v13 =	vadd.f32 $2.500000000e-01, v13;
	v60 =	vmin.f32 v12, $2.047000000e+03;
	v23 =	vcvt.f32.s32 v11  }
0x24f: {  	v11 =	vmul.f32 $1.365333370e+03, v19;
	v19 =	vadd.f32 $2.500000000e-01, v22;
	v18 =	vadd.f32 $2.500000000e-01, v18  }
0x250: {  	v22 =	vld.idx.msk [tilespmem:v43+s20+$0x0], $0xffff;
	v30 =	vmul.f32 $1.365333370e+03, v13;
	v20 =	vmax.f32 v20, $0.0e+00;
	v43 =	vmin.f32 v21, $2.047000000e+03  }
0x251: {  	v13 =	vld.idx.msk [tilespmem:v31+s20+$0x0], $0xffff;
	v61 =	vmin.f32 v20, $2.047000000e+03;
	v52 =	vtrunc.f32 v43;
	v28 =	vadd.s32 $0x1, v23  }
0x252: {  	v19 =	vmul.f32 $1.365333370e+03, v19;
	v18 =	vmul.f32 $1.365333370e+03, v18;
	v31 =	vmax.f32 v11, $0.0e+00  }
0x253: {  	v29 =	vld.idx.msk [tilespmem:v44+s20+$0x0], $0xffff;
	v30 =	vmax.f32 v30, $0.0e+00;
	v21 =	vcvt.s32.f32 v23;
	v31 =	vmin.f32 v31, $2.047000000e+03  }
0x254: {  	v11 =	vld.idx.msk [tilespmem:v37+s20+$0x0], $0xffff;
	v44 =	vmin.f32 v30, $2.047000000e+03;
	v30 =	vtrunc.f32 v61;
	v19 =	vmax.f32 v19, $0.0e+00  }
0x255: {  	v18 =	vmax.f32 v18, $0.0e+00;
	v17 =	vsub.f32 v17, v21;
	v49 =	vcvt.f32.s32 v30;
	v62 =	vld.idx.msk [tilespmem:v23+s20+$0x0], $0xffff  }
0x256: {  	v63 =	vmin.f32 v18, $2.047000000e+03;
	v20 =	vsub.f32 v22, v13;
	v22 =	vtrunc.f32 v31;
	v23 =	vld.idx.msk [tilespmem:v45+s20+$0x0], $0xffff  }
0x257: {  	s31 =	simm.s32 $0x4040;
	v45 =	vmin.f32 v19, $2.047000000e+03;
	v19 =	vtrunc.f32 v60;
	v17 =	vmax.f32 v17, $0.0e+00;
	v18 =	vld.idx.msk [tilespmem:v28+s20+$0x0], $0xffff  }
0x258: {  	[tilespmem:s31+$0xFFFFFFC0] =	vst v15;
	v12 =	vld.idx.msk [tilespmem:v41+s20+$0x0], $0xffff;
	v22 =	vcvt.f32.s32 v22;
	v15 =	vadd.s32 $0x1, v49;
	v54 =	vcvt.f32.s32 v19  }
0x259: {  	v28 =	vtrunc.f32 v63;
	v21 =	vsub.f32 v29, v11;
	v29 =	vtrunc.f32 v44  }
0x25a: {  	v53 =	vtrunc.f32 v45;
	v28 =	vcvt.f32.s32 v28;
	v56 =	vadd.s32 $0x1, v54  }
0x25b: {  	[tilespmem:s31+$0xFFFFFFD0] =	vst v16;
	v17 =	vmin.f32 v17, $1.000000000e+00;
	v19 =	vcvt.f32.s32 v52;
	v16 =	vadd.s32 $0x1, v22  }
0x25c: {  	s30 =	simm.s32 $0x40C0;
	[tilespmem:s31+$0x30] =	vst v14;
	v14 =	vld.idx.msk [tilespmem:v24+s20+$0x0], $0xffff;
	v27 =	vcvt.s32.f32 v54;
	v50 =	vadd.s32 $0x1, v28;
	v18 =	vsub.f32 v18, v62  }
0x25d: {  	[tilespmem:s30+$0x30] =	vst v26;
	v55 =	vld.idx.msk [tilespmem:v46+s20+$0x0], $0xffff;
	v26 =	vadd.s32 $0x1, v19;
	v24 =	vcvt.s32.f32 v28;
	v23 =	vsub.f32 v23, v12  }
0x25e: {  	v37 =	vsub.f32 v60, v27;
	v30 =	vmul.f32 v17, v18;
	v18 =	vcvt.f32.s32 v29;
	v29 =	vld.idx.msk [tilespmem:v54+s20+$0x0], $0xffff  }
0x25f: {  	v27 =	vcvt.s32.f32 v22;
	v24 =	vsub.f32 v63, v24;
	v17 =	vcvt.f32.s32 v53;
	v46 =	vld.idx.msk [tilespmem:v56+s20+$0x0], $0xffff  }
0x260: {  	[tilespmem:s31+$0xFFFFFFE0] =	vst v25;
	v37 =	vmax.f32 v37, $0.0e+00;
	v28 =	vld.idx.msk [tilespmem:v28+s20+$0x0], $0xffff;
	v40 =	vadd.f32 v30, v62;
	v30 =	vcvt.s32.f32 v49  }
0x261: {  	[tilespmem:s30+$0xFFFFFFC0] =	vst v59;
	v63 =	vmax.f32 v24, $0.0e+00;
	v58 =	vld.idx.msk [tilespmem:v50+s20+$0x0], $0xffff;
	v25 =	vadd.s32 $0x1, v18;
	v59 =	vadd.s32 $0x1, v17  }
0x262: {  	[tilespmem:s31+$0x10] =	vst v34;
	v16 =	vld.idx.msk [tilespmem:v16+s20+$0x0], $0xffff;
	v62 =	vcvt.s32.f32 v18;
	v60 =	vsub.f32 v61, v30;
	v61 =	vcvt.s32.f32 v19  }
0x263: {  	[tilespmem:s30+$0xFFFFFFD0] =	vst v33;
	v30 =	vld.idx.msk [tilespmem:v15+s20+$0x0], $0xffff;
	v15 =	vsub.f32 v31, v27;
	v31 =	vcvt.s32.f32 v17;
	v27 =	vsub.f32 v55, v14  }
0x264: {  	[tilespmem:s31+$0xFFFFFFF0] =	vst v38;
	v24 =	vld.idx.msk [tilespmem:v26+s20+$0x0], $0xffff;
	v37 =	vmin.f32 v37, $1.000000000e+00;
	v26 =	vsub.f32 v44, v62;
	v38 =	vsub.f32 v46, v29  }
0x265: {  	[tilespmem:s31+$0x0] =	vst v32;
	v39 =	vsub.f32 v43, v61;
	v31 =	vsub.f32 v45, v31;
	v35 =	vmax.f32 v15, $0.0e+00;
	v15 =	vld.idx.msk [tilespmem:v49+s20+$0x0], $0xffff  }
0x266: {  	s0 =	simm.s32 $0x4140;
	[tilespmem:s30+$0xFFFFFFE0] =	vst v57;
	v33 =	vsub.f32 v58, v28;
	v36 =	vmax.f32 v60, $0.0e+00;
	v32 =	vmax.f32 v26, $0.0e+00;
	v25 =	vld.idx.msk [tilespmem:v25+s20+$0x0], $0xffff  }
0x267: {  	s1 =	simm.s32 $0x10;
	s16 =	simm.s32 $0x1C0;
	[tilespmem:s0+$0x30] =	vst v40;
	v26 =	vld.idx.msk [tilespmem:v59+s20+$0x0], $0xffff;
	v34 =	vmax.f32 v39, $0.0e+00;
	v31 =	vmax.f32 v31, $0.0e+00;
	v39 =	vmin.f32 v63, $1.000000000e+00  }
.LBB2_19:
0x268: {  	v40 =	vld [tilespmem:s16+$0x30];
	s1 =	sadd.s32 $0x8, s1;
	v36 =	vmin.f32 v36, $1.000000000e+00;
	v35 =	vmin.f32 v35, $1.000000000e+00;
	v34 =	vmin.f32 v34, $1.000000000e+00  }
0x269: {  	v33 =	vmul.f32 v39, v33;
	v32 =	vmin.f32 v32, $1.000000000e+00;
	v31 =	vmin.f32 v31, $1.000000000e+00;
	v41 =	vld [tilespmem:s16+$0xFFFFFFD0];
	p0 =	slt.u32 s1, $0x1F8  }
0x26a: {  	v20 =	vmul.f32 v8, v20;
	v37 =	vmul.f32 v37, v38;
	v38 =	vadd.f32 v10, v5;
	v8 =	vmovc v35;
	v39 =	vld [tilespmem:s16+$0xFFFFFFE0]  }
0x26b: {  	v21 =	vmul.f32 v7, v21;
	v23 =	vmul.f32 v9, v23;
	v7 =	vmovc v34;
	v28 =	vadd.f32 v33, v28;
	v35 =	vld [tilespmem:s16+$0xFFFFFFF0]  }
0x26c: {  	v10 =	vmul.f32 v6, v27;
	v13 =	vadd.f32 v20, v13;
	v29 =	vadd.f32 v37, v29;
	v33 =	vld [tilespmem:s16+$0x0];
	[tilespmem:s31+$0x20] =	vst v38;
	s31 =	smov.u32 s30;
	s30 =	smov.u32 s0  }
0x26d: {  	v9 =	vmovc v32;
	v6 =	vmovc v31;
	v5 =	vmov v14;
	v20 =	vld [tilespmem:s16+$0x10];
	v27 =	vadd.f32 $2.500000000e-01, v40;
	[tilespmem:s0+$0xFFFFFFC0] =	vst v28;
	v28 =	vsub.f32 v30, v15  }
0x26e: {  	v11 =	vadd.f32 v21, v11;
	v14 =	vadd.f32 $2.500000000e-01, v41;
	v30 =	vld [tilespmem:s16+$0x20];
	[tilespmem:s0+$0xFFFFFFD0] =	vst v29  }
0x26f: {  	v21 =	vld [tilespmem:s16+$0xFFFFFFC0];
	v29 =	vadd.f32 $2.500000000e-01, v39;
	v27 =	vmul.f32 $1.365333370e+03, v27;
	v31 =	vmul.f32 v36, v28;
	[tilespmem:s31+$0xFFFFFFF0] =	vst v13  }
0x270: {  	v28 =	vmul.f32 $1.365333370e+03, v14;
	v14 =	vadd.f32 $2.500000000e-01, v35;
	v13 =	vld.idx.msk [tilespmem:v22+s20+$0x0], $0xffff;
	[tilespmem:s31+$0x0] =	vst v11;
	v22 =	vadd.f32 v23, v12  }
0x271: {  	v23 =	vmul.f32 $1.365333370e+03, v29;
	v29 =	vadd.f32 $2.500000000e-01, v33;
	v12 =	vmax.f32 v27, $0.0e+00;
	v11 =	vld.idx.msk [tilespmem:v19+s20+$0x0], $0xffff  }
0x272: {  	v19 =	vmul.f32 $1.365333370e+03, v14;
	v20 =	vadd.f32 $2.500000000e-01, v20;
	v32 =	vmin.f32 v12, $2.047000000e+03;
	v12 =	vld.idx.msk [tilespmem:v18+s20+$0x0], $0xffff;
	[tilespmem:s31+$0x10] =	vst v22  }
0x273: {  	v18 =	vmul.f32 $1.365333370e+03, v29;
	v22 =	vadd.f32 $2.500000000e-01, v30;
	v27 =	vtrunc.f32 v32;
	v14 =	vld.idx.msk [tilespmem:v17+s20+$0x0], $0xffff  }
0x274: {  	v17 =	vadd.f32 $2.500000000e-01, v21;
	v20 =	vmul.f32 $1.365333370e+03, v20;
	v27 =	vcvt.f32.s32 v27  }
0x275: {  	v23 =	vmax.f32 v23, $0.0e+00;
	v21 =	vmax.f32 v28, $0.0e+00;
	v22 =	vmul.f32 $1.365333370e+03, v22  }
0x276: {  	v19 =	vmax.f32 v19, $0.0e+00;
	v17 =	vmul.f32 $1.365333370e+03, v17;
	v28 =	vadd.s32 $0x1, v27  }
0x277: {  	v18 =	vmax.f32 v18, $0.0e+00;
	v20 =	vmax.f32 v20, $0.0e+00;
	v22 =	vmax.f32 v22, $0.0e+00  }
0x278: {  	v33 =	vmin.f32 v23, $2.047000000e+03;
	v30 =	vmin.f32 v21, $2.047000000e+03;
	v17 =	vmax.f32 v17, $0.0e+00  }
0x279: {  	v35 =	vmin.f32 v19, $2.047000000e+03;
	v36 =	vmin.f32 v18, $2.047000000e+03;
	v34 =	vmin.f32 v17, $2.047000000e+03  }
0x27a: {  	v37 =	vmin.f32 v20, $2.047000000e+03;
	v38 =	vmin.f32 v22, $2.047000000e+03;
	v17 =	vtrunc.f32 v34;
	v29 =	vld.idx.msk [tilespmem:v27+s20+$0x0], $0xffff  }
0x27b: {  	v19 =	vtrunc.f32 v33;
	v18 =	vtrunc.f32 v30;
	v20 =	vsub.f32 v16, v13;
	v28 =	vld.idx.msk [tilespmem:v28+s20+$0x0], $0xffff  }
0x27c: {  	v21 =	vsub.f32 v24, v11;
	v16 =	vtrunc.f32 v35;
	v39 =	vtrunc.f32 v36  }
0x27d: {  	v23 =	vsub.f32 v25, v12;
	v24 =	vtrunc.f32 v37;
	v22 =	vcvt.s32.f32 v27  }
0x27e: {  	v27 =	vsub.f32 v26, v14;
	v25 =	vcvt.f32.s32 v17;
	v17 =	vtrunc.f32 v38  }
0x27f: {  	v40 =	vcvt.f32.s32 v19;
	v26 =	vcvt.f32.s32 v18;
	v32 =	vsub.f32 v32, v22  }
0x280: {  	v19 =	vcvt.f32.s32 v39;
	v22 =	vcvt.f32.s32 v16;
	v41 =	vadd.s32 $0x1, v25  }
0x281: {  	v18 =	vcvt.f32.s32 v24;
	v16 =	vmax.f32 v32, $0.0e+00;
	v24 =	vsub.f32 v28, v29  }
0x282: {  	v32 =	vadd.s32 $0x1, v26;
	v17 =	vcvt.f32.s32 v17;
	v16 =	vmin.f32 v16, $1.000000000e+00  }
0x283: {  	v39 =	vadd.s32 $0x1, v40;
	v42 =	vadd.s32 $0x1, v22;
	v16 =	vmul.f32 v16, v24  }
0x284: {  	v43 =	vadd.s32 $0x1, v18;
	v44 =	vadd.s32 $0x1, v17;
	v24 =	vadd.s32 $0x1, v19;
	v28 =	vld.idx.msk [tilespmem:v25+s20+$0x0], $0xffff  }
0x285: {  	v45 =	vcvt.s32.f32 v26;
	v25 =	vcvt.s32.f32 v25;
	v16 =	vadd.f32 v16, v29;
	v41 =	vld.idx.msk [tilespmem:v41+s20+$0x0], $0xffff  }
0x286: {  	s0 =	sadd.s32 $0x80, s0;
	v15 =	vadd.f32 v31, v15;
	v46 =	vcvt.s32.f32 v22;
	v29 =	vld.idx.msk [tilespmem:v26+s20+$0x0], $0xffff;
	v26 =	vcvt.s32.f32 v40  }
0x287: {  	v31 =	vcvt.s32.f32 v19;
	v25 =	vsub.f32 v34, v25;
	v47 =	vld.idx.msk [tilespmem:v32+s20+$0x0], $0xffff;
	v32 =	vcvt.s32.f32 v18;
	[tilespmem:s0+$0x30] =	vst v16  }
0x288: {  	v34 =	vsub.f32 v30, v45;
	v26 =	vsub.f32 v33, v26;
	v30 =	vld.idx.msk [tilespmem:v39+s20+$0x0], $0xffff;
	v33 =	vcvt.s32.f32 v17;
	[tilespmem:s30+$0xFFFFFFE0] =	vst v15  }
.Ltmp8:
0x289: {  	v31 =	vsub.f32 v36, v31;
	v15 =	vmax.f32 v25, $0.0e+00;
	v25 =	vsub.f32 v35, v46;
	v16 =	vld.idx.msk [tilespmem:v42+s20+$0x0], $0xffff;
	(pc) =	sbr.rel @p0 .LBB2_19-.Ltmp8, $4  }
0x28a: {  	v42 =	vmax.f32 v34, $0.0e+00;
	v32 =	vsub.f32 v37, v32;
	v24 =	vld.idx.msk [tilespmem:v24+s20+$0x0], $0xffff;
	v37 =	vsub.f32 v38, v33  }
0x28b: {  	v33 =	vsub.f32 v41, v28;
	v36 =	vmax.f32 v26, $0.0e+00;
	v35 =	vmax.f32 v25, $0.0e+00;
	v25 =	vld.idx.msk [tilespmem:v43+s20+$0x0], $0xffff  }
0x28c: {  	v34 =	vmax.f32 v31, $0.0e+00;
	v32 =	vmax.f32 v32, $0.0e+00;
	v31 =	vmax.f32 v37, $0.0e+00;
	v26 =	vld.idx.msk [tilespmem:v44+s20+$0x0], $0xffff  }
0x28d: {  	s16 =	sadd.s32 $0x80, s16;
	v39 =	vmin.f32 v15, $1.000000000e+00;
	v37 =	vmin.f32 v42, $1.000000000e+00;
	v38 =	vsub.f32 v47, v29;
	v15 =	vld.idx.msk [tilespmem:v40+s20+$0x0], $0xffff  }
0x28e: {  	_ =	sdelay $0x3  }
0x28f: {  	v22 =	vld.idx.msk [tilespmem:v22+s20+$0x0], $0xffff  }
0x290: {  	v33 =	vmul.f32 v39, v33;
	v5 =	vadd.f32 v10, v5;
	v10 =	vld.idx.msk [tilespmem:v19+s20+$0x0], $0xffff  }
0x291: {  	v36 =	vmin.f32 v36, $1.000000000e+00;
	v8 =	vmul.f32 v8, v20;
	v7 =	vmul.f32 v7, v21;
	v18 =	vld.idx.msk [tilespmem:v18+s20+$0x0], $0xffff  }
0x292: {  	v35 =	vmin.f32 v35, $1.000000000e+00;
	v17 =	vld.idx.msk [tilespmem:v17+s20+$0x0], $0xffff;
	v6 =	vmul.f32 v6, v27;
	v19 =	vadd.f32 v33, v28  }
0x293: {  	v9 =	vmul.f32 v9, v23;
	[tilespmem:s31+$0x20] =	vst v5;
	v8 =	vadd.f32 v8, v13;
	v7 =	vadd.f32 v7, v11  }
0x294: {  	v37 =	vmul.f32 v37, v38;
	v6 =	vadd.f32 v6, v14;
	v5 =	vsub.f32 v30, v15;
	[tilespmem:s0+$0xFFFFFFC0] =	vst v19  }
0x295: {  	v20 =	vmin.f32 v34, $1.000000000e+00;
	[tilespmem:s30+$0xFFFFFFF0] =	vst v8;
	v8 =	vadd.f32 v9, v12;
	v9 =	vsub.f32 v24, v10  }
0x296: {  	v21 =	vadd.f32 v37, v29;
	[tilespmem:s30+$0x0] =	vst v7;
	v11 =	vsub.f32 v16, v22;
	v5 =	vmul.f32 v36, v5  }
0x297: {  	v12 =	vmin.f32 v31, $1.000000000e+00;
	[tilespmem:s30+$0x10] =	vst v8;
	v8 =	vsub.f32 v26, v17;
	v9 =	vmul.f32 v20, v9  }
0x298: {  	[tilespmem:s30+$0x20] =	vst v6;
	v7 =	vsub.f32 v25, v18;
	v11 =	vmul.f32 v35, v11;
	v5 =	vadd.f32 v5, v15  }
0x299: {  	v28 =	vmin.f32 v32, $1.000000000e+00;
	[tilespmem:s0+$0xFFFFFFD0] =	vst v21;
	v8 =	vmul.f32 v12, v8;
	v6 =	vadd.f32 v9, v10  }
0x29a: {  	[tilespmem:s0+$0xFFFFFFE0] =	vst v5;
	v5 =	vmul.f32 v28, v7;
	v7 =	vadd.f32 v11, v22  }
0x29b: {  	[tilespmem:s0+$0x0] =	vst v6;
	v6 =	vadd.f32 v8, v17  }
0x29c: {  	s1 =	sor.u32 s6, s29;
	[tilespmem:s0+$0xFFFFFFF0] =	vst v7;
	v5 =	vadd.f32 v5, v18  }
0x29d: {  	s1 =	sshrl.u32 s1, $0x3;
	[tilespmem:s0+$0x20] =	vst v6  }
0x29e: {  	p0 =	seq.s32 s26, $0xF;
	s10 =	sadd.s32 s4, s1;
	[tilespmem:s0+$0x10] =	vst v5  }
0x29f: {  	[hbm4b:s10+s2] =	stream.linear.scatter [tilespmem:s21], [sflag:$0x3], $0x2000, $0x38;
	[tilespmem:$0x12980] =	vst v63  }
0x2a0: {  	s0 =	sadd.s32 @!p0 s29, s8;
	_ =	swait.ge [sflag:s15], $0x2000  }
0x2a1: {  	p1 =	seq.s32 @!p0 s26, $0x0;
	s0 =	sshrl.u32 @!p0 s0, $0x3;
	[sflag:s15] =	ssyncset.done $0x0  }
0x2a2: {  	s1 =	simm.s32 @!p0 $0x0;
	s0 =	sadd.s32 @!p0 s3, s0;
	[sflag:s15] =	ssyncadd.s32 $0xFFFFE000  }
0x2a3: {  	[tilespmem:s1], [sflag:$0x1] =	stream.linear.gather @!p0 [hbm4b:s0+s1], $0x2000, $0x38;
	[tilespmem:$0x12980] =	vst v63  }
0x2a4: {  	p0 =	por p0, !p1  }
0x2a5: {  	_ =	swait.ge @p0 [sflag:s24], $0x2000  }
0x2a6: {  	[sflag:s24] =	ssyncset.done @p0 $0x0  }
0x2a7: {  	s16 =	simm.s32 $0x2040;
	[sflag:s24] =	ssyncadd.s32 @p0 $0xFFFFE000  }
0x2a8: {  	v5 =	vld [tilespmem:s16+$0x30]  }
0x2a9: {  	v6 =	vld [tilespmem:s16+$0xFFFFFFD0]  }
0x2aa: {  	v7 =	vld [tilespmem:s16+$0xFFFFFFE0]  }
0x2ab: {  	v8 =	vld [tilespmem:s16+$0xFFFFFFF0]  }
0x2ac: {  	v9 =	vld [tilespmem:s16+$0x0]  }
0x2ad: {  	v12 =	vld [tilespmem:s16+$0xFFFFFFC0]  }
0x2ae: {  	v10 =	vld [tilespmem:s16+$0x10]  }
0x2af: {  	v11 =	vld [tilespmem:s16+$0x20]  }
0x2b0: {  	v5 =	vadd.f32 $2.500000000e-01, v5;
	v6 =	vadd.f32 $2.500000000e-01, v6  }
0x2b1: {  	v7 =	vadd.f32 $2.500000000e-01, v7;
	v8 =	vadd.f32 $2.500000000e-01, v8  }
0x2b2: {  	v9 =	vadd.f32 $2.500000000e-01, v9;
	v12 =	vadd.f32 $2.500000000e-01, v12;
	v5 =	vmul.f32 $1.365333370e+03, v5  }
0x2b3: {  	v10 =	vadd.f32 $2.500000000e-01, v10;
	v6 =	vmul.f32 $1.365333370e+03, v6;
	v7 =	vmul.f32 $1.365333370e+03, v7  }
0x2b4: {  	v11 =	vadd.f32 $2.500000000e-01, v11;
	v8 =	vmul.f32 $1.365333370e+03, v8;
	v12 =	vmul.f32 $1.365333370e+03, v12  }
0x2b5: {  	v9 =	vmul.f32 $1.365333370e+03, v9;
	v10 =	vmul.f32 $1.365333370e+03, v10;
	v5 =	vmax.f32 v5, $0.0e+00  }
0x2b6: {  	v11 =	vmul.f32 $1.365333370e+03, v11;
	v12 =	vmax.f32 v12, $0.0e+00;
	v5 =	vmin.f32 v5, $2.047000000e+03  }
0x2b7: {  	v6 =	vmax.f32 v6, $0.0e+00;
	v12 =	vmin.f32 v12, $2.047000000e+03;
	v13 =	vtrunc.f32 v5  }
0x2b8: {  	v6 =	vmin.f32 v6, $2.047000000e+03;
	v15 =	vtrunc.f32 v12;
	v13 =	vcvt.f32.s32 v13  }
0x2b9: {  	v7 =	vmax.f32 v7, $0.0e+00;
	v16 =	vtrunc.f32 v6;
	v15 =	vcvt.f32.s32 v15  }
0x2ba: {  	v8 =	vmax.f32 v8, $0.0e+00;
	v9 =	vmax.f32 v9, $0.0e+00;
	v16 =	vcvt.f32.s32 v16  }
0x2bb: {  	v10 =	vmax.f32 v10, $0.0e+00;
	v8 =	vmin.f32 v8, $2.047000000e+03;
	v9 =	vmin.f32 v9, $2.047000000e+03  }
0x2bc: {  	v10 =	vmin.f32 v10, $2.047000000e+03;
	v19 =	vtrunc.f32 v8;
	v14 =	vadd.s32 $0x1, v13  }
0x2bd: {  	v20 =	vtrunc.f32 v9;
	v21 =	vtrunc.f32 v10;
	v23 =	vadd.s32 $0x1, v16  }
0x2be: {  	v7 =	vmin.f32 v7, $2.047000000e+03;
	v19 =	vcvt.f32.s32 v19;
	v21 =	vcvt.f32.s32 v21;
	v17 =	vld.idx.msk [tilespmem:v13+s20+$0x0], $0xffff  }
0x2bf: {  	v11 =	vmax.f32 v11, $0.0e+00;
	v18 =	vtrunc.f32 v7;
	v20 =	vcvt.f32.s32 v20;
	v27 =	vld.idx.msk [tilespmem:v15+s20+$0x0], $0xffff  }
0x2c0: {  	v25 =	vadd.s32 $0x1, v19;
	v30 =	vcvt.s32.f32 v16;
	v13 =	vcvt.s32.f32 v13;
	v16 =	vld.idx.msk [tilespmem:v16+s20+$0x0], $0xffff  }
0x2c1: {  	v26 =	vadd.s32 $0x1, v20;
	v28 =	vadd.s32 $0x1, v21;
	v31 =	vcvt.s32.f32 v21;
	v14 =	vld.idx.msk [tilespmem:v14+s20+$0x0], $0xffff  }
0x2c2: {  	s18 =	simm.s32 $0x20C0;
	v23 =	vld.idx.msk [tilespmem:v23+s20+$0x0], $0xffff;
	v5 =	vsub.f32 v5, v13;
	v13 =	vadd.s32 $0x1, v15;
	v15 =	vcvt.s32.f32 v15  }
0x2c3: {  	v18 =	vcvt.f32.s32 v18;
	v6 =	vsub.f32 v6, v30;
	v10 =	vsub.f32 v10, v31;
	v31 =	vld [tilespmem:s18+$0xFFFFFFE0]  }
0x2c4: {  	v21 =	vld.idx.msk [tilespmem:v21+s20+$0x0], $0xffff;
	v5 =	vmax.f32 v5, $0.0e+00;
	v12 =	vsub.f32 v12, v15;
	v15 =	vcvt.s32.f32 v20  }
0x2c5: {  	v24 =	vadd.s32 $0x1, v18;
	v6 =	vmax.f32 v6, $0.0e+00;
	v25 =	vld.idx.msk [tilespmem:v25+s20+$0x0], $0xffff;
	v5 =	vmin.f32 v5, $1.000000000e+00  }
0x2c6: {  	v26 =	vld.idx.msk [tilespmem:v26+s20+$0x0], $0xffff;
	v14 =	vsub.f32 v14, v17;
	v12 =	vmax.f32 v12, $0.0e+00;
	v9 =	vsub.f32 v9, v15  }
0x2c7: {  	v28 =	vld.idx.msk [tilespmem:v28+s20+$0x0], $0xffff;
	v15 =	vmax.f32 v10, $0.0e+00;
	v10 =	vmin.f32 v12, $1.000000000e+00;
	v12 =	vsub.f32 v23, v16  }
0x2c8: {  	v11 =	vmin.f32 v11, $2.047000000e+03;
	v6 =	vmin.f32 v6, $1.000000000e+00;
	v20 =	vld.idx.msk [tilespmem:v20+s20+$0x0], $0xffff;
	v5 =	vmul.f32 v5, v14  }
0x2c9: {  	v22 =	vtrunc.f32 v11;
	v13 =	vld.idx.msk [tilespmem:v13+s20+$0x0], $0xffff;
	v6 =	vmul.f32 v6, v12  }
0x2ca: {  	v14 =	vadd.f32 v5, v17;
	v5 =	vcvt.s32.f32 v18;
	v17 =	vcvt.s32.f32 v19;
	v19 =	vld.idx.msk [tilespmem:v19+s20+$0x0], $0xffff  }
0x2cb: {  	v22 =	vcvt.f32.s32 v22;
	v16 =	vadd.f32 v6, v16;
	v6 =	vld [tilespmem:s18+$0xFFFFFFC0]  }
0x2cc: {  	v5 =	vsub.f32 v7, v5;
	v7 =	vld.idx.msk [tilespmem:v24+s20+$0x0], $0xffff  }
0x2cd: {  	v29 =	vadd.s32 $0x1, v22;
	v24 =	vcvt.s32.f32 v22;
	v8 =	vsub.f32 v8, v17;
	v17 =	vld.idx.msk [tilespmem:v18+s20+$0x0], $0xffff  }
0x2ce: {  	v28 =	vsub.f32 v28, v21;
	v9 =	vmax.f32 v9, $0.0e+00;
	v13 =	vsub.f32 v13, v27;
	v18 =	vld [tilespmem:s18+$0x30]  }
0x2cf: {  	v63 =	vsub.f32 v26, v20;
	v11 =	vsub.f32 v11, v24;
	v5 =	vmax.f32 v5, $0.0e+00  }
0x2d0: {  	v8 =	vmax.f32 v8, $0.0e+00;
	v24 =	vld [tilespmem:s18+$0xFFFFFFD0];
	v23 =	vmul.f32 v10, v13;
	v10 =	vmin.f32 v9, $1.000000000e+00  }
0x2d1: {  	v9 =	vld [tilespmem:s18+$0x10];
	v5 =	vmin.f32 v5, $1.000000000e+00;
	v61 =	vsub.f32 v25, v19;
	v30 =	vmax.f32 v11, $0.0e+00  }
0x2d2: {  	v11 =	vmin.f32 v15, $1.000000000e+00;
	v15 =	vadd.f32 v23, v27;
	v27 =	vadd.f32 $2.500000000e-01, v31  }
0x2d3: {  	v13 =	vmin.f32 v8, $1.000000000e+00;
	v8 =	vld [tilespmem:s18+$0x0];
	v6 =	vadd.f32 $2.500000000e-01, v6;
	v18 =	vadd.f32 $2.500000000e-01, v18  }
0x2d4: {  	v56 =	vld [tilespmem:s18+$0xFFFFFFF0];
	v12 =	vmin.f32 v30, $1.000000000e+00;
	v13 =	vmul.f32 v13, v61;
	v11 =	vmul.f32 v11, v28  }
0x2d5: {  	v7 =	vsub.f32 v7, v17;
	v27 =	vmul.f32 $1.365333370e+03, v27;
	v6 =	vmul.f32 $1.365333370e+03, v6  }
0x2d6: {  	s31 =	simm.s32 $0x2140;
	v23 =	vadd.f32 $2.500000000e-01, v24;
	v18 =	vmul.f32 $1.365333370e+03, v18;
	v9 =	vadd.f32 $2.500000000e-01, v9  }
0x2d7: {  	v28 =	vld [tilespmem:s31+$0x0];
	v7 =	vmul.f32 v5, v7;
	v38 =	vadd.f32 v13, v19;
	v34 =	vadd.f32 v11, v21  }
0x2d8: {  	v8 =	vadd.f32 $2.500000000e-01, v8;
	v27 =	vmax.f32 v27, $0.0e+00;
	v6 =	vmax.f32 v6, $0.0e+00  }
0x2d9: {  	v24 =	vld [tilespmem:s18+$0x20];
	v5 =	vmul.f32 $1.365333370e+03, v23;
	v23 =	vadd.f32 $2.500000000e-01, v56;
	v18 =	vmax.f32 v18, $0.0e+00  }
0x2da: {  	v9 =	vmul.f32 $1.365333370e+03, v9;
	v27 =	vmin.f32 v27, $2.047000000e+03;
	v6 =	vmin.f32 v6, $2.047000000e+03  }
0x2db: {  	v13 =	vld [tilespmem:s31+$0x10];
	v18 =	vmin.f32 v18, $2.047000000e+03;
	v8 =	vmul.f32 $1.365333370e+03, v8;
	v60 =	vtrunc.f32 v27  }
0x2dc: {  	v21 =	vadd.f32 $2.500000000e-01, v28;
	v23 =	vmul.f32 $1.365333370e+03, v23;
	v30 =	vtrunc.f32 v18  }
0x2dd: {  	v5 =	vmax.f32 v5, $0.0e+00;
	v9 =	vmax.f32 v9, $0.0e+00;
	v30 =	vcvt.f32.s32 v30  }
0x2de: {  	v35 =	vcvt.f32.s32 v60;
	v24 =	vadd.f32 $2.500000000e-01, v24;
	v8 =	vmax.f32 v8, $0.0e+00  }
0x2df: {  	v57 =	vmin.f32 v5, $2.047000000e+03;
	v9 =	vmin.f32 v9, $2.047000000e+03;
	v31 =	vadd.s32 $0x1, v30  }
0x2e0: {  	v29 =	vld.idx.msk [tilespmem:v29+s20+$0x0], $0xffff;
	v13 =	vadd.f32 $2.500000000e-01, v13;
	v21 =	vmul.f32 $1.365333370e+03, v21;
	v23 =	vmax.f32 v23, $0.0e+00  }
0x2e1: {  	v5 =	vld.idx.msk [tilespmem:v22+s20+$0x0], $0xffff;
	v8 =	vmin.f32 v8, $2.047000000e+03;
	v26 =	vtrunc.f32 v9;
	v24 =	vmul.f32 $1.365333370e+03, v24  }
0x2e2: {  	v52 =	vadd.s32 $0x1, v35;
	v22 =	vmin.f32 v23, $2.047000000e+03;
	v23 =	vtrunc.f32 v6  }
0x2e3: {  	v62 =	vtrunc.f32 v8;
	v41 =	vcvt.f32.s32 v26;
	v24 =	vmax.f32 v24, $0.0e+00;
	v59 =	vld.idx.msk [tilespmem:v30+s20+$0x0], $0xffff  }
0x2e4: {  	v23 =	vcvt.f32.s32 v23;
	v58 =	vmin.f32 v24, $2.047000000e+03;
	v24 =	vtrunc.f32 v57;
	v25 =	vld.idx.msk [tilespmem:v31+s20+$0x0], $0xffff  }
0x2e5: {  	v21 =	vmax.f32 v21, $0.0e+00;
	v30 =	vcvt.s32.f32 v30;
	v40 =	vcvt.f32.s32 v24  }
0x2e6: {  	v37 =	vcvt.f32.s32 v62;
	v45 =	vadd.s32 $0x1, v41;
	v29 =	vsub.f32 v29, v5  }
0x2e7: {  	v51 =	vtrunc.f32 v58;
	v18 =	vsub.f32 v18, v30;
	v42 =	vadd.s32 $0x1, v40  }
0x2e8: {  	v31 =	vtrunc.f32 v22;
	v24 =	vcvt.f32.s32 v51;
	v30 =	vadd.s32 $0x1, v23  }
0x2e9: {  	v31 =	vcvt.f32.s32 v31;
	v18 =	vmax.f32 v18, $0.0e+00;
	v25 =	vsub.f32 v25, v59  }
0x2ea: {  	v48 =	vcvt.s32.f32 v40;
	v47 =	vld.idx.msk [tilespmem:v23+s20+$0x0], $0xffff;
	v23 =	vcvt.s32.f32 v23;
	v18 =	vmin.f32 v18, $1.000000000e+00  }
0x2eb: {  	v44 =	vadd.s32 $0x1, v37;
	v46 =	vadd.s32 $0x1, v24;
	v18 =	vmul.f32 v18, v25  }
0x2ec: {  	v53 =	vcvt.s32.f32 v31;
	v32 =	vsub.f32 v57, v48;
	v6 =	vsub.f32 v6, v23;
	v54 =	vld.idx.msk [tilespmem:v42+s20+$0x0], $0xffff  }
0x2ed: {  	v23 =	vcvt.s32.f32 v41;
	v26 =	vadd.f32 v18, v59;
	v18 =	vld.idx.msk [tilespmem:v30+s20+$0x0], $0xffff;
	v30 =	vcvt.s32.f32 v35  }
0x2ee: {  	v43 =	vadd.s32 $0x1, v31;
	v22 =	vsub.f32 v22, v53;
	v25 =	vadd.f32 v7, v17;
	v17 =	vld.idx.msk [tilespmem:v40+s20+$0x0], $0xffff  }
0x2ef: {  	v9 =	vsub.f32 v9, v23;
	v27 =	vsub.f32 v27, v30;
	v30 =	vcvt.s32.f32 v24  }
0x2f0: {  	v55 =	vld.idx.msk [tilespmem:v52+s20+$0x0], $0xffff;
	v6 =	vmax.f32 v6, $0.0e+00;
	v7 =	vcvt.s32.f32 v37;
	v22 =	vmax.f32 v22, $0.0e+00  }
0x2f1: {  	v6 =	vmin.f32 v6, $1.000000000e+00;
	v9 =	vmax.f32 v9, $0.0e+00;
	v23 =	vsub.f32 v58, v30;
	v30 =	vld [tilespmem:s31+$0x30]  }
0x2f2: {  	v7 =	vsub.f32 v8, v7;
	v8 =	vmax.f32 v32, $0.0e+00;
	v35 =	vld.idx.msk [tilespmem:v35+s20+$0x0], $0xffff;
	v18 =	vsub.f32 v18, v47  }
0x2f3: {  	v56 =	vmin.f32 v8, $1.000000000e+00;
	v8 =	vmin.f32 v22, $1.000000000e+00;
	v22 =	vld [tilespmem:s31+$0xFFFFFFD0];
	v57 =	vsub.f32 v54, v17  }
0x2f4: {  	v9 =	vmin.f32 v9, $1.000000000e+00;
	v7 =	vmax.f32 v7, $0.0e+00;
	v18 =	vmul.f32 v6, v18  }
0x2f5: {  	v27 =	vmax.f32 v27, $0.0e+00;
	v58 =	vld [tilespmem:s31+$0xFFFFFFF0];
	v33 =	vmul.f32 v56, v57;
	v23 =	vmax.f32 v23, $0.0e+00  }
0x2f6: {  	v6 =	vmin.f32 v23, $1.000000000e+00;
	v23 =	vld [tilespmem:s31+$0xFFFFFFE0];
	v30 =	vadd.f32 $2.500000000e-01, v30;
	v59 =	vadd.f32 v18, v47  }
0x2f7: {  	v18 =	vmul.f32 v10, v63;
	v10 =	vmul.f32 v12, v29;
	v12 =	vsub.f32 v55, v35  }
0x2f8: {  	v7 =	vmin.f32 v7, $1.000000000e+00;
	v27 =	vmin.f32 v27, $1.000000000e+00;
	v19 =	vadd.f32 $2.500000000e-01, v22  }
0x2f9: {  	v22 =	vld [tilespmem:s31+$0x20];
	v33 =	vadd.f32 v33, v17;
	v17 =	vmul.f32 $1.365333370e+03, v30;
	v27 =	vmul.f32 v27, v12  }
0x2fa: {  	v32 =	vadd.f32 v18, v20;
	v18 =	vld [tilespmem:s31+$0xFFFFFFC0];
	v12 =	vmul.f32 $1.365333370e+03, v19;
	v30 =	vmul.f32 $1.365333370e+03, v13  }
0x2fb: {  	v19 =	vadd.f32 $2.500000000e-01, v58;
	v20 =	vadd.f32 $2.500000000e-01, v23;
	v17 =	vmax.f32 v17, $0.0e+00  }
0x2fc: {  	v12 =	vmax.f32 v12, $0.0e+00;
	v30 =	vmax.f32 v30, $0.0e+00;
	v17 =	vmin.f32 v17, $2.047000000e+03  }
0x2fd: {  	v57 =	vadd.f32 v27, v35;
	v20 =	vmul.f32 $1.365333370e+03, v20;
	v11 =	vtrunc.f32 v17  }
0x2fe: {  	v29 =	vld.idx.msk [tilespmem:v44+s20+$0x0], $0xffff;
	v60 =	vmin.f32 v12, $2.047000000e+03;
	v23 =	vcvt.f32.s32 v11;
	v11 =	vmul.f32 $1.365333370e+03, v19  }
0x2ff: {  	v13 =	vld.idx.msk [tilespmem:v31+s20+$0x0], $0xffff;
	v19 =	vadd.f32 $2.500000000e-01, v22;
	v18 =	vadd.f32 $2.500000000e-01, v18;
	v20 =	vmax.f32 v20, $0.0e+00  }
0x300: {  	v44 =	vmin.f32 v30, $2.047000000e+03;
	v22 =	vld.idx.msk [tilespmem:v43+s20+$0x0], $0xffff;
	v43 =	vmin.f32 v21, $2.047000000e+03;
	v61 =	vmin.f32 v20, $2.047000000e+03  }
0x301: {  	v28 =	vadd.s32 $0x1, v23;
	v19 =	vmul.f32 $1.365333370e+03, v19;
	v18 =	vmul.f32 $1.365333370e+03, v18  }
0x302: {  	v31 =	vmax.f32 v11, $0.0e+00;
	v21 =	vcvt.s32.f32 v23;
	v30 =	vtrunc.f32 v61  }
0x303: {  	v52 =	vtrunc.f32 v43;
	v11 =	vld.idx.msk [tilespmem:v37+s20+$0x0], $0xffff;
	v31 =	vmin.f32 v31, $2.047000000e+03;
	v49 =	vcvt.f32.s32 v30  }
0x304: {  	v19 =	vmax.f32 v19, $0.0e+00;
	v18 =	vmax.f32 v18, $0.0e+00;
	v17 =	vsub.f32 v17, v21;
	v62 =	vld.idx.msk [tilespmem:v23+s20+$0x0], $0xffff  }
0x305: {  	s30 =	simm.s32 $0x6040;
	v63 =	vmin.f32 v18, $2.047000000e+03;
	v20 =	vsub.f32 v22, v13;
	v22 =	vtrunc.f32 v31;
	v23 =	vld.idx.msk [tilespmem:v45+s20+$0x0], $0xffff  }
0x306: {  	[tilespmem:s30+$0xFFFFFFC0] =	vst v15;
	v15 =	vadd.s32 $0x1, v49;
	v45 =	vmin.f32 v19, $2.047000000e+03;
	v19 =	vtrunc.f32 v60;
	v18 =	vld.idx.msk [tilespmem:v28+s20+$0x0], $0xffff  }
0x307: {  	v12 =	vld.idx.msk [tilespmem:v41+s20+$0x0], $0xffff;
	v17 =	vmax.f32 v17, $0.0e+00;
	v22 =	vcvt.f32.s32 v22;
	v54 =	vcvt.f32.s32 v19  }
0x308: {  	v28 =	vtrunc.f32 v63;
	v21 =	vsub.f32 v29, v11;
	v29 =	vtrunc.f32 v44  }
0x309: {  	v53 =	vtrunc.f32 v45;
	v28 =	vcvt.f32.s32 v28;
	v56 =	vadd.s32 $0x1, v54  }
0x30a: {  	[tilespmem:s30+$0xFFFFFFD0] =	vst v16;
	v17 =	vmin.f32 v17, $1.000000000e+00;
	v19 =	vcvt.f32.s32 v52;
	v16 =	vadd.s32 $0x1, v22  }
0x30b: {  	s29 =	simm.s32 $0x60C0;
	[tilespmem:s30+$0x30] =	vst v14;
	v14 =	vld.idx.msk [tilespmem:v24+s20+$0x0], $0xffff;
	v27 =	vcvt.s32.f32 v54;
	v50 =	vadd.s32 $0x1, v28;
	v18 =	vsub.f32 v18, v62  }
0x30c: {  	[tilespmem:s29+$0x30] =	vst v26;
	v55 =	vld.idx.msk [tilespmem:v46+s20+$0x0], $0xffff;
	v26 =	vadd.s32 $0x1, v19;
	v24 =	vcvt.s32.f32 v28;
	v23 =	vsub.f32 v23, v12  }
0x30d: {  	v37 =	vsub.f32 v60, v27;
	v30 =	vmul.f32 v17, v18;
	v18 =	vcvt.f32.s32 v29;
	v29 =	vld.idx.msk [tilespmem:v54+s20+$0x0], $0xffff  }
0x30e: {  	v27 =	vcvt.s32.f32 v22;
	v24 =	vsub.f32 v63, v24;
	v17 =	vcvt.f32.s32 v53;
	v46 =	vld.idx.msk [tilespmem:v56+s20+$0x0], $0xffff  }
0x30f: {  	[tilespmem:s30+$0xFFFFFFE0] =	vst v25;
	v37 =	vmax.f32 v37, $0.0e+00;
	v28 =	vld.idx.msk [tilespmem:v28+s20+$0x0], $0xffff;
	v40 =	vadd.f32 v30, v62;
	v30 =	vcvt.s32.f32 v49  }
0x310: {  	[tilespmem:s29+$0xFFFFFFC0] =	vst v59;
	v63 =	vmax.f32 v24, $0.0e+00;
	v58 =	vld.idx.msk [tilespmem:v50+s20+$0x0], $0xffff;
	v25 =	vadd.s32 $0x1, v18;
	v59 =	vadd.s32 $0x1, v17  }
0x311: {  	[tilespmem:s30+$0xFFFFFFF0] =	vst v38;
	v16 =	vld.idx.msk [tilespmem:v16+s20+$0x0], $0xffff;
	v62 =	vcvt.s32.f32 v18;
	v60 =	vsub.f32 v61, v30;
	v61 =	vcvt.s32.f32 v19  }
0x312: {  	[tilespmem:s30+$0x10] =	vst v34;
	v30 =	vld.idx.msk [tilespmem:v15+s20+$0x0], $0xffff;
	v15 =	vsub.f32 v31, v27;
	v31 =	vcvt.s32.f32 v17;
	v27 =	vsub.f32 v55, v14  }
0x313: {  	[tilespmem:s29+$0xFFFFFFD0] =	vst v33;
	v24 =	vld.idx.msk [tilespmem:v26+s20+$0x0], $0xffff;
	v37 =	vmin.f32 v37, $1.000000000e+00;
	v26 =	vsub.f32 v44, v62;
	v38 =	vsub.f32 v46, v29  }
0x314: {  	[tilespmem:s30+$0x0] =	vst v32;
	v39 =	vsub.f32 v43, v61;
	v31 =	vsub.f32 v45, v31;
	v35 =	vmax.f32 v15, $0.0e+00;
	v15 =	vld.idx.msk [tilespmem:v49+s20+$0x0], $0xffff  }
0x315: {  	s0 =	simm.s32 $0x6140;
	[tilespmem:s29+$0xFFFFFFE0] =	vst v57;
	v33 =	vsub.f32 v58, v28;
	v36 =	vmax.f32 v60, $0.0e+00;
	v32 =	vmax.f32 v26, $0.0e+00;
	v25 =	vld.idx.msk [tilespmem:v25+s20+$0x0], $0xffff  }
0x316: {  	s1 =	simm.s32 $0x10;
	s16 =	simm.s32 $0x21C0;
	[tilespmem:s0+$0x30] =	vst v40;
	v26 =	vld.idx.msk [tilespmem:v59+s20+$0x0], $0xffff;
	v34 =	vmax.f32 v39, $0.0e+00;
	v31 =	vmax.f32 v31, $0.0e+00;
	v39 =	vmin.f32 v63, $1.000000000e+00  }
.LBB2_21:
0x317: {  	v40 =	vld [tilespmem:s16+$0x30];
	s1 =	sadd.s32 $0x8, s1;
	v36 =	vmin.f32 v36, $1.000000000e+00;
	v35 =	vmin.f32 v35, $1.000000000e+00;
	v34 =	vmin.f32 v34, $1.000000000e+00  }
0x318: {  	v33 =	vmul.f32 v39, v33;
	v32 =	vmin.f32 v32, $1.000000000e+00;
	v31 =	vmin.f32 v31, $1.000000000e+00;
	v41 =	vld [tilespmem:s16+$0xFFFFFFD0];
	p0 =	slt.u32 s1, $0x1F8  }
0x319: {  	v20 =	vmul.f32 v8, v20;
	v37 =	vmul.f32 v37, v38;
	v38 =	vadd.f32 v10, v5;
	v8 =	vmovc v35;
	v39 =	vld [tilespmem:s16+$0xFFFFFFE0]  }
0x31a: {  	v21 =	vmul.f32 v7, v21;
	v23 =	vmul.f32 v9, v23;
	v7 =	vmovc v34;
	v28 =	vadd.f32 v33, v28;
	v35 =	vld [tilespmem:s16+$0xFFFFFFF0]  }
0x31b: {  	v10 =	vmul.f32 v6, v27;
	v13 =	vadd.f32 v20, v13;
	v29 =	vadd.f32 v37, v29;
	v33 =	vld [tilespmem:s16+$0x0];
	[tilespmem:s30+$0x20] =	vst v38;
	s30 =	smov.u32 s29;
	s29 =	smov.u32 s0  }
0x31c: {  	v9 =	vmovc v32;
	v6 =	vmovc v31;
	v5 =	vmov v14;
	v20 =	vld [tilespmem:s16+$0x10];
	v27 =	vadd.f32 $2.500000000e-01, v40;
	[tilespmem:s0+$0xFFFFFFC0] =	vst v28;
	v28 =	vsub.f32 v30, v15  }
0x31d: {  	v11 =	vadd.f32 v21, v11;
	v14 =	vadd.f32 $2.500000000e-01, v41;
	v30 =	vld [tilespmem:s16+$0x20];
	[tilespmem:s0+$0xFFFFFFD0] =	vst v29  }
0x31e: {  	v21 =	vld [tilespmem:s16+$0xFFFFFFC0];
	v29 =	vadd.f32 $2.500000000e-01, v39;
	v27 =	vmul.f32 $1.365333370e+03, v27;
	v31 =	vmul.f32 v36, v28;
	[tilespmem:s30+$0xFFFFFFF0] =	vst v13  }
0x31f: {  	v28 =	vmul.f32 $1.365333370e+03, v14;
	v14 =	vadd.f32 $2.500000000e-01, v35;
	v13 =	vld.idx.msk [tilespmem:v22+s20+$0x0], $0xffff;
	[tilespmem:s30+$0x0] =	vst v11;
	v22 =	vadd.f32 v23, v12  }
0x320: {  	v23 =	vmul.f32 $1.365333370e+03, v29;
	v29 =	vadd.f32 $2.500000000e-01, v33;
	v12 =	vmax.f32 v27, $0.0e+00;
	v11 =	vld.idx.msk [tilespmem:v19+s20+$0x0], $0xffff  }
0x321: {  	v19 =	vmul.f32 $1.365333370e+03, v14;
	v20 =	vadd.f32 $2.500000000e-01, v20;
	v32 =	vmin.f32 v12, $2.047000000e+03;
	v12 =	vld.idx.msk [tilespmem:v18+s20+$0x0], $0xffff;
	[tilespmem:s30+$0x10] =	vst v22  }
0x322: {  	v18 =	vmul.f32 $1.365333370e+03, v29;
	v22 =	vadd.f32 $2.500000000e-01, v30;
	v27 =	vtrunc.f32 v32;
	v14 =	vld.idx.msk [tilespmem:v17+s20+$0x0], $0xffff  }
0x323: {  	v17 =	vadd.f32 $2.500000000e-01, v21;
	v20 =	vmul.f32 $1.365333370e+03, v20;
	v27 =	vcvt.f32.s32 v27  }
0x324: {  	v23 =	vmax.f32 v23, $0.0e+00;
	v21 =	vmax.f32 v28, $0.0e+00;
	v22 =	vmul.f32 $1.365333370e+03, v22  }
0x325: {  	v19 =	vmax.f32 v19, $0.0e+00;
	v17 =	vmul.f32 $1.365333370e+03, v17;
	v28 =	vadd.s32 $0x1, v27  }
0x326: {  	v18 =	vmax.f32 v18, $0.0e+00;
	v20 =	vmax.f32 v20, $0.0e+00;
	v22 =	vmax.f32 v22, $0.0e+00  }
0x327: {  	v33 =	vmin.f32 v23, $2.047000000e+03;
	v30 =	vmin.f32 v21, $2.047000000e+03;
	v17 =	vmax.f32 v17, $0.0e+00  }
0x328: {  	v35 =	vmin.f32 v19, $2.047000000e+03;
	v36 =	vmin.f32 v18, $2.047000000e+03;
	v34 =	vmin.f32 v17, $2.047000000e+03  }
0x329: {  	v37 =	vmin.f32 v20, $2.047000000e+03;
	v38 =	vmin.f32 v22, $2.047000000e+03;
	v17 =	vtrunc.f32 v34;
	v29 =	vld.idx.msk [tilespmem:v27+s20+$0x0], $0xffff  }
0x32a: {  	v19 =	vtrunc.f32 v33;
	v18 =	vtrunc.f32 v30;
	v20 =	vsub.f32 v16, v13;
	v28 =	vld.idx.msk [tilespmem:v28+s20+$0x0], $0xffff  }
0x32b: {  	v21 =	vsub.f32 v24, v11;
	v16 =	vtrunc.f32 v35;
	v39 =	vtrunc.f32 v36  }
0x32c: {  	v23 =	vsub.f32 v25, v12;
	v24 =	vtrunc.f32 v37;
	v22 =	vcvt.s32.f32 v27  }
0x32d: {  	v27 =	vsub.f32 v26, v14;
	v25 =	vcvt.f32.s32 v17;
	v17 =	vtrunc.f32 v38  }
0x32e: {  	v40 =	vcvt.f32.s32 v19;
	v26 =	vcvt.f32.s32 v18;
	v32 =	vsub.f32 v32, v22  }
0x32f: {  	v19 =	vcvt.f32.s32 v39;
	v22 =	vcvt.f32.s32 v16;
	v41 =	vadd.s32 $0x1, v25  }
0x330: {  	v18 =	vcvt.f32.s32 v24;
	v16 =	vmax.f32 v32, $0.0e+00;
	v24 =	vsub.f32 v28, v29  }
0x331: {  	v32 =	vadd.s32 $0x1, v26;
	v17 =	vcvt.f32.s32 v17;
	v16 =	vmin.f32 v16, $1.000000000e+00  }
0x332: {  	v39 =	vadd.s32 $0x1, v40;
	v42 =	vadd.s32 $0x1, v22;
	v16 =	vmul.f32 v16, v24  }
0x333: {  	v43 =	vadd.s32 $0x1, v18;
	v44 =	vadd.s32 $0x1, v17;
	v24 =	vadd.s32 $0x1, v19;
	v28 =	vld.idx.msk [tilespmem:v25+s20+$0x0], $0xffff  }
0x334: {  	v45 =	vcvt.s32.f32 v26;
	v25 =	vcvt.s32.f32 v25;
	v16 =	vadd.f32 v16, v29;
	v41 =	vld.idx.msk [tilespmem:v41+s20+$0x0], $0xffff  }
0x335: {  	s0 =	sadd.s32 $0x80, s0;
	v15 =	vadd.f32 v31, v15;
	v46 =	vcvt.s32.f32 v22;
	v29 =	vld.idx.msk [tilespmem:v26+s20+$0x0], $0xffff;
	v26 =	vcvt.s32.f32 v40  }
0x336: {  	v31 =	vcvt.s32.f32 v19;
	v25 =	vsub.f32 v34, v25;
	v47 =	vld.idx.msk [tilespmem:v32+s20+$0x0], $0xffff;
	v32 =	vcvt.s32.f32 v18;
	[tilespmem:s0+$0x30] =	vst v16  }
0x337: {  	v34 =	vsub.f32 v30, v45;
	v26 =	vsub.f32 v33, v26;
	v30 =	vld.idx.msk [tilespmem:v39+s20+$0x0], $0xffff;
	v33 =	vcvt.s32.f32 v17;
	[tilespmem:s29+$0xFFFFFFE0] =	vst v15  }
.Ltmp9:
0x338: {  	v31 =	vsub.f32 v36, v31;
	v15 =	vmax.f32 v25, $0.0e+00;
	v25 =	vsub.f32 v35, v46;
	v16 =	vld.idx.msk [tilespmem:v42+s20+$0x0], $0xffff;
	(pc) =	sbr.rel @p0 .LBB2_21-.Ltmp9, $4  }
0x339: {  	v42 =	vmax.f32 v34, $0.0e+00;
	v32 =	vsub.f32 v37, v32;
	v24 =	vld.idx.msk [tilespmem:v24+s20+$0x0], $0xffff;
	v37 =	vsub.f32 v38, v33  }
0x33a: {  	v33 =	vsub.f32 v41, v28;
	v36 =	vmax.f32 v26, $0.0e+00;
	v35 =	vmax.f32 v25, $0.0e+00;
	v25 =	vld.idx.msk [tilespmem:v43+s20+$0x0], $0xffff  }
0x33b: {  	v34 =	vmax.f32 v31, $0.0e+00;
	v32 =	vmax.f32 v32, $0.0e+00;
	v31 =	vmax.f32 v37, $0.0e+00;
	v26 =	vld.idx.msk [tilespmem:v44+s20+$0x0], $0xffff  }
0x33c: {  	s16 =	sadd.s32 $0x80, s16;
	v39 =	vmin.f32 v15, $1.000000000e+00;
	v37 =	vmin.f32 v42, $1.000000000e+00;
	v38 =	vsub.f32 v47, v29;
	v15 =	vld.idx.msk [tilespmem:v40+s20+$0x0], $0xffff  }
0x33d: {  	_ =	sdelay $0x3  }
0x33e: {  	v22 =	vld.idx.msk [tilespmem:v22+s20+$0x0], $0xffff  }
0x33f: {  	v36 =	vmin.f32 v36, $1.000000000e+00;
	v33 =	vmul.f32 v39, v33;
	v54 =	vld.idx.msk [tilespmem:v19+s20+$0x0], $0xffff  }
0x340: {  	v35 =	vmin.f32 v35, $1.000000000e+00;
	v5 =	vadd.f32 v10, v5;
	v8 =	vmul.f32 v8, v20;
	v18 =	vld.idx.msk [tilespmem:v18+s20+$0x0], $0xffff  }
0x341: {  	v7 =	vmul.f32 v7, v21;
	v56 =	vmin.f32 v34, $1.000000000e+00;
	v17 =	vld.idx.msk [tilespmem:v17+s20+$0x0], $0xffff;
	v55 =	vadd.f32 v33, v28  }
0x342: {  	v9 =	vmul.f32 v9, v23;
	v6 =	vmul.f32 v6, v27;
	[tilespmem:s30+$0x20] =	vst v5;
	v8 =	vadd.f32 v8, v13  }
0x343: {  	v63 =	vmin.f32 v31, $1.000000000e+00;
	v7 =	vadd.f32 v7, v11;
	v5 =	vsub.f32 v30, v15;
	[tilespmem:s0+$0xFFFFFFC0] =	vst v55  }
0x344: {  	v37 =	vmul.f32 v37, v38;
	v60 =	vadd.f32 v9, v12;
	[tilespmem:s29+$0xFFFFFFF0] =	vst v8;
	v61 =	vsub.f32 v24, v54  }
0x345: {  	v6 =	vadd.f32 v6, v14;
	[tilespmem:s29+$0x0] =	vst v7;
	v59 =	vsub.f32 v16, v22;
	v5 =	vmul.f32 v36, v5  }
0x346: {  	v57 =	vadd.f32 v37, v29;
	[tilespmem:s29+$0x10] =	vst v60;
	v62 =	vsub.f32 v26, v17;
	v9 =	vmul.f32 v56, v61  }
0x347: {  	[tilespmem:s29+$0x20] =	vst v6;
	v7 =	vsub.f32 v25, v18;
	v11 =	vmul.f32 v35, v59;
	v5 =	vadd.f32 v5, v15  }
0x348: {  	v58 =	vmin.f32 v32, $1.000000000e+00;
	s26 =	sadd.s32 $0x1, s26;
	[tilespmem:s0+$0xFFFFFFD0] =	vst v57;
	v8 =	vmul.f32 v63, v62;
	v6 =	vadd.f32 v9, v54  }
0x349: {  	p0 =	sne.s32 s26, $0x10;
	[tilespmem:s0+$0xFFFFFFE0] =	vst v5;
	v5 =	vmul.f32 v58, v7;
	v7 =	vadd.f32 v11, v22  }
.Ltmp10:
0x34a: {  	[tilespmem:s0+$0x0] =	vst v6;
	v6 =	vadd.f32 v8, v17;
	(pc) =	sbr.rel @p0 .LBB2_18-.Ltmp10, $4  }
0x34b: {  	s1 =	sor.u32 s6, s28;
	[tilespmem:s0+$0xFFFFFFF0] =	vst v7;
	v5 =	vadd.f32 v5, v18  }
0x34c: {  	s1 =	sshrl.u32 s1, $0x3;
	[tilespmem:s0+$0x20] =	vst v6  }
0x34d: {  	s31 =	sadd.s32 s4, s1;
	[tilespmem:s0+$0x10] =	vst v5  }
0x34e: {  	[hbm4b:s31+s2] =	stream.linear.scatter [tilespmem:s22], [sflag:$0x4], $0x2000, $0x38;
	[tilespmem:$0x12980] =	vst v63  }
0x34f: {  	s25 =	sadd.s32 $0x1, s25  }
0x350: {  	_ =	swait.ge [sflag:s23], $0x2000;
	p0 =	sne.s32 s25, s11  }
.Ltmp11:
0x351: {  	[sflag:s23] =	ssyncset.done $0x0;
	(pc) =	sbr.rel @p0 .LBB2_1-.Ltmp11, $4  }
0x352: {  	[sflag:s23] =	ssyncadd.s32 $0xFFFFE000  }
0x353: {  	_ =	swait.ge [sflag:s24], $0x2000  }
0x354: {  	[sflag:s24] =	ssyncset.done $0x0  }
0x355: {  	[sflag:s24] =	ssyncadd.s32 $0xFFFFE000  }
0x356: {  	_ =	sfence.sel $0x180000  }
0x357: {  	[bflag:$0x0] =	sbarrier.arrive $0xFFFF  }
0x358: {  	_ =	strace $0x9000004A  }
0x359: {  	s0 =	stileid.u32;
	[bflag:$0x2] =	sbarrier.arrive $0xFFFF  }
0x35a: {  	p0 =	sne.s32 s0, $0x0;
	s0 =	rddreg [dreg:$0x1]  }
0x35b: {  	s0 =	sadd.s32 @!p0 $0x100000, s0  }
0x35c: {  	[sflag:s0] =	ssyncadd.tile.s32 @!p0 $0x1;
	_ =	shalt  }
.Lfunc_end2:
_tile_overlayer_lowered:
.L_overlay_start_2:
0x35d: {  	(tag) =	ssettag $0x2  }
0x35e: {  	s0 =	rddreg [dreg:$0x0];
	s2 =	stileid.u32  }
0x35f: {  	s1 =	rddreg [dreg:$0x1];
	p0 =	sne.s32 s2, $0x0  }
0x360: {  	s3 =	rddreg [dreg:$0x2];
	[bflag:$0x3] =	sbarrier.arrive $0xFFFF;
	s2 =	simm.s32 @!p0 $0x1C05  }
0x361: {  	[timem:s3], [sflag:s2] =	dma.local @!p0 [hbm:s0], s1  }
0x362: {  	s0 =	simm.s32 @!p0 $0x5  }
0x363: {  	_ =	swait.ge @!p0 [sflag:s0], s1  }
0x364: {  	s1 =	ssub.s32 @!p0 $0x0, s1;
	[sflag:s0] =	ssyncset.done @!p0 $0x0  }
0x365: {  	[sflag:s0] =	ssyncadd.s32 @!p0 s1  }
0x366: {  	[bflag:$0x3] =	sbarrier.arrive $0xFFFF  }
0x367: {  	_ =	shalt  }

// kernel: sparse-core-data-format-call.cloned.1.call-start
scs
called_computation_lowered:
.L_overlay_start_0:
0x0: {  	s1 =	sld [smem:$0x3FD9]  }
0x1: {  	s2 =	sld [smem:$0x3FFE];
	_ =	sdelay $0x1  }
0x2: {  	s3 =	srdreg.scid  }
0x3: {  	s0 =	sand.u32 $0x1, s3  }
0x4: {  	s17 =	sshll.u32 s0, $0xA;
	s1 =	sadd.s32 s2, s1  }
0x5: {  	s1 =	sadd.s32 s1, s17  }
0x6: {  	[smem:$0x3FC7] =	sst s1  }
0x7: {  	_ = 	snop  }
0x8: {  	(tm) =	ssettm $0x1  }
0x9: {  	s18 =	sld [smem:$0x3FFB];
	_ =	sdelay $0x3  }
0xa: {  	_ =	strace s18  }
0xb: {  	s1 =	sld [smem:$0x3FFC];
	_ =	sdelay $0x3  }
0xc: {  	_ =	strace s1  }
0xd: {  	s1 =	sld [smem:$0x3FFD];
	_ =	sdelay $0x3  }
0xe: {  	_ =	strace s1  }
0xf: {  	_ =	strace $0x8FFFFFFF  }
0x10: {  	s19 =	sld [smem:$0x3FDB];
	_ =	sdelay $0x1  }
0x11: {  	s20 =	simm.s32 $_scs_section_size  }
0x12: {  	s4 =	simm.s32 $_size__tile_overlayer_lowered;
	s5 =	simm.s32 $_tile_overlayer_lowered  }
0x13: {  	s23 =	simm.s32 $0x1BFF;
	s22 =	sshll.u32 s5, $0x1;
	s1 =	sadd.s32 s20, s19  }
0x14: {  	s6 =	simm.s32 $0x0;
	s21 =	sshll.u32 s4, $0x1;
	s4 =	sadd.s32 s22, s1  }
0x15: {  	[timem:s6], [sflag:s23] =	dma.local [hbm:s4], s21  }
0x16: {  	_ =	swait.ge [sflag:s23], s21  }
0x17: {  	s2 =	ssub.s32 $0x0, s21;
	[sflag:s23] =	ssyncset.done $0x0  }
0x18: {  	[sflag:s23] =	ssyncadd.s32 s2;
	_ =	sdelay $0x1  }
0x19: {  	s24 =	simm.s32 $0x1B8B  }
0x1a: {  	_ =	swait.ge [sflag:s24], $0x1  }
0x1b: {  	[sflag:s24] =	ssyncset.done $0x0  }
0x1c: {  	s26 =	simm.s32 $0x1B8E;
	s25 =	sld [smem:$0x3FFE];
	[sflag:s24] =	ssyncadd.s32 $0xFFFFFFFF  }
0x1d: {  	s27 =	simm.s32 $execute0_lowered;
	[smem:$0x3FD2] =	sst s26  }
0x1e: {  	s4 =	sshll.u32 s27, $0x1;
	_ =	strace $0x80000046;
	[dreg:$0x1] =	wrdreg $0xFFFFFFFF  }
0x1f: {  	s28 =	simm.s32 $_size_execute0_lowered;
	s1 =	sadd.s32 s1, s4;
	[dreg:$0x0] =	wrdreg $0x0  }
0x20: {  	s4 =	sshll.u32 s28, $0x1;
	[dreg:$0x2] =	wrdreg s1  }
0x21: {  	[dreg:$0x3] =	wrdreg s4  }
0x22: {  	[dreg:$0x4] =	wrdreg $0xC0  }
0x23: {  	_ =	task [dreg:s6], $0x5FFFF  }
0x24: {  	[dreg:$0x1] =	wrdreg $0xFFFFFFFF  }
0x25: {  	[dreg:$0x0] =	wrdreg $0x60  }
0x26: {  	[dreg:$0x2] =	wrdreg s25  }
0x27: {  	[dreg:$0x3] =	wrdreg $0x9  }
0x28: {  	_ =	task.clear_ibuf [dreg:s6], $0x4FFFF;
	_ =	strace $0x90000046  }
0x29: {  	s29 =	simm.s32 $0x9;
	_ =	strace $0x80000048  }
0x2a: {  	_ =	swait.ge [sflag:s29], $0x1  }
0x2b: {  	[sflag:s29] =	ssyncadd.s32 $0xFFFFFFFF  }
0x2c: {  	_ =	strace $0x90000048  }
0x2d: {  	_ =	sfence  }
0x2e: {  	s30 =	sld [smem:$0x0];
	_ =	sdelay $0x2  }
0x2f: {  	s31 =	sshll.u32 s3, $0xD;
	s3 =	sshrl.u32 s3, $0x2  }
0x30: {  	s2 =	sand.u32 $0x4000, s31;
	s1 =	sadd.s32 s3, s30  }
0x31: {  	s0 =	sor.u32 s2, s0;
	s1 =	sshll.u32 s1, $0x11  }
0x32: {  	s0 =	sor.u32 s1, s0  }
0x33: {  	s0 =	sadd.s32 $0x8F2B, s0  }
0x34: {  	[sflag:s0] =	ssyncadd.remote.s32 $0x1  }
0x35: {  	_ =	sfence.sel $0xFFFF  }
0x36: {  	[dreg:$0x0] =	wrdreg $0xFFFFFFFF;
	(pc) =	sbr.abs _section_cstart, $3  }
0x37: {  	[dreg:$0x1] =	wrdreg $0xFFFFFFFF  }
0x38: {  	_ =	task.clear_ibuf [dreg:s6], $0x2FFFF;
	_ =	strace $0x9FFFFFFF  }
0x39: {  	(tm) =	ssettm $0x7FFFFFFF  }
tec
execute0_lowered:
.L_overlay_start_1:
0x0: {  	(tag) =	ssettag $0x1  }
0x1: {  	s0 =	srdreg.scid  }
0x2: {  	s1 =	sshll.u32 s0, $0x4  }
0x3: {  	s4 =	rddreg [dreg:$0x0];
	s0 =	stileid.u32;
	s1 =	sand.u32 $0x10, s1  }
0x4: {  	s7 =	simm.s32 $0x1;
	s8 =	simm.s32 $0x2;
	s2 =	sor.u32 s0, s1  }
0x5: {  	s9 =	simm.s32 $0x0;
	s12 =	simm.s32 $0x0;
	s2 =	sshll.u32 s2, $0x2  }
0x6: {  	s11 =	simm.s32 $0x0;
	s3 =	sadd.s32 $0x240600, s4;
	s6 =	ssub.s32 $0xC00, s2  }
.Ltmp0:
0x7: {  	s4 =	sadd.s32 $0x600, s4;
	s5 =	sand.u32 $0x7C, s6;
	(pc) =	sbr.rel .LBB1_1-.Ltmp0, $4  }
0x8: {  	s1 =	rddreg [dreg:$0x1];
	_ =	strace $0x80000047;
	p0 =	sne.s32 s5, $0x0  }
0x9: {  	s6 =	sshrl.u32 s6, $0x7;
	s5 =	simm.s32 $0x1;
	s7 =	simm.s32 @!p0 $0x0  }
0xa: {  	s10 =	smov.u32 s2;
	[sflag:s5] =	ssyncpa.u1 $0x0;
	s6 =	sadd.s32 s7, s6  }
0xb: {  	[sflag:s8] =	ssyncpa.u1 $0x0;
	s8 =	simm.s32 $0x0;
	s7 =	sadd.s32 $0x1, s6  }
.LBB1_9:
0xc: {  	s14 =	sadd.s32 $0x80, s10  }
0xd: {  	p1 =	sgt.s32 s14, $0xBFF  }
0xe: {  	s14 =	smov.u32 @p1 s2;
	p1 =	sne.s32 s11, s7  }
.Ltmp1:
0xf: {  	p0 =	slt.u32 s11, $0x2;
	(pc) =	sbr.rel @!p1 .LBB1_10-.Ltmp1, $4  }
0x10: {  	s13 =	simm.s32 @!p0 $0x2  }
0x11: {  	s15 =	sadd.s32 $0x1, s11;
	_ =	swait.ge @!p0 [sflag:s13], $0x4000  }
0x12: {  	s12 =	smov.u32 s10;
	s9 =	sadd.s32 $0x4000, s9;
	[sflag:s13] =	ssyncset.done @!p0 $0x0  }
0x13: {  	s11 =	smov.u32 s15;
	s10 =	smov.u32 s14;
	[sflag:s13] =	ssyncadd.s32 @!p0 $0xFFFFC000  }
.LBB1_1:
0x14: {  	p0 =	sge.u32 s11, s6  }
0x15: {  	s13 =	sxor.u32 @!p0 $0xFFFFFFFF, s11  }
0x16: {  	s31 =	sadd.s32 $0xFFFFFFFF, s11;
	s14 =	sshll.u32 @!p0 s10, $0x9;
	s13 =	sshll.u32 @!p0 s13, $0xE  }
0x17: {  	s15 =	simm.s32 @!p0 $0x0;
	s14 =	sadd.s32 @!p0 s3, s14;
	s13 =	sand.u32 @!p0 $0x4000, s13  }
0x18: {  	[tilespmem:s13], [sflag:$0x1] =	stream.linear.gather @!p0 [hbm4b:s14+s15], $0x4000, $0x38;
	[tilespmem:$0x10000] =	vst v63  }
0x19: {  	p0 =	sge.u32 s31, s6  }
.Ltmp2:
0x1a: {  	_ = 	snop;
	(pc) =	sbr.rel @p0 .LBB1_9-.Ltmp2, $1  }
0x1b: {  	_ =	sdelay $0x3  }
0x1c: {  	s14 =	sand.u32 $0x4000, s9  }
0x1d: {  	_ =	swait.ge [sflag:s5], $0x4000;
	s15 =	sshll.u32 s11, $0xE;
	s16 =	simm.s32 $0x0  }
0x1e: {  	s13 =	sor.u32 $0x40, s14;
	[sflag:s5] =	ssyncset.done $0x0;
	s15 =	sand.u32 $0x4000, s15  }
0x1f: {  	s14 =	sor.u32 $0x8040, s14;
	[sflag:s5] =	ssyncadd.s32 $0xFFFFC000;
	s15 =	sor.u32 $0x8000, s15  }
.LBB1_3:
0x20: {  	s17 =	smov.u32 s14;
	s18 =	smov.u32 s13;
	s19 =	simm.s32 $0x0  }
.LBB1_4:
0x21: {  	v0 =	vmov s17;
	v2 =	vld [tilespmem:s18+$0x30]  }
0x22: {  	v4 =	vld [tilespmem:s18+$0xFFFFFFD0]  }
0x23: {  	v6 =	vld [tilespmem:s18+$0xFFFFFFE0]  }
0x24: {  	v7 =	vld [tilespmem:s18+$0xFFFFFFF0]  }
0x25: {  	s20 =	simm.s32 $0x0;
	v1 =	vld [tilespmem:s18+$0x0]  }
0x26: {  	v3 =	vld [tilespmem:s18+$0x10];
	[tilespmem:v0+s20+$0x30 ss:$0x1] =	vst.idx.msk $0xffff, v2  }
0x27: {  	v5 =	vld [tilespmem:s18+$0x20];
	[tilespmem:v0+s20+$0xFFFFFFD0 ss:$0x1] =	vst.idx.msk $0xffff, v4  }
0x28: {  	s21 =	sadd.s32 $0x80, s18;
	v2 =	vld [tilespmem:s18+$0xFFFFFFC0];
	[tilespmem:v0+s20+$0xFFFFFFE0 ss:$0x1] =	vst.idx.msk $0xffff, v6  }
0x29: {  	s22 =	simm.s32 $0x800;
	s23 =	simm.s32 $0x1000;
	v4 =	vld [tilespmem:s21+$0x30];
	[tilespmem:v0+s20+$0xFFFFFFF0 ss:$0x1] =	vst.idx.msk $0xffff, v7  }
.LBB1_5:
0x2a: {  	p0 =	sne.s32 s23, $0x3800;
	v6 =	vld [tilespmem:s21+$0xFFFFFFD0];
	[tilespmem:v0+s20+$0x0 ss:$0x1] =	vst.idx.msk $0xffff, v1  }
0x2b: {  	v7 =	vld [tilespmem:s21+$0xFFFFFFE0];
	[tilespmem:v0+s20+$0x10 ss:$0x1] =	vst.idx.msk $0xffff, v3  }
0x2c: {  	v8 =	vld [tilespmem:s21+$0xFFFFFFF0];
	[tilespmem:v0+s20+$0x20 ss:$0x1] =	vst.idx.msk $0xffff, v5  }
.Ltmp3:
0x2d: {  	v1 =	vld [tilespmem:s21+$0x0];
	[tilespmem:v0+s20+$0xFFFFFFC0 ss:$0x1] =	vst.idx.msk $0xffff, v2;
	s20 =	sshra.s32 s22, $0x2;
	s22 =	smov.u32 s23;
	(pc) =	sbr.rel @p0 .LBB1_5-.Ltmp3, $4  }
0x2e: {  	v3 =	vld [tilespmem:s21+$0x10];
	[tilespmem:v0+s20+$0x30 ss:$0x1] =	vst.idx.msk $0xffff, v4  }
0x2f: {  	[tilespmem:v0+s20+$0xFFFFFFD0 ss:$0x1] =	vst.idx.msk $0xffff, v6;
	v5 =	vld [tilespmem:s21+$0x20]  }
0x30: {  	v2 =	vld [tilespmem:s21+$0xFFFFFFC0];
	[tilespmem:v0+s20+$0xFFFFFFE0 ss:$0x1] =	vst.idx.msk $0xffff, v7;
	s21 =	sadd.s32 $0x80, s21  }
0x31: {  	s23 =	sadd.s32 $0x800, s23;
	v4 =	vld [tilespmem:s21+$0x30];
	[tilespmem:v0+s20+$0xFFFFFFF0 ss:$0x1] =	vst.idx.msk $0xffff, v8  }
0x32: {  	_ =	sdelay $0x3  }
0x33: {  	v6 =	vld [tilespmem:s21+$0xFFFFFFD0];
	[tilespmem:v0+s20+$0x0 ss:$0x1] =	vst.idx.msk $0xffff, v1  }
0x34: {  	v58 =	vld [tilespmem:s21+$0xFFFFFFE0];
	[tilespmem:v0+s20+$0x10 ss:$0x1] =	vst.idx.msk $0xffff, v3  }
0x35: {  	v59 =	vld [tilespmem:s21+$0xFFFFFFF0];
	[tilespmem:v0+s20+$0x20 ss:$0x1] =	vst.idx.msk $0xffff, v5  }
0x36: {  	s22 =	sshra.s32 s22, $0x2;
	v60 =	vld [tilespmem:s21+$0x0];
	[tilespmem:v0+s20+$0xFFFFFFC0 ss:$0x1] =	vst.idx.msk $0xffff, v2  }
0x37: {  	v61 =	vld [tilespmem:s21+$0x10];
	[tilespmem:v0+s22+$0x30 ss:$0x1] =	vst.idx.msk $0xffff, v4  }
0x38: {  	v62 =	vld [tilespmem:s21+$0x20];
	s19 =	sadd.s32 $0x1, s19;
	[tilespmem:v0+s22+$0xFFFFFFD0 ss:$0x1] =	vst.idx.msk $0xffff, v6  }
0x39: {  	v63 =	vld [tilespmem:s21+$0xFFFFFFC0];
	p0 =	sne.s32 s19, $0x4;
	[tilespmem:v0+s22+$0xFFFFFFE0 ss:$0x1] =	vst.idx.msk $0xffff, v58  }
.Ltmp4:
0x3a: {  	[tilespmem:v0+s22+$0xFFFFFFF0 ss:$0x1] =	vst.idx.msk $0xffff, v59;
	(pc) =	sbr.rel @p0 .LBB1_4-.Ltmp4, $4  }
0x3b: {  	[tilespmem:v0+s22+$0x0 ss:$0x1] =	vst.idx.msk $0xffff, v60  }
0x3c: {  	[tilespmem:v0+s22+$0x10 ss:$0x1] =	vst.idx.msk $0xffff, v61  }
0x3d: {  	[tilespmem:v0+s22+$0x20 ss:$0x1] =	vst.idx.msk $0xffff, v62  }
0x3e: {  	s18 =	sadd.s32 $0x400, s18;
	s17 =	sadd.s32 $0x80, s17;
	[tilespmem:v0+s22+$0xFFFFFFC0 ss:$0x1] =	vst.idx.msk $0xffff, v63  }
0x3f: {  	s16 =	sadd.s32 $0x1, s16  }
0x40: {  	p0 =	sne.s32 s16, $0x4  }
.Ltmp5:
0x41: {  	_ = 	snop;
	(pc) =	sbr.rel @p0 .LBB1_3-.Ltmp5, $2  }
0x42: {  	_ =	sdelay $0x2  }
0x43: {  	s13 =	sadd.s32 $0x1000, s13;
	s14 =	sadd.s32 $0x1000, s14  }
.Ltmp6:
0x44: {  	(pc) =	sbr.rel .LBB1_9-.Ltmp6, $4  }
0x45: {  	_ = 	snop  }
0x46: {  	s12 =	sshll.u32 s12, $0x9  }
0x47: {  	s12 =	sadd.s32 s4, s12  }
0x48: {  	[hbm4b:s12+s8] =	stream.linear.scatter [tilespmem:s15], [sflag:$0x2], $0x4000, $0x38;
	[tilespmem:$0x10000] =	vst v63  }
.LBB1_10:
0x49: {  	_ =	sfence.sel $0x180000  }
0x4a: {  	s2 =	simm.s32 $0x1;
	[bflag:$0x0] =	sbarrier.arrive $0xFFFF  }
0x4b: {  	s31 =	simm.s32 $0x2;
	[sflag:s2] =	ssyncpa.u1 $0x1  }
0x4c: {  	[sflag:s31] =	ssyncpa.u1 $0x1  }
0x4d: {  	p0 =	sne.s32 s0, $0x0;
	_ =	strace $0x90000047  }
0x4e: {  	s0 =	sadd.s32 @!p0 $0x100000, s1;
	[bflag:$0x2] =	sbarrier.arrive $0xFFFF  }
0x4f: {  	[sflag:s0] =	ssyncadd.tile.s32 @!p0 $0x1;
	_ =	shalt  }
.Lfunc_end1:
_tile_overlayer_lowered:
.L_overlay_start_2:
0x50: {  	(tag) =	ssettag $0x2  }
0x51: {  	s0 =	rddreg [dreg:$0x0];
	s2 =	stileid.u32  }
0x52: {  	s1 =	rddreg [dreg:$0x1];
	p0 =	sne.s32 s2, $0x0  }
0x53: {  	s3 =	rddreg [dreg:$0x2];
	[bflag:$0x3] =	sbarrier.arrive $0xFFFF;
	s2 =	simm.s32 @!p0 $0x1C01  }
0x54: {  	[timem:s3], [sflag:s2] =	dma.local @!p0 [hbm:s0], s1  }
0x55: {  	s0 =	simm.s32 @!p0 $0x1  }
0x56: {  	_ =	swait.ge @!p0 [sflag:s0], s1  }
0x57: {  	s1 =	ssub.s32 @!p0 $0x0, s1;
	[sflag:s0] =	ssyncset.done @!p0 $0x0  }
0x58: {  	[sflag:s0] =	ssyncadd.s32 @!p0 s1  }
0x59: {  	[bflag:$0x3] =	sbarrier.arrive $0xFFFF  }
0x5a: {  	_ =	shalt  }

</sc_bundles>
